<compile_context>
chip_gen: v7x
topology: tpu7x:2x2x1
jax: 0.10.2.dev20260603
libtpu: 0.0.44.dev20260713+nightly
codegen_flags: <defaults>
</compile_context>

<pallas_src>
import functools

import jax
import jax.numpy as jnp
from jax import lax
from jax.experimental import pallas as pl
from jax.experimental.pallas import tpu as pltpu
from jax.experimental.pallas import tpu_sc as plsc

_V, _B, _C, _H, _W = 4, 8, 5, 512, 512
_HW = _H * _W
_Q = 85.0
_MIN_AREA = 0.01
_IGNORE = -1
_G = 2
_NC = _V * _B // _G

_NPIX = _B * _H * _W
_NWORK = 32
_PERW = _NPIX // _NWORK
_CHUNK = 8192
_NCHUNK = _PERW // _CHUNK


def _count_body(pred_ref, lab_ref, mask_ref, flat_ref, cnt_ref):
    flat_ref[...] = lab_ref[0].reshape(_H // 2 * _W)
    step = pl.program_id(0)
    sub = jax.lax.broadcasted_iota(jnp.int32, (8, 128), 0)
    lane = jax.lax.broadcasted_iota(jnp.int32, (8, 128), 1)

    for g in range(_G):
        x0 = pred_ref[5 * g + 0]
        x1 = pred_ref[5 * g + 1]
        x2 = pred_ref[5 * g + 2]
        x3 = pred_ref[5 * g + 3]
        x4 = pred_ref[5 * g + 4]
        p2 = jnp.maximum(x0, x1)
        p3 = jnp.maximum(p2, x2)
        p4 = jnp.maximum(p3, x3)
        s3 = jnp.maximum(x3, x4)
        s2 = jnp.maximum(x2, s3)
        s1 = jnp.maximum(x1, s2)
        g1 = jnp.sum((s1 > x0).astype(jnp.float32))
        g2 = jnp.sum((s2 > p2).astype(jnp.float32))
        g3 = jnp.sum((s3 > p3).astype(jnp.float32))
        g4 = jnp.sum((x4 > p4).astype(jnp.float32))
        vec = jnp.zeros((8, 128), jnp.float32)
        for k, gk in enumerate((g1, g2, g3, g4)):
            vec = jnp.where((sub == 0) & (lane == k), gk, vec)
        cnt_ref[pl.ds(_G * step + g, 1)] = vec[None]

    @pl.when(step == _NC - 1)
    def _stats():
        cnts = []
        for v in range(_V):
            vb = jnp.zeros((8, 128), jnp.float32)
            for b in range(_B):
                vb = vb + pltpu.roll(cnt_ref[v * _B + b], b, 0)
            r = pltpu.roll(vb, 1, 1)
            cnt_v = jnp.where(lane == 0, float(_HW) - vb, r - vb)
            cnt_v = jnp.where(lane < _C, cnt_v, 0.0)
            cnts.append(cnt_v)
        mean = (cnts[0] + cnts[1] + cnts[2] + cnts[3]) * 0.25
        d0 = cnts[0] - mean
        d1 = cnts[1] - mean
        d2 = cnts[2] - mean
        d3 = cnts[3] - mean
        var = (((d0 * d0 + d1 * d1) + d2 * d2) + d3 * d3) * (1.0 / 3.0)
        scores = jnp.where(mean == 0.0, 0.0,
                           jnp.sqrt(var) / (mean + 1e-08))
        sig = (mean * (1.0 / _HW) > _MIN_AREA) & (lane >= 1) & (lane < _C)
        vals = jnp.where(sig, scores, jnp.float32(-jnp.inf))
        posv = sub * _C + lane
        n = jnp.sum(sig.astype(jnp.float32))
        pos = (_Q / 100.0) * jnp.maximum(n - 1.0, 0.0)
        lo = jnp.floor(pos)
        hi = jnp.ceil(pos)
        frac = pos - lo
        big = jnp.int32(1 << 30)

        def _knock(vv):
            m = jnp.max(vv)
            p = jnp.min(jnp.where(vv == m, posv, big))
            return m, jnp.where(posv == p, jnp.float32(-jnp.inf), vv)

        t = (n - 1.0 - hi).astype(jnp.int32)
        vals_t = jax.lax.fori_loop(
            0, t, lambda k, vv: _knock(vv)[1], vals)
        s_hi, vals_r = _knock(vals_t)
        s_lo = jnp.where(hi > lo, jnp.max(vals_r), s_hi)
        val = s_lo * (1.0 - frac) + s_hi * frac
        thr = jnp.where(n > 0, val, jnp.float32(jnp.inf))
        an = ((scores > thr) & sig).astype(jnp.int32)
        sh = 5 * jnp.where(sub < 4, sub, sub - 4) + lane
        w = jnp.where(lane < _C, jnp.left_shift(1, sh), 0)
        m_lo = jnp.sum(jnp.where(sub < 4, an * w, 0))
        m_hi = jnp.sum(jnp.where(sub >= 4, an * w, 0))
        mask_ref[...] = jnp.where(
            sub < 4,
            jnp.right_shift(m_lo, 5 * sub),
            jnp.right_shift(m_hi, 5 * (sub - 4))) & 31


_sc_mesh = plsc.VectorSubcoreMesh(core_axis_name="c", subcore_axis_name="s")


@functools.partial(
    pl.kernel, mesh=_sc_mesh,
    out_type=jax.ShapeDtypeStruct((_NPIX,), jnp.int32),
    scratch_types=[
        pltpu.VMEM((128,), jnp.int32),
        pltpu.VMEM((_CHUNK,), jnp.int32),
        pltpu.VMEM((_CHUNK,), jnp.int32),
        pltpu.VMEM((_CHUNK,), jnp.int32),
        pltpu.VMEM((_CHUNK,), jnp.int32),
        pltpu.SemaphoreType.DMA,
        pltpu.SemaphoreType.DMA,
        pltpu.SemaphoreType.DMA,
        pltpu.SemaphoreType.DMA,
    ],
)
def _sc_rewrite(lab_hbm, mask_hbm, out_hbm, mrow_v,
                in0, in1, ou0, ou1, si0, si1, so0, so1):
    wid = lax.axis_index("s") * 2 + lax.axis_index("c")
    base = wid * _PERW
    b = wid // (_NWORK // _B)
    pltpu.sync_copy(mask_hbm.at[b], mrow_v)
    m = mrow_v[pl.ds(0, 16)]

    inb = (in0, in1)
    oub = (ou0, ou1)
    sin = (si0, si1)
    sou = (so0, so1)
    hin = [None, None]
    hout = [None, None]

    hin[0] = pltpu.async_copy(
        lab_hbm.at[pl.ds(base, _CHUNK)], inb[0], sin[0])
    for ci in range(_NCHUNK):
        s = ci % 2
        if ci + 1 < _NCHUNK:
            hin[(ci + 1) % 2] = pltpu.async_copy(
                lab_hbm.at[pl.ds(base + (ci + 1) * _CHUNK, _CHUNK)],
                inb[(ci + 1) % 2], sin[(ci + 1) % 2])
        hin[s].wait()
        if ci >= 2:
            hout[s].wait()
        src = inb[s]
        dst = oub[s]

        def _vec(j, _):
            for u in range(8):
                v = src[pl.ds((8 * j + u) * 16, 16)]
                dst[pl.ds((8 * j + u) * 16, 16)] = (
                    v | -(jnp.right_shift(m, v) & 1))
            return 0

        lax.fori_loop(0, _CHUNK // 128, _vec, 0)
        hout[s] = pltpu.async_copy(
            dst, out_hbm.at[pl.ds(base + ci * _CHUNK, _CHUNK)], sou[s])
    hout[0].wait()
    hout[1].wait()


def kernel(predictions_list, pseudo_labels_to_modify):
    preds = predictions_list.reshape(_V * _B * _C, _H, _W)
    masks, flat_lab = pl.pallas_call(
        _count_body,
        grid=(_NC,),
        in_specs=[
            pl.BlockSpec((_C * _G, _H, _W), lambda s: (s, 0, 0)),
            pl.BlockSpec((1, _H // 2, _W), lambda s: (s // 2, s % 2, 0)),
        ],
        out_specs=[
            pl.BlockSpec((8, 128), lambda s: (0, 0)),
            pl.BlockSpec((_H // 2 * _W,), lambda s: (s,)),
        ],
        out_shape=[
            jax.ShapeDtypeStruct((8, 128), jnp.int32),
            jax.ShapeDtypeStruct((_NPIX,), jnp.int32),
        ],
        scratch_shapes=[pltpu.VMEM((_V * _B, 8, 128), jnp.float32)],
    )(preds, pseudo_labels_to_modify)
    flat = _sc_rewrite(flat_lab, masks)
    return flat.reshape(_B, _H, _W)

# --- scband reference (transcript-rebuilt; emitter-appended) ---
"""Pipeline reference for scband-cross-view-anomaly-detector-82738249990419 (READ-ONLY COPY).

The authoritative reference and input builder live on the scoring server;
editing this copy changes nothing except your own understanding.
"""

import jax, jax.numpy as jnp
import numpy as np

V, B, C, H, W = 4, 8, 5, 512, 512
NUM_CLASSES = 5
Q = 85.0
MIN_AREA = 0.01
IGNORE = -1
BG = 0


def setup_inputs(seed: int = 0) -> dict:
    key = jax.random.key(seed)
    k1, k2 = jax.random.split(key)
    predictions_list = jax.random.normal(k1, (V, B, C, H, W), dtype=jnp.float32)
    pseudo_labels_to_modify = jax.random.randint(k2, (B, H, W), 0, NUM_CLASSES).astype(jnp.int32)
    return {"predictions_list": predictions_list, "pseudo_labels_to_modify": pseudo_labels_to_modify}


def _masked_quantile(scores, mask, q):
    # torch.quantile(scores[mask], q) with linear interpolation, trace-safe (no dynamic shapes)
    flat = jnp.where(mask, scores, jnp.inf).reshape(-1)
    s = jnp.sort(flat)
    n = jnp.sum(mask)
    pos = q * jnp.maximum(n - 1, 0).astype(jnp.float32)
    lo = jnp.floor(pos).astype(jnp.int32)
    hi = jnp.ceil(pos).astype(jnp.int32)
    frac = pos - lo.astype(jnp.float32)
    val = s[lo] * (1.0 - frac) + s[hi] * frac
    return jnp.where(n > 0, val, jnp.inf)


def reference(predictions_list, pseudo_labels_to_modify):
    total_pixels = H * W
    counts = []
    for v in range(V):
        hard = jnp.argmax(predictions_list[v], axis=1)  # [B, H, W]
        oh = jax.nn.one_hot(hard, 5, dtype=jnp.float32)  # [B, H, W, 5]
        counts.append(jnp.sum(oh, axis=(1, 2)))  # [B, 5]
    stacked = jnp.stack(counts, axis=2)  # [B, 5, V]
    mean_c = jnp.mean(stacked, axis=2)
    std_c = jnp.std(stacked, axis=2, ddof=1)  # torch.std is unbiased
    scores = std_c / (mean_c + 1e-08)
    scores = jnp.where(mean_c == 0, 0.0, scores)
    sig = (mean_c / total_pixels) > MIN_AREA
    sig = sig.at[:, BG].set(False)
    thr = _masked_quantile(scores, sig, Q / 100.0)
    is_anom = (scores > thr) & sig  # [B, 5]
    labels = pseudo_labels_to_modify
    valid = labels != IGNORE
    safe = jnp.clip(labels, 0, NUM_CLASSES - 1)
    anom_pix = jnp.take_along_axis(is_anom, safe.reshape(B, -1), axis=1).reshape(labels.shape)
    final = jnp.where(valid & anom_pix, IGNORE, labels)
    return final

if __name__ == "__main__":
    import jax
    _d = setup_inputs()
    print(jax.jit(kernel)(*tuple(_d.values())))

</pallas_src>

<mosaic_0001>
#map = affine_map<(d0, d1) -> (0)>
#map1 = affine_map<(d0, d1) -> (0, 0)>
module attributes {stable_mosaic.version = 14 : i64} {
  func.func @_sc_rewrite(%arg0: i32, %arg1: i32, %arg2: memref<2097152xi32, #tpu.memory_space<hbm>>, %arg3: memref<8x128xi32, #tpu.memory_space<hbm>>, %arg4: memref<2097152xi32, #tpu.memory_space<hbm>>, %arg5: memref<128xi32, #tpu.memory_space<vmem>>, %arg6: memref<8192xi32, #tpu.memory_space<vmem>>, %arg7: memref<8192xi32, #tpu.memory_space<vmem>>, %arg8: memref<8192xi32, #tpu.memory_space<vmem>>, %arg9: memref<8192xi32, #tpu.memory_space<vmem>>, %arg10: memref<!tpu.dma_semaphore, #tpu.memory_space<semaphore_mem>>, %arg11: memref<!tpu.dma_semaphore, #tpu.memory_space<semaphore_mem>>, %arg12: memref<!tpu.dma_semaphore, #tpu.memory_space<semaphore_mem>>, %arg13: memref<!tpu.dma_semaphore, #tpu.memory_space<semaphore_mem>>) attributes {dimension_semantics = [#tpu.dimension_semantics<core_parallel>, #tpu.dimension_semantics<subcore_parallel>], iteration_bounds = array<i64: 2, 16>, scalar_prefetch = 0 : i64, scratch_operands = 9 : i64, tpu.core_type = #tpu.core_type<sc_vector_subcore>, window_params = [{transform_indices = #map}, {transform_indices = #map1}, {transform_indices = #map}]} {
    %mul3A = arith.constant 2 : i32
    %mul3A_0 = arith.muli %arg1, %mul3A : i32
    %add3A = arith.addi %mul3A_0, %arg0 : i32
    %mul3A_1 = arith.constant 65536 : i32
    %mul3A_2 = arith.muli %add3A, %mul3A_1 : i32
    %jit3A = arith.constant 4 : i32
    %div3A = arith.divsi %add3A, %jit3A : i32
    %sign3A = arith.constant 0 : i32
    %sign3A_3 = arith.cmpi sgt, %add3A, %sign3A : i32
    %sign3A_4 = arith.extui %sign3A_3 : i1 to i32
    %sign3A_5 = arith.constant 0 : i32
    %sign3A_6 = arith.cmpi slt, %add3A, %sign3A_5 : i32
    %sign3A_7 = arith.extui %sign3A_6 : i1 to i32
    %sign3A_8 = arith.subi %sign3A_4, %sign3A_7 : i32
    %sign3A_9 = arith.constant 0 : i32
    %sign3A_10 = arith.cmpi sgt, %jit3A, %sign3A_9 : i32
    %sign3A_11 = arith.extui %sign3A_10 : i1 to i32
    %sign3A_12 = arith.constant 0 : i32
    %sign3A_13 = arith.cmpi slt, %jit3A, %sign3A_12 : i32
    %sign3A_14 = arith.extui %sign3A_13 : i1 to i32
    %sign3A_15 = arith.subi %sign3A_11, %sign3A_14 : i32
    %ne3A = arith.cmpi ne, %sign3A_8, %sign3A_15 : i32
    %rem3A = arith.remsi %add3A, %jit3A : i32
    %ne3A_16 = arith.constant 0 : i32
    %ne3A_17 = arith.cmpi ne, %rem3A, %ne3A_16 : i32
    %and3A = arith.andi %ne3A, %ne3A_17 : i1
    %sub3A = arith.constant 1 : i32
    %sub3A_18 = arith.subi %div3A, %sub3A : i32
    %select_n3A = arith.select %and3A, %sub3A_18, %div3A : i32
    "tpu.region"() ({
      %run_scoped3A = tpu.sem_alloc : memref<!tpu.dma_semaphore, #tpu.memory_space<semaphore_mem>>
      %dma_start3A_168 = arith.constant 0 : i32
      %dma_start3A_169 = tpu.memref_slice %arg3[%select_n3A, %dma_start3A_168] : memref<8x128xi32, #tpu.memory_space<hbm>> -> memref<1x128xi32, #tpu.memory_space<hbm>>
      %dma_start3A_170 = tpu.memref_squeeze %dma_start3A_169 : memref<1x128xi32, #tpu.memory_space<hbm>> -> memref<128xi32, #tpu.memory_space<hbm>>
      %dma_start3A_171 = arith.constant 0 : i32
      %dma_start3A_172 = tpu.memref_slice %arg3[%select_n3A, %dma_start3A_171] : memref<8x128xi32, #tpu.memory_space<hbm>> -> memref<1x128xi32, #tpu.memory_space<hbm>>
      %dma_start3A_173 = tpu.memref_squeeze %dma_start3A_172 : memref<1x128xi32, #tpu.memory_space<hbm>> -> memref<128xi32, #tpu.memory_space<hbm>>
      tpu.enqueue_dma source(%dma_start3A_173 : memref<128xi32, #tpu.memory_space<hbm>>) target(%arg5 : memref<128xi32, #tpu.memory_space<vmem>>) target_semaphore(%run_scoped3A : memref<!tpu.dma_semaphore, #tpu.memory_space<semaphore_mem>>)
      %dma_wait3A_174 = arith.constant 0 : i32
      %dma_wait3A_175 = tpu.memref_slice %arg3[%select_n3A, %dma_wait3A_174] : memref<8x128xi32, #tpu.memory_space<hbm>> -> memref<1x128xi32, #tpu.memory_space<hbm>>
      %dma_wait3A_176 = tpu.memref_squeeze %dma_wait3A_175 : memref<1x128xi32, #tpu.memory_space<hbm>> -> memref<128xi32, #tpu.memory_space<hbm>>
      %dma_wait3A_177 = arith.constant 0 : i32
      %dma_wait3A_178 = tpu.memref_slice %arg3[%select_n3A, %dma_wait3A_177] : memref<8x128xi32, #tpu.memory_space<hbm>> -> memref<1x128xi32, #tpu.memory_space<hbm>>
      %dma_wait3A_179 = tpu.memref_squeeze %dma_wait3A_178 : memref<1x128xi32, #tpu.memory_space<hbm>> -> memref<128xi32, #tpu.memory_space<hbm>>
      tpu.wait_dma2 semaphore(%run_scoped3A : memref<!tpu.dma_semaphore, #tpu.memory_space<semaphore_mem>>) src(%dma_wait3A_179 : memref<128xi32, #tpu.memory_space<hbm>>) dst(%arg5 : memref<128xi32, #tpu.memory_space<vmem>>)
      tpu.yield
    }) : () -> ()
    %get3A = arith.constant 0 : index
    %get3A_19 = tpu.vector_load %arg5[%get3A] {strides = array<i32>} : memref<128xi32, #tpu.memory_space<vmem>>, vector<16xi32>,
    %get3A_20 = vector.shape_cast %get3A_19 : vector<16xi32> to vector<16xi32>
    %dma_start3A = tpu.memref_slice %arg2[%mul3A_2] : memref<2097152xi32, #tpu.memory_space<hbm>> -> memref<8192xi32, #tpu.memory_space<hbm>>
    %dma_start3A_21 = tpu.memref_slice %arg2[%mul3A_2] : memref<2097152xi32, #tpu.memory_space<hbm>> -> memref<8192xi32, #tpu.memory_space<hbm>>
    tpu.enqueue_dma source(%dma_start3A_21 : memref<8192xi32, #tpu.memory_space<hbm>>) target(%arg6 : memref<8192xi32, #tpu.memory_space<vmem>>) target_semaphore(%arg10 : memref<!tpu.dma_semaphore, #tpu.memory_space<semaphore_mem>>)
    %add3A_22 = arith.constant 8192 : i32
    %add3A_23 = arith.addi %mul3A_2, %add3A_22 : i32
    %dma_start3A_24 = tpu.memref_slice %arg2[%add3A_23] : memref<2097152xi32, #tpu.memory_space<hbm>> -> memref<8192xi32, #tpu.memory_space<hbm>>
    %dma_start3A_25 = tpu.memref_slice %arg2[%add3A_23] : memref<2097152xi32, #tpu.memory_space<hbm>> -> memref<8192xi32, #tpu.memory_space<hbm>>
    tpu.enqueue_dma source(%dma_start3A_25 : memref<8192xi32, #tpu.memory_space<hbm>>) target(%arg7 : memref<8192xi32, #tpu.memory_space<vmem>>) target_semaphore(%arg11 : memref<!tpu.dma_semaphore, #tpu.memory_space<semaphore_mem>>)
    %dma_wait3A = tpu.memref_slice %arg2[%mul3A_2] : memref<2097152xi32, #tpu.memory_space<hbm>> -> memref<8192xi32, #tpu.memory_space<hbm>>
    %dma_wait3A_26 = tpu.memref_slice %arg2[%mul3A_2] : memref<2097152xi32, #tpu.memory_space<hbm>> -> memref<8192xi32, #tpu.memory_space<hbm>>
    tpu.wait_dma2 semaphore(%arg10 : memref<!tpu.dma_semaphore, #tpu.memory_space<semaphore_mem>>) src(%dma_wait3A_26 : memref<8192xi32, #tpu.memory_space<hbm>>) dst(%arg6 : memref<8192xi32, #tpu.memory_space<vmem>>)
    %scan3A = arith.constant 0 : i32
    %scan3A_27 = arith.constant 0 : i32
    %scan3A_28 = arith.constant 64 : i32
    %scan3A_29 = arith.addi %scan3A_27, %scan3A_28 : i32
    %scan3A_30 = arith.constant 1 : i32
    %scan3A_31 = scf.for %scan3A_168 = %scan3A_27 to %scan3A_29 step %scan3A_30 iter_args(%scan3A_169 = %scan3A) -> (i32)  : i32 {
      %mul3A_170 = arith.constant 8 : i32
      %mul3A_171 = arith.muli %mul3A_170, %scan3A_168 : i32
      %add3A_172 = arith.constant 0 : i32
      %add3A_173 = arith.addi %mul3A_171, %add3A_172 : i32
      %mul3A_174 = arith.constant 16 : i32
      %mul3A_175 = arith.muli %add3A_173, %mul3A_174 : i32
      %get3A_176 = arith.index_cast %mul3A_175 : i32 to index
      %get3A_177 = tpu.vector_load %arg6[%get3A_176] {strides = array<i32>} : memref<8192xi32, #tpu.memory_space<vmem>>, vector<16xi32>,
      %get3A_178 = vector.shape_cast %get3A_177 : vector<16xi32> to vector<16xi32>
      %shift_right_arithmetic3A = arith.shrsi %get3A_20, %get3A_178 : vector<16xi32>
      %and3A_179 = arith.constant 1 : i32
      %and3A_180 = vector.broadcast %and3A_179 : i32 to vector<16xi32>
      %and3A_181 = arith.andi %shift_right_arithmetic3A, %and3A_180 : vector<16xi32>
      %neg3A = arith.constant 0 : i32
      %neg3A_182 = vector.broadcast %neg3A : i32 to vector<16xi32>
      %neg3A_183 = arith.subi %neg3A_182, %and3A_181 : vector<16xi32>
      %or3A = arith.ori %get3A_178, %neg3A_183 : vector<16xi32>
      %mul3A_184 = arith.constant 8 : i32
      %mul3A_185 = arith.muli %mul3A_184, %scan3A_168 : i32
      %add3A_186 = arith.constant 0 : i32
      %add3A_187 = arith.addi %mul3A_185, %add3A_186 : i32
      %mul3A_188 = arith.constant 16 : i32
      %mul3A_189 = arith.muli %add3A_187, %mul3A_188 : i32
      %swap3A = arith.index_cast %mul3A_189 : i32 to index
      %swap3A_190 = tpu.vector_load %arg8[%swap3A] {strides = array<i32>} : memref<8192xi32, #tpu.memory_space<vmem>>, vector<16xi32>,
      %swap3A_191 = vector.shape_cast %swap3A_190 : vector<16xi32> to vector<16xi32>
      %swap3A_192 = vector.shape_cast %or3A : vector<16xi32> to vector<16xi32>
      tpu.vector_store %arg8[%swap3A], %swap3A_192 {strides = array<i32>} : memref<8192xi32, #tpu.memory_space<vmem>>, vector<16xi32>,
      %mul3A_193 = arith.constant 8 : i32
      %mul3A_194 = arith.muli %mul3A_193, %scan3A_168 : i32
      %add3A_195 = arith.constant 1 : i32
      %add3A_196 = arith.addi %mul3A_194, %add3A_195 : i32
      %mul3A_197 = arith.constant 16 : i32
      %mul3A_198 = arith.muli %add3A_196, %mul3A_197 : i32
      %get3A_199 = arith.index_cast %mul3A_198 : i32 to index
      %get3A_200 = tpu.vector_load %arg6[%get3A_199] {strides = array<i32>} : memref<8192xi32, #tpu.memory_space<vmem>>, vector<16xi32>,
      %get3A_201 = vector.shape_cast %get3A_200 : vector<16xi32> to vector<16xi32>
      %shift_right_arithmetic3A_202 = arith.shrsi %get3A_20, %get3A_201 : vector<16xi32>
      %and3A_203 = arith.constant 1 : i32
      %and3A_204 = vector.broadcast %and3A_203 : i32 to vector<16xi32>
      %and3A_205 = arith.andi %shift_right_arithmetic3A_202, %and3A_204 : vector<16xi32>
      %neg3A_206 = arith.constant 0 : i32
      %neg3A_207 = vector.broadcast %neg3A_206 : i32 to vector<16xi32>
      %neg3A_208 = arith.subi %neg3A_207, %and3A_205 : vector<16xi32>
      %or3A_209 = arith.ori %get3A_201, %neg3A_208 : vector<16xi32>
      %mul3A_210 = arith.constant 8 : i32
      %mul3A_211 = arith.muli %mul3A_210, %scan3A_168 : i32
      %add3A_212 = arith.constant 1 : i32
      %add3A_213 = arith.addi %mul3A_211, %add3A_212 : i32
      %mul3A_214 = arith.constant 16 : i32
      %mul3A_215 = arith.muli %add3A_213, %mul3A_214 : i32
      %swap3A_216 = arith.index_cast %mul3A_215 : i32 to index
      %swap3A_217 = tpu.vector_load %arg8[%swap3A_216] {strides = array<i32>} : memref<8192xi32, #tpu.memory_space<vmem>>, vector<16xi32>,
      %swap3A_218 = vector.shape_cast %swap3A_217 : vector<16xi32> to vector<16xi32>
      %swap3A_219 = vector.shape_cast %or3A_209 : vector<16xi32> to vector<16xi32>
      tpu.vector_store %arg8[%swap3A_216], %swap3A_219 {strides = array<i32>} : memref<8192xi32, #tpu.memory_space<vmem>>, vector<16xi32>,
      %mul3A_220 = arith.constant 8 : i32
      %mul3A_221 = arith.muli %mul3A_220, %scan3A_168 : i32
      %add3A_222 = arith.constant 2 : i32
      %add3A_223 = arith.addi %mul3A_221, %add3A_222 : i32
      %mul3A_224 = arith.constant 16 : i32
      %mul3A_225 = arith.muli %add3A_223, %mul3A_224 : i32
      %get3A_226 = arith.index_cast %mul3A_225 : i32 to index
      %get3A_227 = tpu.vector_load %arg6[%get3A_226] {strides = array<i32>} : memref<8192xi32, #tpu.memory_space<vmem>>, vector<16xi32>,
      %get3A_228 = vector.shape_cast %get3A_227 : vector<16xi32> to vector<16xi32>
      %shift_right_arithmetic3A_229 = arith.shrsi %get3A_20, %get3A_228 : vector<16xi32>
      %and3A_230 = arith.constant 1 : i32
      %and3A_231 = vector.broadcast %and3A_230 : i32 to vector<16xi32>
      %and3A_232 = arith.andi %shift_right_arithmetic3A_229, %and3A_231 : vector<16xi32>
      %neg3A_233 = arith.constant 0 : i32
      %neg3A_234 = vector.broadcast %neg3A_233 : i32 to vector<16xi32>
      %neg3A_235 = arith.subi %neg3A_234, %and3A_232 : vector<16xi32>
      %or3A_236 = arith.ori %get3A_228, %neg3A_235 : vector<16xi32>
      %mul3A_237 = arith.constant 8 : i32
      %mul3A_238 = arith.muli %mul3A_237, %scan3A_168 : i32
      %add3A_239 = arith.constant 2 : i32
      %add3A_240 = arith.addi %mul3A_238, %add3A_239 : i32
      %mul3A_241 = arith.constant 16 : i32
      %mul3A_242 = arith.muli %add3A_240, %mul3A_241 : i32
      %swap3A_243 = arith.index_cast %mul3A_242 : i32 to index
      %swap3A_244 = tpu.vector_load %arg8[%swap3A_243] {strides = array<i32>} : memref<8192xi32, #tpu.memory_space<vmem>>, vector<16xi32>,
      %swap3A_245 = vector.shape_cast %swap3A_244 : vector<16xi32> to vector<16xi32>
      %swap3A_246 = vector.shape_cast %or3A_236 : vector<16xi32> to vector<16xi32>
      tpu.vector_store %arg8[%swap3A_243], %swap3A_246 {strides = array<i32>} : memref<8192xi32, #tpu.memory_space<vmem>>, vector<16xi32>,
      %mul3A_247 = arith.constant 8 : i32
      %mul3A_248 = arith.muli %mul3A_247, %scan3A_168 : i32
      %add3A_249 = arith.constant 3 : i32
      %add3A_250 = arith.addi %mul3A_248, %add3A_249 : i32
      %mul3A_251 = arith.constant 16 : i32
      %mul3A_252 = arith.muli %add3A_250, %mul3A_251 : i32
      %get3A_253 = arith.index_cast %mul3A_252 : i32 to index
      %get3A_254 = tpu.vector_load %arg6[%get3A_253] {strides = array<i32>} : memref<8192xi32, #tpu.memory_space<vmem>>, vector<16xi32>,
      %get3A_255 = vector.shape_cast %get3A_254 : vector<16xi32> to vector<16xi32>
      %shift_right_arithmetic3A_256 = arith.shrsi %get3A_20, %get3A_255 : vector<16xi32>
      %and3A_257 = arith.constant 1 : i32
      %and3A_258 = vector.broadcast %and3A_257 : i32 to vector<16xi32>
      %and3A_259 = arith.andi %shift_right_arithmetic3A_256, %and3A_258 : vector<16xi32>
      %neg3A_260 = arith.constant 0 : i32
      %neg3A_261 = vector.broadcast %neg3A_260 : i32 to vector<16xi32>
      %neg3A_262 = arith.subi %neg3A_261, %and3A_259 : vector<16xi32>
      %or3A_263 = arith.ori %get3A_255, %neg3A_262 : vector<16xi32>
      %mul3A_264 = arith.constant 8 : i32
      %mul3A_265 = arith.muli %mul3A_264, %scan3A_168 : i32
      %add3A_266 = arith.constant 3 : i32
      %add3A_267 = arith.addi %mul3A_265, %add3A_266 : i32
      %mul3A_268 = arith.constant 16 : i32
      %mul3A_269 = arith.muli %add3A_267, %mul3A_268 : i32
      %swap3A_270 = arith.index_cast %mul3A_269 : i32 to index
      %swap3A_271 = tpu.vector_load %arg8[%swap3A_270] {strides = array<i32>} : memref<8192xi32, #tpu.memory_space<vmem>>, vector<16xi32>,
      %swap3A_272 = vector.shape_cast %swap3A_271 : vector<16xi32> to vector<16xi32>
      %swap3A_273 = vector.shape_cast %or3A_263 : vector<16xi32> to vector<16xi32>
      tpu.vector_store %arg8[%swap3A_270], %swap3A_273 {strides = array<i32>} : memref<8192xi32, #tpu.memory_space<vmem>>, vector<16xi32>,
      %mul3A_274 = arith.constant 8 : i32
      %mul3A_275 = arith.muli %mul3A_274, %scan3A_168 : i32
      %add3A_276 = arith.constant 4 : i32
      %add3A_277 = arith.addi %mul3A_275, %add3A_276 : i32
      %mul3A_278 = arith.constant 16 : i32
      %mul3A_279 = arith.muli %add3A_277, %mul3A_278 : i32
      %get3A_280 = arith.index_cast %mul3A_279 : i32 to index
      %get3A_281 = tpu.vector_load %arg6[%get3A_280] {strides = array<i32>} : memref<8192xi32, #tpu.memory_space<vmem>>, vector<16xi32>,
      %get3A_282 = vector.shape_cast %get3A_281 : vector<16xi32> to vector<16xi32>
      %shift_right_arithmetic3A_283 = arith.shrsi %get3A_20, %get3A_282 : vector<16xi32>
      %and3A_284 = arith.constant 1 : i32
      %and3A_285 = vector.broadcast %and3A_284 : i32 to vector<16xi32>
      %and3A_286 = arith.andi %shift_right_arithmetic3A_283, %and3A_285 : vector<16xi32>
      %neg3A_287 = arith.constant 0 : i32
      %neg3A_288 = vector.broadcast %neg3A_287 : i32 to vector<16xi32>
      %neg3A_289 = arith.subi %neg3A_288, %and3A_286 : vector<16xi32>
      %or3A_290 = arith.ori %get3A_282, %neg3A_289 : vector<16xi32>
      %mul3A_291 = arith.constant 8 : i32
      %mul3A_292 = arith.muli %mul3A_291, %scan3A_168 : i32
      %add3A_293 = arith.constant 4 : i32
      %add3A_294 = arith.addi %mul3A_292, %add3A_293 : i32
      %mul3A_295 = arith.constant 16 : i32
      %mul3A_296 = arith.muli %add3A_294, %mul3A_295 : i32
      %swap3A_297 = arith.index_cast %mul3A_296 : i32 to index
      %swap3A_298 = tpu.vector_load %arg8[%swap3A_297] {strides = array<i32>} : memref<8192xi32, #tpu.memory_space<vmem>>, vector<16xi32>,
      %swap3A_299 = vector.shape_cast %swap3A_298 : vector<16xi32> to vector<16xi32>
      %swap3A_300 = vector.shape_cast %or3A_290 : vector<16xi32> to vector<16xi32>
      tpu.vector_store %arg8[%swap3A_297], %swap3A_300 {strides = array<i32>} : memref<8192xi32, #tpu.memory_space<vmem>>, vector<16xi32>,
      %mul3A_301 = arith.constant 8 : i32
      %mul3A_302 = arith.muli %mul3A_301, %scan3A_168 : i32
      %add3A_303 = arith.constant 5 : i32
      %add3A_304 = arith.addi %mul3A_302, %add3A_303 : i32
      %mul3A_305 = arith.constant 16 : i32
      %mul3A_306 = arith.muli %add3A_304, %mul3A_305 : i32
      %get3A_307 = arith.index_cast %mul3A_306 : i32 to index
      %get3A_308 = tpu.vector_load %arg6[%get3A_307] {strides = array<i32>} : memref<8192xi32, #tpu.memory_space<vmem>>, vector<16xi32>,
      %get3A_309 = vector.shape_cast %get3A_308 : vector<16xi32> to vector<16xi32>
      %shift_right_arithmetic3A_310 = arith.shrsi %get3A_20, %get3A_309 : vector<16xi32>
      %and3A_311 = arith.constant 1 : i32
      %and3A_312 = vector.broadcast %and3A_311 : i32 to vector<16xi32>
      %and3A_313 = arith.andi %shift_right_arithmetic3A_310, %and3A_312 : vector<16xi32>
      %neg3A_314 = arith.constant 0 : i32
      %neg3A_315 = vector.broadcast %neg3A_314 : i32 to vector<16xi32>
      %neg3A_316 = arith.subi %neg3A_315, %and3A_313 : vector<16xi32>
      %or3A_317 = arith.ori %get3A_309, %neg3A_316 : vector<16xi32>
      %mul3A_318 = arith.constant 8 : i32
      %mul3A_319 = arith.muli %mul3A_318, %scan3A_168 : i32
      %add3A_320 = arith.constant 5 : i32
      %add3A_321 = arith.addi %mul3A_319, %add3A_320 : i32
      %mul3A_322 = arith.constant 16 : i32
      %mul3A_323 = arith.muli %add3A_321, %mul3A_322 : i32
      %swap3A_324 = arith.index_cast %mul3A_323 : i32 to index
      %swap3A_325 = tpu.vector_load %arg8[%swap3A_324] {strides = array<i32>} : memref<8192xi32, #tpu.memory_space<vmem>>, vector<16xi32>,
      %swap3A_326 = vector.shape_cast %swap3A_325 : vector<16xi32> to vector<16xi32>
      %swap3A_327 = vector.shape_cast %or3A_317 : vector<16xi32> to vector<16xi32>
      tpu.vector_store %arg8[%swap3A_324], %swap3A_327 {strides = array<i32>} : memref<8192xi32, #tpu.memory_space<vmem>>, vector<16xi32>,
      %mul3A_328 = arith.constant 8 : i32
      %mul3A_329 = arith.muli %mul3A_328, %scan3A_168 : i32
      %add3A_330 = arith.constant 6 : i32
      %add3A_331 = arith.addi %mul3A_329, %add3A_330 : i32
      %mul3A_332 = arith.constant 16 : i32
      %mul3A_333 = arith.muli %add3A_331, %mul3A_332 : i32
      %get3A_334 = arith.index_cast %mul3A_333 : i32 to index
      %get3A_335 = tpu.vector_load %arg6[%get3A_334] {strides = array<i32>} : memref<8192xi32, #tpu.memory_space<vmem>>, vector<16xi32>,
      %get3A_336 = vector.shape_cast %get3A_335 : vector<16xi32> to vector<16xi32>
      %shift_right_arithmetic3A_337 = arith.shrsi %get3A_20, %get3A_336 : vector<16xi32>
      %and3A_338 = arith.constant 1 : i32
      %and3A_339 = vector.broadcast %and3A_338 : i32 to vector<16xi32>
      %and3A_340 = arith.andi %shift_right_arithmetic3A_337, %and3A_339 : vector<16xi32>
      %neg3A_341 = arith.constant 0 : i32
      %neg3A_342 = vector.broadcast %neg3A_341 : i32 to vector<16xi32>
      %neg3A_343 = arith.subi %neg3A_342, %and3A_340 : vector<16xi32>
      %or3A_344 = arith.ori %get3A_336, %neg3A_343 : vector<16xi32>
      %mul3A_345 = arith.constant 8 : i32
      %mul3A_346 = arith.muli %mul3A_345, %scan3A_168 : i32
      %add3A_347 = arith.constant 6 : i32
      %add3A_348 = arith.addi %mul3A_346, %add3A_347 : i32
      %mul3A_349 = arith.constant 16 : i32
      %mul3A_350 = arith.muli %add3A_348, %mul3A_349 : i32
      %swap3A_351 = arith.index_cast %mul3A_350 : i32 to index
      %swap3A_352 = tpu.vector_load %arg8[%swap3A_351] {strides = array<i32>} : memref<8192xi32, #tpu.memory_space<vmem>>, vector<16xi32>,
      %swap3A_353 = vector.shape_cast %swap3A_352 : vector<16xi32> to vector<16xi32>
      %swap3A_354 = vector.shape_cast %or3A_344 : vector<16xi32> to vector<16xi32>
      tpu.vector_store %arg8[%swap3A_351], %swap3A_354 {strides = array<i32>} : memref<8192xi32, #tpu.memory_space<vmem>>, vector<16xi32>,
      %mul3A_355 = arith.constant 8 : i32
      %mul3A_356 = arith.muli %mul3A_355, %scan3A_168 : i32
      %add3A_357 = arith.constant 7 : i32
      %add3A_358 = arith.addi %mul3A_356, %add3A_357 : i32
      %mul3A_359 = arith.constant 16 : i32
      %mul3A_360 = arith.muli %add3A_358, %mul3A_359 : i32
      %get3A_361 = arith.index_cast %mul3A_360 : i32 to index
      %get3A_362 = tpu.vector_load %arg6[%get3A_361] {strides = array<i32>} : memref<8192xi32, #tpu.memory_space<vmem>>, vector<16xi32>,
      %get3A_363 = vector.shape_cast %get3A_362 : vector<16xi32> to vector<16xi32>
      %shift_right_arithmetic3A_364 = arith.shrsi %get3A_20, %get3A_363 : vector<16xi32>
      %and3A_365 = arith.constant 1 : i32
      %and3A_366 = vector.broadcast %and3A_365 : i32 to vector<16xi32>
      %and3A_367 = arith.andi %shift_right_arithmetic3A_364, %and3A_366 : vector<16xi32>
      %neg3A_368 = arith.constant 0 : i32
      %neg3A_369 = vector.broadcast %neg3A_368 : i32 to vector<16xi32>
      %neg3A_370 = arith.subi %neg3A_369, %and3A_367 : vector<16xi32>
      %or3A_371 = arith.ori %get3A_363, %neg3A_370 : vector<16xi32>
      %mul3A_372 = arith.constant 8 : i32
      %mul3A_373 = arith.muli %mul3A_372, %scan3A_168 : i32
      %add3A_374 = arith.constant 7 : i32
      %add3A_375 = arith.addi %mul3A_373, %add3A_374 : i32
      %mul3A_376 = arith.constant 16 : i32
      %mul3A_377 = arith.muli %add3A_375, %mul3A_376 : i32
      %swap3A_378 = arith.index_cast %mul3A_377 : i32 to index
      %swap3A_379 = tpu.vector_load %arg8[%swap3A_378] {strides = array<i32>} : memref<8192xi32, #tpu.memory_space<vmem>>, vector<16xi32>,
      %swap3A_380 = vector.shape_cast %swap3A_379 : vector<16xi32> to vector<16xi32>
      %swap3A_381 = vector.shape_cast %or3A_371 : vector<16xi32> to vector<16xi32>
      tpu.vector_store %arg8[%swap3A_378], %swap3A_381 {strides = array<i32>} : memref<8192xi32, #tpu.memory_space<vmem>>, vector<16xi32>,
      %scan3A_382 = arith.constant 0 : i32
      scf.yield %scan3A_382 : i32
    }
    %scan3A_32 = arith.constant 64 : i32
    %add3A_33 = arith.constant 0 : i32
    %add3A_34 = arith.addi %mul3A_2, %add3A_33 : i32
    %dma_start3A_35 = tpu.memref_slice %arg4[%add3A_34] : memref<2097152xi32, #tpu.memory_space<hbm>> -> memref<8192xi32, #tpu.memory_space<hbm>>
    %dma_start3A_36 = tpu.memref_slice %arg4[%add3A_34] : memref<2097152xi32, #tpu.memory_space<hbm>> -> memref<8192xi32, #tpu.memory_space<hbm>>
    tpu.enqueue_dma source(%arg8 : memref<8192xi32, #tpu.memory_space<vmem>>) target(%dma_start3A_36 : memref<8192xi32, #tpu.memory_space<hbm>>) target_semaphore(%arg12 : memref<!tpu.dma_semaphore, #tpu.memory_space<semaphore_mem>>)
    %add3A_37 = arith.constant 16384 : i32
    %add3A_38 = arith.addi %mul3A_2, %add3A_37 : i32
    %dma_start3A_39 = tpu.memref_slice %arg2[%add3A_38] : memref<2097152xi32, #tpu.memory_space<hbm>> -> memref<8192xi32, #tpu.memory_space<hbm>>
    %dma_start3A_40 = tpu.memref_slice %arg2[%add3A_38] : memref<2097152xi32, #tpu.memory_space<hbm>> -> memref<8192xi32, #tpu.memory_space<hbm>>
    tpu.enqueue_dma source(%dma_start3A_40 : memref<8192xi32, #tpu.memory_space<hbm>>) target(%arg6 : memref<8192xi32, #tpu.memory_space<vmem>>) target_semaphore(%arg10 : memref<!tpu.dma_semaphore, #tpu.memory_space<semaphore_mem>>)
    %dma_wait3A_41 = tpu.memref_slice %arg2[%add3A_23] : memref<2097152xi32, #tpu.memory_space<hbm>> -> memref<8192xi32, #tpu.memory_space<hbm>>
    %dma_wait3A_42 = tpu.memref_slice %arg2[%add3A_23] : memref<2097152xi32, #tpu.memory_space<hbm>> -> memref<8192xi32, #tpu.memory_space<hbm>>
    tpu.wait_dma2 semaphore(%arg11 : memref<!tpu.dma_semaphore, #tpu.memory_space<semaphore_mem>>) src(%dma_wait3A_42 : memref<8192xi32, #tpu.memory_space<hbm>>) dst(%arg7 : memref<8192xi32, #tpu.memory_space<vmem>>)
    %scan3A_43 = arith.constant 0 : i32
    %scan3A_44 = arith.constant 0 : i32
    %scan3A_45 = arith.constant 64 : i32
    %scan3A_46 = arith.addi %scan3A_44, %scan3A_45 : i32
    %scan3A_47 = arith.constant 1 : i32
    %scan3A_48 = scf.for %scan3A_168 = %scan3A_44 to %scan3A_46 step %scan3A_47 iter_args(%scan3A_169 = %scan3A_43) -> (i32)  : i32 {
      %mul3A_170 = arith.constant 8 : i32
      %mul3A_171 = arith.muli %mul3A_170, %scan3A_168 : i32
      %add3A_172 = arith.constant 0 : i32
      %add3A_173 = arith.addi %mul3A_171, %add3A_172 : i32
      %mul3A_174 = arith.constant 16 : i32
      %mul3A_175 = arith.muli %add3A_173, %mul3A_174 : i32
      %get3A_176 = arith.index_cast %mul3A_175 : i32 to index
      %get3A_177 = tpu.vector_load %arg7[%get3A_176] {strides = array<i32>} : memref<8192xi32, #tpu.memory_space<vmem>>, vector<16xi32>,
      %get3A_178 = vector.shape_cast %get3A_177 : vector<16xi32> to vector<16xi32>
      %shift_right_arithmetic3A = arith.shrsi %get3A_20, %get3A_178 : vector<16xi32>
      %and3A_179 = arith.constant 1 : i32
      %and3A_180 = vector.broadcast %and3A_179 : i32 to vector<16xi32>
      %and3A_181 = arith.andi %shift_right_arithmetic3A, %and3A_180 : vector<16xi32>
      %neg3A = arith.constant 0 : i32
      %neg3A_182 = vector.broadcast %neg3A : i32 to vector<16xi32>
      %neg3A_183 = arith.subi %neg3A_182, %and3A_181 : vector<16xi32>
      %or3A = arith.ori %get3A_178, %neg3A_183 : vector<16xi32>
      %mul3A_184 = arith.constant 8 : i32
      %mul3A_185 = arith.muli %mul3A_184, %scan3A_168 : i32
      %add3A_186 = arith.constant 0 : i32
      %add3A_187 = arith.addi %mul3A_185, %add3A_186 : i32
      %mul3A_188 = arith.constant 16 : i32
      %mul3A_189 = arith.muli %add3A_187, %mul3A_188 : i32
      %swap3A = arith.index_cast %mul3A_189 : i32 to index
      %swap3A_190 = tpu.vector_load %arg9[%swap3A] {strides = array<i32>} : memref<8192xi32, #tpu.memory_space<vmem>>, vector<16xi32>,
      %swap3A_191 = vector.shape_cast %swap3A_190 : vector<16xi32> to vector<16xi32>
      %swap3A_192 = vector.shape_cast %or3A : vector<16xi32> to vector<16xi32>
      tpu.vector_store %arg9[%swap3A], %swap3A_192 {strides = array<i32>} : memref<8192xi32, #tpu.memory_space<vmem>>, vector<16xi32>,
      %mul3A_193 = arith.constant 8 : i32
      %mul3A_194 = arith.muli %mul3A_193, %scan3A_168 : i32
      %add3A_195 = arith.constant 1 : i32
      %add3A_196 = arith.addi %mul3A_194, %add3A_195 : i32
      %mul3A_197 = arith.constant 16 : i32
      %mul3A_198 = arith.muli %add3A_196, %mul3A_197 : i32
      %get3A_199 = arith.index_cast %mul3A_198 : i32 to index
      %get3A_200 = tpu.vector_load %arg7[%get3A_199] {strides = array<i32>} : memref<8192xi32, #tpu.memory_space<vmem>>, vector<16xi32>,
      %get3A_201 = vector.shape_cast %get3A_200 : vector<16xi32> to vector<16xi32>
      %shift_right_arithmetic3A_202 = arith.shrsi %get3A_20, %get3A_201 : vector<16xi32>
      %and3A_203 = arith.constant 1 : i32
      %and3A_204 = vector.broadcast %and3A_203 : i32 to vector<16xi32>
      %and3A_205 = arith.andi %shift_right_arithmetic3A_202, %and3A_204 : vector<16xi32>
      %neg3A_206 = arith.constant 0 : i32
      %neg3A_207 = vector.broadcast %neg3A_206 : i32 to vector<16xi32>
      %neg3A_208 = arith.subi %neg3A_207, %and3A_205 : vector<16xi32>
      %or3A_209 = arith.ori %get3A_201, %neg3A_208 : vector<16xi32>
      %mul3A_210 = arith.constant 8 : i32
      %mul3A_211 = arith.muli %mul3A_210, %scan3A_168 : i32
      %add3A_212 = arith.constant 1 : i32
      %add3A_213 = arith.addi %mul3A_211, %add3A_212 : i32
      %mul3A_214 = arith.constant 16 : i32
      %mul3A_215 = arith.muli %add3A_213, %mul3A_214 : i32
      %swap3A_216 = arith.index_cast %mul3A_215 : i32 to index
      %swap3A_217 = tpu.vector_load %arg9[%swap3A_216] {strides = array<i32>} : memref<8192xi32, #tpu.memory_space<vmem>>, vector<16xi32>,
      %swap3A_218 = vector.shape_cast %swap3A_217 : vector<16xi32> to vector<16xi32>
      %swap3A_219 = vector.shape_cast %or3A_209 : vector<16xi32> to vector<16xi32>
      tpu.vector_store %arg9[%swap3A_216], %swap3A_219 {strides = array<i32>} : memref<8192xi32, #tpu.memory_space<vmem>>, vector<16xi32>,
      %mul3A_220 = arith.constant 8 : i32
      %mul3A_221 = arith.muli %mul3A_220, %scan3A_168 : i32
      %add3A_222 = arith.constant 2 : i32
      %add3A_223 = arith.addi %mul3A_221, %add3A_222 : i32
      %mul3A_224 = arith.constant 16 : i32
      %mul3A_225 = arith.muli %add3A_223, %mul3A_224 : i32
      %get3A_226 = arith.index_cast %mul3A_225 : i32 to index
      %get3A_227 = tpu.vector_load %arg7[%get3A_226] {strides = array<i32>} : memref<8192xi32, #tpu.memory_space<vmem>>, vector<16xi32>,
      %get3A_228 = vector.shape_cast %get3A_227 : vector<16xi32> to vector<16xi32>
      %shift_right_arithmetic3A_229 = arith.shrsi %get3A_20, %get3A_228 : vector<16xi32>
      %and3A_230 = arith.constant 1 : i32
      %and3A_231 = vector.broadcast %and3A_230 : i32 to vector<16xi32>
      %and3A_232 = arith.andi %shift_right_arithmetic3A_229, %and3A_231 : vector<16xi32>
      %neg3A_233 = arith.constant 0 : i32
      %neg3A_234 = vector.broadcast %neg3A_233 : i32 to vector<16xi32>
      %neg3A_235 = arith.subi %neg3A_234, %and3A_232 : vector<16xi32>
      %or3A_236 = arith.ori %get3A_228, %neg3A_235 : vector<16xi32>
      %mul3A_237 = arith.constant 8 : i32
      %mul3A_238 = arith.muli %mul3A_237, %scan3A_168 : i32
      %add3A_239 = arith.constant 2 : i32
      %add3A_240 = arith.addi %mul3A_238, %add3A_239 : i32
      %mul3A_241 = arith.constant 16 : i32
      %mul3A_242 = arith.muli %add3A_240, %mul3A_241 : i32
      %swap3A_243 = arith.index_cast %mul3A_242 : i32 to index
      %swap3A_244 = tpu.vector_load %arg9[%swap3A_243] {strides = array<i32>} : memref<8192xi32, #tpu.memory_space<vmem>>, vector<16xi32>,
      %swap3A_245 = vector.shape_cast %swap3A_244 : vector<16xi32> to vector<16xi32>
      %swap3A_246 = vector.shape_cast %or3A_236 : vector<16xi32> to vector<16xi32>
      tpu.vector_store %arg9[%swap3A_243], %swap3A_246 {strides = array<i32>} : memref<8192xi32, #tpu.memory_space<vmem>>, vector<16xi32>,
      %mul3A_247 = arith.constant 8 : i32
      %mul3A_248 = arith.muli %mul3A_247, %scan3A_168 : i32
      %add3A_249 = arith.constant 3 : i32
      %add3A_250 = arith.addi %mul3A_248, %add3A_249 : i32
      %mul3A_251 = arith.constant 16 : i32
      %mul3A_252 = arith.muli %add3A_250, %mul3A_251 : i32
      %get3A_253 = arith.index_cast %mul3A_252 : i32 to index
      %get3A_254 = tpu.vector_load %arg7[%get3A_253] {strides = array<i32>} : memref<8192xi32, #tpu.memory_space<vmem>>, vector<16xi32>,
      %get3A_255 = vector.shape_cast %get3A_254 : vector<16xi32> to vector<16xi32>
      %shift_right_arithmetic3A_256 = arith.shrsi %get3A_20, %get3A_255 : vector<16xi32>
      %and3A_257 = arith.constant 1 : i32
      %and3A_258 = vector.broadcast %and3A_257 : i32 to vector<16xi32>
      %and3A_259 = arith.andi %shift_right_arithmetic3A_256, %and3A_258 : vector<16xi32>
      %neg3A_260 = arith.constant 0 : i32
      %neg3A_261 = vector.broadcast %neg3A_260 : i32 to vector<16xi32>
      %neg3A_262 = arith.subi %neg3A_261, %and3A_259 : vector<16xi32>
      %or3A_263 = arith.ori %get3A_255, %neg3A_262 : vector<16xi32>
      %mul3A_264 = arith.constant 8 : i32
      %mul3A_265 = arith.muli %mul3A_264, %scan3A_168 : i32
      %add3A_266 = arith.constant 3 : i32
      %add3A_267 = arith.addi %mul3A_265, %add3A_266 : i32
      %mul3A_268 = arith.constant 16 : i32
      %mul3A_269 = arith.muli %add3A_267, %mul3A_268 : i32
      %swap3A_270 = arith.index_cast %mul3A_269 : i32 to index
      %swap3A_271 = tpu.vector_load %arg9[%swap3A_270] {strides = array<i32>} : memref<8192xi32, #tpu.memory_space<vmem>>, vector<16xi32>,
      %swap3A_272 = vector.shape_cast %swap3A_271 : vector<16xi32> to vector<16xi32>
      %swap3A_273 = vector.shape_cast %or3A_263 : vector<16xi32> to vector<16xi32>
      tpu.vector_store %arg9[%swap3A_270], %swap3A_273 {strides = array<i32>} : memref<8192xi32, #tpu.memory_space<vmem>>, vector<16xi32>,
      %mul3A_274 = arith.constant 8 : i32
      %mul3A_275 = arith.muli %mul3A_274, %scan3A_168 : i32
      %add3A_276 = arith.constant 4 : i32
      %add3A_277 = arith.addi %mul3A_275, %add3A_276 : i32
      %mul3A_278 = arith.constant 16 : i32
      %mul3A_279 = arith.muli %add3A_277, %mul3A_278 : i32
      %get3A_280 = arith.index_cast %mul3A_279 : i32 to index
      %get3A_281 = tpu.vector_load %arg7[%get3A_280] {strides = array<i32>} : memref<8192xi32, #tpu.memory_space<vmem>>, vector<16xi32>,
      %get3A_282 = vector.shape_cast %get3A_281 : vector<16xi32> to vector<16xi32>
      %shift_right_arithmetic3A_283 = arith.shrsi %get3A_20, %get3A_282 : vector<16xi32>
      %and3A_284 = arith.constant 1 : i32
      %and3A_285 = vector.broadcast %and3A_284 : i32 to vector<16xi32>
      %and3A_286 = arith.andi %shift_right_arithmetic3A_283, %and3A_285 : vector<16xi32>
      %neg3A_287 = arith.constant 0 : i32
      %neg3A_288 = vector.broadcast %neg3A_287 : i32 to vector<16xi32>
      %neg3A_289 = arith.subi %neg3A_288, %and3A_286 : vector<16xi32>
      %or3A_290 = arith.ori %get3A_282, %neg3A_289 : vector<16xi32>
      %mul3A_291 = arith.constant 8 : i32
      %mul3A_292 = arith.muli %mul3A_291, %scan3A_168 : i32
      %add3A_293 = arith.constant 4 : i32
      %add3A_294 = arith.addi %mul3A_292, %add3A_293 : i32
      %mul3A_295 = arith.constant 16 : i32
      %mul3A_296 = arith.muli %add3A_294, %mul3A_295 : i32
      %swap3A_297 = arith.index_cast %mul3A_296 : i32 to index
      %swap3A_298 = tpu.vector_load %arg9[%swap3A_297] {strides = array<i32>} : memref<8192xi32, #tpu.memory_space<vmem>>, vector<16xi32>,
      %swap3A_299 = vector.shape_cast %swap3A_298 : vector<16xi32> to vector<16xi32>
      %swap3A_300 = vector.shape_cast %or3A_290 : vector<16xi32> to vector<16xi32>
      tpu.vector_store %arg9[%swap3A_297], %swap3A_300 {strides = array<i32>} : memref<8192xi32, #tpu.memory_space<vmem>>, vector<16xi32>,
      %mul3A_301 = arith.constant 8 : i32
      %mul3A_302 = arith.muli %mul3A_301, %scan3A_168 : i32
      %add3A_303 = arith.constant 5 : i32
      %add3A_304 = arith.addi %mul3A_302, %add3A_303 : i32
      %mul3A_305 = arith.constant 16 : i32
      %mul3A_306 = arith.muli %add3A_304, %mul3A_305 : i32
      %get3A_307 = arith.index_cast %mul3A_306 : i32 to index
      %get3A_308 = tpu.vector_load %arg7[%get3A_307] {strides = array<i32>} : memref<8192xi32, #tpu.memory_space<vmem>>, vector<16xi32>,
      %get3A_309 = vector.shape_cast %get3A_308 : vector<16xi32> to vector<16xi32>
      %shift_right_arithmetic3A_310 = arith.shrsi %get3A_20, %get3A_309 : vector<16xi32>
      %and3A_311 = arith.constant 1 : i32
      %and3A_312 = vector.broadcast %and3A_311 : i32 to vector<16xi32>
      %and3A_313 = arith.andi %shift_right_arithmetic3A_310, %and3A_312 : vector<16xi32>
      %neg3A_314 = arith.constant 0 : i32
      %neg3A_315 = vector.broadcast %neg3A_314 : i32 to vector<16xi32>
      %neg3A_316 = arith.subi %neg3A_315, %and3A_313 : vector<16xi32>
      %or3A_317 = arith.ori %get3A_309, %neg3A_316 : vector<16xi32>
      %mul3A_318 = arith.constant 8 : i32
      %mul3A_319 = arith.muli %mul3A_318, %scan3A_168 : i32
      %add3A_320 = arith.constant 5 : i32
      %add3A_321 = arith.addi %mul3A_319, %add3A_320 : i32
      %mul3A_322 = arith.constant 16 : i32
      %mul3A_323 = arith.muli %add3A_321, %mul3A_322 : i32
      %swap3A_324 = arith.index_cast %mul3A_323 : i32 to index
      %swap3A_325 = tpu.vector_load %arg9[%swap3A_324] {strides = array<i32>} : memref<8192xi32, #tpu.memory_space<vmem>>, vector<16xi32>,
      %swap3A_326 = vector.shape_cast %swap3A_325 : vector<16xi32> to vector<16xi32>
      %swap3A_327 = vector.shape_cast %or3A_317 : vector<16xi32> to vector<16xi32>
      tpu.vector_store %arg9[%swap3A_324], %swap3A_327 {strides = array<i32>} : memref<8192xi32, #tpu.memory_space<vmem>>, vector<16xi32>,
      %mul3A_328 = arith.constant 8 : i32
      %mul3A_329 = arith.muli %mul3A_328, %scan3A_168 : i32
      %add3A_330 = arith.constant 6 : i32
      %add3A_331 = arith.addi %mul3A_329, %add3A_330 : i32
      %mul3A_332 = arith.constant 16 : i32
      %mul3A_333 = arith.muli %add3A_331, %mul3A_332 : i32
      %get3A_334 = arith.index_cast %mul3A_333 : i32 to index
      %get3A_335 = tpu.vector_load %arg7[%get3A_334] {strides = array<i32>} : memref<8192xi32, #tpu.memory_space<vmem>>, vector<16xi32>,
      %get3A_336 = vector.shape_cast %get3A_335 : vector<16xi32> to vector<16xi32>
      %shift_right_arithmetic3A_337 = arith.shrsi %get3A_20, %get3A_336 : vector<16xi32>
      %and3A_338 = arith.constant 1 : i32
      %and3A_339 = vector.broadcast %and3A_338 : i32 to vector<16xi32>
      %and3A_340 = arith.andi %shift_right_arithmetic3A_337, %and3A_339 : vector<16xi32>
      %neg3A_341 = arith.constant 0 : i32
      %neg3A_342 = vector.broadcast %neg3A_341 : i32 to vector<16xi32>
      %neg3A_343 = arith.subi %neg3A_342, %and3A_340 : vector<16xi32>
      %or3A_344 = arith.ori %get3A_336, %neg3A_343 : vector<16xi32>
      %mul3A_345 = arith.constant 8 : i32
      %mul3A_346 = arith.muli %mul3A_345, %scan3A_168 : i32
      %add3A_347 = arith.constant 6 : i32
      %add3A_348 = arith.addi %mul3A_346, %add3A_347 : i32
      %mul3A_349 = arith.constant 16 : i32
      %mul3A_350 = arith.muli %add3A_348, %mul3A_349 : i32
      %swap3A_351 = arith.index_cast %mul3A_350 : i32 to index
      %swap3A_352 = tpu.vector_load %arg9[%swap3A_351] {strides = array<i32>} : memref<8192xi32, #tpu.memory_space<vmem>>, vector<16xi32>,
      %swap3A_353 = vector.shape_cast %swap3A_352 : vector<16xi32> to vector<16xi32>
      %swap3A_354 = vector.shape_cast %or3A_344 : vector<16xi32> to vector<16xi32>
      tpu.vector_store %arg9[%swap3A_351], %swap3A_354 {strides = array<i32>} : memref<8192xi32, #tpu.memory_space<vmem>>, vector<16xi32>,
      %mul3A_355 = arith.constant 8 : i32
      %mul3A_356 = arith.muli %mul3A_355, %scan3A_168 : i32
      %add3A_357 = arith.constant 7 : i32
      %add3A_358 = arith.addi %mul3A_356, %add3A_357 : i32
      %mul3A_359 = arith.constant 16 : i32
      %mul3A_360 = arith.muli %add3A_358, %mul3A_359 : i32
      %get3A_361 = arith.index_cast %mul3A_360 : i32 to index
      %get3A_362 = tpu.vector_load %arg7[%get3A_361] {strides = array<i32>} : memref<8192xi32, #tpu.memory_space<vmem>>, vector<16xi32>,
      %get3A_363 = vector.shape_cast %get3A_362 : vector<16xi32> to vector<16xi32>
      %shift_right_arithmetic3A_364 = arith.shrsi %get3A_20, %get3A_363 : vector<16xi32>
      %and3A_365 = arith.constant 1 : i32
      %and3A_366 = vector.broadcast %and3A_365 : i32 to vector<16xi32>
      %and3A_367 = arith.andi %shift_right_arithmetic3A_364, %and3A_366 : vector<16xi32>
      %neg3A_368 = arith.constant 0 : i32
      %neg3A_369 = vector.broadcast %neg3A_368 : i32 to vector<16xi32>
      %neg3A_370 = arith.subi %neg3A_369, %and3A_367 : vector<16xi32>
      %or3A_371 = arith.ori %get3A_363, %neg3A_370 : vector<16xi32>
      %mul3A_372 = arith.constant 8 : i32
      %mul3A_373 = arith.muli %mul3A_372, %scan3A_168 : i32
      %add3A_374 = arith.constant 7 : i32
      %add3A_375 = arith.addi %mul3A_373, %add3A_374 : i32
      %mul3A_376 = arith.constant 16 : i32
      %mul3A_377 = arith.muli %add3A_375, %mul3A_376 : i32
      %swap3A_378 = arith.index_cast %mul3A_377 : i32 to index
      %swap3A_379 = tpu.vector_load %arg9[%swap3A_378] {strides = array<i32>} : memref<8192xi32, #tpu.memory_space<vmem>>, vector<16xi32>,
      %swap3A_380 = vector.shape_cast %swap3A_379 : vector<16xi32> to vector<16xi32>
      %swap3A_381 = vector.shape_cast %or3A_371 : vector<16xi32> to vector<16xi32>
      tpu.vector_store %arg9[%swap3A_378], %swap3A_381 {strides = array<i32>} : memref<8192xi32, #tpu.memory_space<vmem>>, vector<16xi32>,
      %scan3A_382 = arith.constant 0 : i32
      scf.yield %scan3A_382 : i32
    }
    %scan3A_49 = arith.constant 64 : i32
    %add3A_50 = arith.constant 8192 : i32
    %add3A_51 = arith.addi %mul3A_2, %add3A_50 : i32
    %dma_start3A_52 = tpu.memref_slice %arg4[%add3A_51] : memref<2097152xi32, #tpu.memory_space<hbm>> -> memref<8192xi32, #tpu.memory_space<hbm>>
    %dma_start3A_53 = tpu.memref_slice %arg4[%add3A_51] : memref<2097152xi32, #tpu.memory_space<hbm>> -> memref<8192xi32, #tpu.memory_space<hbm>>
    tpu.enqueue_dma source(%arg9 : memref<8192xi32, #tpu.memory_space<vmem>>) target(%dma_start3A_53 : memref<8192xi32, #tpu.memory_space<hbm>>) target_semaphore(%arg13 : memref<!tpu.dma_semaphore, #tpu.memory_space<semaphore_mem>>)
    %add3A_54 = arith.constant 24576 : i32
    %add3A_55 = arith.addi %mul3A_2, %add3A_54 : i32
    %dma_start3A_56 = tpu.memref_slice %arg2[%add3A_55] : memref<2097152xi32, #tpu.memory_space<hbm>> -> memref<8192xi32, #tpu.memory_space<hbm>>
    %dma_start3A_57 = tpu.memref_slice %arg2[%add3A_55] : memref<2097152xi32, #tpu.memory_space<hbm>> -> memref<8192xi32, #tpu.memory_space<hbm>>
    tpu.enqueue_dma source(%dma_start3A_57 : memref<8192xi32, #tpu.memory_space<hbm>>) target(%arg7 : memref<8192xi32, #tpu.memory_space<vmem>>) target_semaphore(%arg11 : memref<!tpu.dma_semaphore, #tpu.memory_space<semaphore_mem>>)
    %dma_wait3A_58 = tpu.memref_slice %arg2[%add3A_38] : memref<2097152xi32, #tpu.memory_space<hbm>> -> memref<8192xi32, #tpu.memory_space<hbm>>
    %dma_wait3A_59 = tpu.memref_slice %arg2[%add3A_38] : memref<2097152xi32, #tpu.memory_space<hbm>> -> memref<8192xi32, #tpu.memory_space<hbm>>
    tpu.wait_dma2 semaphore(%arg10 : memref<!tpu.dma_semaphore, #tpu.memory_space<semaphore_mem>>) src(%dma_wait3A_59 : memref<8192xi32, #tpu.memory_space<hbm>>) dst(%arg6 : memref<8192xi32, #tpu.memory_space<vmem>>)
    %dma_wait3A_60 = tpu.memref_slice %arg4[%add3A_34] : memref<2097152xi32, #tpu.memory_space<hbm>> -> memref<8192xi32, #tpu.memory_space<hbm>>
    %dma_wait3A_61 = tpu.memref_slice %arg4[%add3A_34] : memref<2097152xi32, #tpu.memory_space<hbm>> -> memref<8192xi32, #tpu.memory_space<hbm>>
    tpu.wait_dma2 semaphore(%arg12 : memref<!tpu.dma_semaphore, #tpu.memory_space<semaphore_mem>>) src(%arg8 : memref<8192xi32, #tpu.memory_space<vmem>>) dst(%dma_wait3A_61 : memref<8192xi32, #tpu.memory_space<hbm>>)
    %scan3A_62 = arith.constant 0 : i32
    %scan3A_63 = arith.constant 0 : i32
    %scan3A_64 = arith.constant 64 : i32
    %scan3A_65 = arith.addi %scan3A_63, %scan3A_64 : i32
    %scan3A_66 = arith.constant 1 : i32
    %scan3A_67 = scf.for %scan3A_168 = %scan3A_63 to %scan3A_65 step %scan3A_66 iter_args(%scan3A_169 = %scan3A_62) -> (i32)  : i32 {
      %mul3A_170 = arith.constant 8 : i32
      %mul3A_171 = arith.muli %mul3A_170, %scan3A_168 : i32
      %add3A_172 = arith.constant 0 : i32
      %add3A_173 = arith.addi %mul3A_171, %add3A_172 : i32
      %mul3A_174 = arith.constant 16 : i32
      %mul3A_175 = arith.muli %add3A_173, %mul3A_174 : i32
      %get3A_176 = arith.index_cast %mul3A_175 : i32 to index
      %get3A_177 = tpu.vector_load %arg6[%get3A_176] {strides = array<i32>} : memref<8192xi32, #tpu.memory_space<vmem>>, vector<16xi32>,
      %get3A_178 = vector.shape_cast %get3A_177 : vector<16xi32> to vector<16xi32>
      %shift_right_arithmetic3A = arith.shrsi %get3A_20, %get3A_178 : vector<16xi32>
      %and3A_179 = arith.constant 1 : i32
      %and3A_180 = vector.broadcast %and3A_179 : i32 to vector<16xi32>
      %and3A_181 = arith.andi %shift_right_arithmetic3A, %and3A_180 : vector<16xi32>
      %neg3A = arith.constant 0 : i32
      %neg3A_182 = vector.broadcast %neg3A : i32 to vector<16xi32>
      %neg3A_183 = arith.subi %neg3A_182, %and3A_181 : vector<16xi32>
      %or3A = arith.ori %get3A_178, %neg3A_183 : vector<16xi32>
      %mul3A_184 = arith.constant 8 : i32
      %mul3A_185 = arith.muli %mul3A_184, %scan3A_168 : i32
      %add3A_186 = arith.constant 0 : i32
      %add3A_187 = arith.addi %mul3A_185, %add3A_186 : i32
      %mul3A_188 = arith.constant 16 : i32
      %mul3A_189 = arith.muli %add3A_187, %mul3A_188 : i32
      %swap3A = arith.index_cast %mul3A_189 : i32 to index
      %swap3A_190 = tpu.vector_load %arg8[%swap3A] {strides = array<i32>} : memref<8192xi32, #tpu.memory_space<vmem>>, vector<16xi32>,
      %swap3A_191 = vector.shape_cast %swap3A_190 : vector<16xi32> to vector<16xi32>
      %swap3A_192 = vector.shape_cast %or3A : vector<16xi32> to vector<16xi32>
      tpu.vector_store %arg8[%swap3A], %swap3A_192 {strides = array<i32>} : memref<8192xi32, #tpu.memory_space<vmem>>, vector<16xi32>,
      %mul3A_193 = arith.constant 8 : i32
      %mul3A_194 = arith.muli %mul3A_193, %scan3A_168 : i32
      %add3A_195 = arith.constant 1 : i32
      %add3A_196 = arith.addi %mul3A_194, %add3A_195 : i32
      %mul3A_197 = arith.constant 16 : i32
      %mul3A_198 = arith.muli %add3A_196, %mul3A_197 : i32
      %get3A_199 = arith.index_cast %mul3A_198 : i32 to index
      %get3A_200 = tpu.vector_load %arg6[%get3A_199] {strides = array<i32>} : memref<8192xi32, #tpu.memory_space<vmem>>, vector<16xi32>,
      %get3A_201 = vector.shape_cast %get3A_200 : vector<16xi32> to vector<16xi32>
      %shift_right_arithmetic3A_202 = arith.shrsi %get3A_20, %get3A_201 : vector<16xi32>
      %and3A_203 = arith.constant 1 : i32
      %and3A_204 = vector.broadcast %and3A_203 : i32 to vector<16xi32>
      %and3A_205 = arith.andi %shift_right_arithmetic3A_202, %and3A_204 : vector<16xi32>
      %neg3A_206 = arith.constant 0 : i32
      %neg3A_207 = vector.broadcast %neg3A_206 : i32 to vector<16xi32>
      %neg3A_208 = arith.subi %neg3A_207, %and3A_205 : vector<16xi32>
      %or3A_209 = arith.ori %get3A_201, %neg3A_208 : vector<16xi32>
      %mul3A_210 = arith.constant 8 : i32
      %mul3A_211 = arith.muli %mul3A_210, %scan3A_168 : i32
      %add3A_212 = arith.constant 1 : i32
      %add3A_213 = arith.addi %mul3A_211, %add3A_212 : i32
      %mul3A_214 = arith.constant 16 : i32
      %mul3A_215 = arith.muli %add3A_213, %mul3A_214 : i32
      %swap3A_216 = arith.index_cast %mul3A_215 : i32 to index
      %swap3A_217 = tpu.vector_load %arg8[%swap3A_216] {strides = array<i32>} : memref<8192xi32, #tpu.memory_space<vmem>>, vector<16xi32>,
      %swap3A_218 = vector.shape_cast %swap3A_217 : vector<16xi32> to vector<16xi32>
      %swap3A_219 = vector.shape_cast %or3A_209 : vector<16xi32> to vector<16xi32>
      tpu.vector_store %arg8[%swap3A_216], %swap3A_219 {strides = array<i32>} : memref<8192xi32, #tpu.memory_space<vmem>>, vector<16xi32>,
      %mul3A_220 = arith.constant 8 : i32
      %mul3A_221 = arith.muli %mul3A_220, %scan3A_168 : i32
      %add3A_222 = arith.constant 2 : i32
      %add3A_223 = arith.addi %mul3A_221, %add3A_222 : i32
      %mul3A_224 = arith.constant 16 : i32
      %mul3A_225 = arith.muli %add3A_223, %mul3A_224 : i32
      %get3A_226 = arith.index_cast %mul3A_225 : i32 to index
      %get3A_227 = tpu.vector_load %arg6[%get3A_226] {strides = array<i32>} : memref<8192xi32, #tpu.memory_space<vmem>>, vector<16xi32>,
      %get3A_228 = vector.shape_cast %get3A_227 : vector<16xi32> to vector<16xi32>
      %shift_right_arithmetic3A_229 = arith.shrsi %get3A_20, %get3A_228 : vector<16xi32>
      %and3A_230 = arith.constant 1 : i32
      %and3A_231 = vector.broadcast %and3A_230 : i32 to vector<16xi32>
      %and3A_232 = arith.andi %shift_right_arithmetic3A_229, %and3A_231 : vector<16xi32>
      %neg3A_233 = arith.constant 0 : i32
      %neg3A_234 = vector.broadcast %neg3A_233 : i32 to vector<16xi32>
      %neg3A_235 = arith.subi %neg3A_234, %and3A_232 : vector<16xi32>
      %or3A_236 = arith.ori %get3A_228, %neg3A_235 : vector<16xi32>
      %mul3A_237 = arith.constant 8 : i32
      %mul3A_238 = arith.muli %mul3A_237, %scan3A_168 : i32
      %add3A_239 = arith.constant 2 : i32
      %add3A_240 = arith.addi %mul3A_238, %add3A_239 : i32
      %mul3A_241 = arith.constant 16 : i32
      %mul3A_242 = arith.muli %add3A_240, %mul3A_241 : i32
      %swap3A_243 = arith.index_cast %mul3A_242 : i32 to index
      %swap3A_244 = tpu.vector_load %arg8[%swap3A_243] {strides = array<i32>} : memref<8192xi32, #tpu.memory_space<vmem>>, vector<16xi32>,
      %swap3A_245 = vector.shape_cast %swap3A_244 : vector<16xi32> to vector<16xi32>
      %swap3A_246 = vector.shape_cast %or3A_236 : vector<16xi32> to vector<16xi32>
      tpu.vector_store %arg8[%swap3A_243], %swap3A_246 {strides = array<i32>} : memref<8192xi32, #tpu.memory_space<vmem>>, vector<16xi32>,
      %mul3A_247 = arith.constant 8 : i32
      %mul3A_248 = arith.muli %mul3A_247, %scan3A_168 : i32
      %add3A_249 = arith.constant 3 : i32
      %add3A_250 = arith.addi %mul3A_248, %add3A_249 : i32
      %mul3A_251 = arith.constant 16 : i32
      %mul3A_252 = arith.muli %add3A_250, %mul3A_251 : i32
      %get3A_253 = arith.index_cast %mul3A_252 : i32 to index
      %get3A_254 = tpu.vector_load %arg6[%get3A_253] {strides = array<i32>} : memref<8192xi32, #tpu.memory_space<vmem>>, vector<16xi32>,
      %get3A_255 = vector.shape_cast %get3A_254 : vector<16xi32> to vector<16xi32>
      %shift_right_arithmetic3A_256 = arith.shrsi %get3A_20, %get3A_255 : vector<16xi32>
      %and3A_257 = arith.constant 1 : i32
      %and3A_258 = vector.broadcast %and3A_257 : i32 to vector<16xi32>
      %and3A_259 = arith.andi %shift_right_arithmetic3A_256, %and3A_258 : vector<16xi32>
      %neg3A_260 = arith.constant 0 : i32
      %neg3A_261 = vector.broadcast %neg3A_260 : i32 to vector<16xi32>
      %neg3A_262 = arith.subi %neg3A_261, %and3A_259 : vector<16xi32>
      %or3A_263 = arith.ori %get3A_255, %neg3A_262 : vector<16xi32>
      %mul3A_264 = arith.constant 8 : i32
      %mul3A_265 = arith.muli %mul3A_264, %scan3A_168 : i32
      %add3A_266 = arith.constant 3 : i32
      %add3A_267 = arith.addi %mul3A_265, %add3A_266 : i32
      %mul3A_268 = arith.constant 16 : i32
      %mul3A_269 = arith.muli %add3A_267, %mul3A_268 : i32
      %swap3A_270 = arith.index_cast %mul3A_269 : i32 to index
      %swap3A_271 = tpu.vector_load %arg8[%swap3A_270] {strides = array<i32>} : memref<8192xi32, #tpu.memory_space<vmem>>, vector<16xi32>,
      %swap3A_272 = vector.shape_cast %swap3A_271 : vector<16xi32> to vector<16xi32>
      %swap3A_273 = vector.shape_cast %or3A_263 : vector<16xi32> to vector<16xi32>
      tpu.vector_store %arg8[%swap3A_270], %swap3A_273 {strides = array<i32>} : memref<8192xi32, #tpu.memory_space<vmem>>, vector<16xi32>,
      %mul3A_274 = arith.constant 8 : i32
      %mul3A_275 = arith.muli %mul3A_274, %scan3A_168 : i32
      %add3A_276 = arith.constant 4 : i32
      %add3A_277 = arith.addi %mul3A_275, %add3A_276 : i32
      %mul3A_278 = arith.constant 16 : i32
      %mul3A_279 = arith.muli %add3A_277, %mul3A_278 : i32
      %get3A_280 = arith.index_cast %mul3A_279 : i32 to index
      %get3A_281 = tpu.vector_load %arg6[%get3A_280] {strides = array<i32>} : memref<8192xi32, #tpu.memory_space<vmem>>, vector<16xi32>,
      %get3A_282 = vector.shape_cast %get3A_281 : vector<16xi32> to vector<16xi32>
      %shift_right_arithmetic3A_283 = arith.shrsi %get3A_20, %get3A_282 : vector<16xi32>
      %and3A_284 = arith.constant 1 : i32
      %and3A_285 = vector.broadcast %and3A_284 : i32 to vector<16xi32>
      %and3A_286 = arith.andi %shift_right_arithmetic3A_283, %and3A_285 : vector<16xi32>
      %neg3A_287 = arith.constant 0 : i32
      %neg3A_288 = vector.broadcast %neg3A_287 : i32 to vector<16xi32>
      %neg3A_289 = arith.subi %neg3A_288, %and3A_286 : vector<16xi32>
      %or3A_290 = arith.ori %get3A_282, %neg3A_289 : vector<16xi32>
      %mul3A_291 = arith.constant 8 : i32
      %mul3A_292 = arith.muli %mul3A_291, %scan3A_168 : i32
      %add3A_293 = arith.constant 4 : i32
      %add3A_294 = arith.addi %mul3A_292, %add3A_293 : i32
      %mul3A_295 = arith.constant 16 : i32
      %mul3A_296 = arith.muli %add3A_294, %mul3A_295 : i32
      %swap3A_297 = arith.index_cast %mul3A_296 : i32 to index
      %swap3A_298 = tpu.vector_load %arg8[%swap3A_297] {strides = array<i32>} : memref<8192xi32, #tpu.memory_space<vmem>>, vector<16xi32>,
      %swap3A_299 = vector.shape_cast %swap3A_298 : vector<16xi32> to vector<16xi32>
      %swap3A_300 = vector.shape_cast %or3A_290 : vector<16xi32> to vector<16xi32>
      tpu.vector_store %arg8[%swap3A_297], %swap3A_300 {strides = array<i32>} : memref<8192xi32, #tpu.memory_space<vmem>>, vector<16xi32>,
      %mul3A_301 = arith.constant 8 : i32
      %mul3A_302 = arith.muli %mul3A_301, %scan3A_168 : i32
      %add3A_303 = arith.constant 5 : i32
      %add3A_304 = arith.addi %mul3A_302, %add3A_303 : i32
      %mul3A_305 = arith.constant 16 : i32
      %mul3A_306 = arith.muli %add3A_304, %mul3A_305 : i32
      %get3A_307 = arith.index_cast %mul3A_306 : i32 to index
      %get3A_308 = tpu.vector_load %arg6[%get3A_307] {strides = array<i32>} : memref<8192xi32, #tpu.memory_space<vmem>>, vector<16xi32>,
      %get3A_309 = vector.shape_cast %get3A_308 : vector<16xi32> to vector<16xi32>
      %shift_right_arithmetic3A_310 = arith.shrsi %get3A_20, %get3A_309 : vector<16xi32>
      %and3A_311 = arith.constant 1 : i32
      %and3A_312 = vector.broadcast %and3A_311 : i32 to vector<16xi32>
      %and3A_313 = arith.andi %shift_right_arithmetic3A_310, %and3A_312 : vector<16xi32>
      %neg3A_314 = arith.constant 0 : i32
      %neg3A_315 = vector.broadcast %neg3A_314 : i32 to vector<16xi32>
      %neg3A_316 = arith.subi %neg3A_315, %and3A_313 : vector<16xi32>
      %or3A_317 = arith.ori %get3A_309, %neg3A_316 : vector<16xi32>
      %mul3A_318 = arith.constant 8 : i32
      %mul3A_319 = arith.muli %mul3A_318, %scan3A_168 : i32
      %add3A_320 = arith.constant 5 : i32
      %add3A_321 = arith.addi %mul3A_319, %add3A_320 : i32
      %mul3A_322 = arith.constant 16 : i32
      %mul3A_323 = arith.muli %add3A_321, %mul3A_322 : i32
      %swap3A_324 = arith.index_cast %mul3A_323 : i32 to index
      %swap3A_325 = tpu.vector_load %arg8[%swap3A_324] {strides = array<i32>} : memref<8192xi32, #tpu.memory_space<vmem>>, vector<16xi32>,
      %swap3A_326 = vector.shape_cast %swap3A_325 : vector<16xi32> to vector<16xi32>
      %swap3A_327 = vector.shape_cast %or3A_317 : vector<16xi32> to vector<16xi32>
      tpu.vector_store %arg8[%swap3A_324], %swap3A_327 {strides = array<i32>} : memref<8192xi32, #tpu.memory_space<vmem>>, vector<16xi32>,
      %mul3A_328 = arith.constant 8 : i32
      %mul3A_329 = arith.muli %mul3A_328, %scan3A_168 : i32
      %add3A_330 = arith.constant 6 : i32
      %add3A_331 = arith.addi %mul3A_329, %add3A_330 : i32
      %mul3A_332 = arith.constant 16 : i32
      %mul3A_333 = arith.muli %add3A_331, %mul3A_332 : i32
      %get3A_334 = arith.index_cast %mul3A_333 : i32 to index
      %get3A_335 = tpu.vector_load %arg6[%get3A_334] {strides = array<i32>} : memref<8192xi32, #tpu.memory_space<vmem>>, vector<16xi32>,
      %get3A_336 = vector.shape_cast %get3A_335 : vector<16xi32> to vector<16xi32>
      %shift_right_arithmetic3A_337 = arith.shrsi %get3A_20, %get3A_336 : vector<16xi32>
      %and3A_338 = arith.constant 1 : i32
      %and3A_339 = vector.broadcast %and3A_338 : i32 to vector<16xi32>
      %and3A_340 = arith.andi %shift_right_arithmetic3A_337, %and3A_339 : vector<16xi32>
      %neg3A_341 = arith.constant 0 : i32
      %neg3A_342 = vector.broadcast %neg3A_341 : i32 to vector<16xi32>
      %neg3A_343 = arith.subi %neg3A_342, %and3A_340 : vector<16xi32>
      %or3A_344 = arith.ori %get3A_336, %neg3A_343 : vector<16xi32>
      %mul3A_345 = arith.constant 8 : i32
      %mul3A_346 = arith.muli %mul3A_345, %scan3A_168 : i32
      %add3A_347 = arith.constant 6 : i32
      %add3A_348 = arith.addi %mul3A_346, %add3A_347 : i32
      %mul3A_349 = arith.constant 16 : i32
      %mul3A_350 = arith.muli %add3A_348, %mul3A_349 : i32
      %swap3A_351 = arith.index_cast %mul3A_350 : i32 to index
      %swap3A_352 = tpu.vector_load %arg8[%swap3A_351] {strides = array<i32>} : memref<8192xi32, #tpu.memory_space<vmem>>, vector<16xi32>,
      %swap3A_353 = vector.shape_cast %swap3A_352 : vector<16xi32> to vector<16xi32>
      %swap3A_354 = vector.shape_cast %or3A_344 : vector<16xi32> to vector<16xi32>
      tpu.vector_store %arg8[%swap3A_351], %swap3A_354 {strides = array<i32>} : memref<8192xi32, #tpu.memory_space<vmem>>, vector<16xi32>,
      %mul3A_355 = arith.constant 8 : i32
      %mul3A_356 = arith.muli %mul3A_355, %scan3A_168 : i32
      %add3A_357 = arith.constant 7 : i32
      %add3A_358 = arith.addi %mul3A_356, %add3A_357 : i32
      %mul3A_359 = arith.constant 16 : i32
      %mul3A_360 = arith.muli %add3A_358, %mul3A_359 : i32
      %get3A_361 = arith.index_cast %mul3A_360 : i32 to index
      %get3A_362 = tpu.vector_load %arg6[%get3A_361] {strides = array<i32>} : memref<8192xi32, #tpu.memory_space<vmem>>, vector<16xi32>,
      %get3A_363 = vector.shape_cast %get3A_362 : vector<16xi32> to vector<16xi32>
      %shift_right_arithmetic3A_364 = arith.shrsi %get3A_20, %get3A_363 : vector<16xi32>
      %and3A_365 = arith.constant 1 : i32
      %and3A_366 = vector.broadcast %and3A_365 : i32 to vector<16xi32>
      %and3A_367 = arith.andi %shift_right_arithmetic3A_364, %and3A_366 : vector<16xi32>
      %neg3A_368 = arith.constant 0 : i32
      %neg3A_369 = vector.broadcast %neg3A_368 : i32 to vector<16xi32>
      %neg3A_370 = arith.subi %neg3A_369, %and3A_367 : vector<16xi32>
      %or3A_371 = arith.ori %get3A_363, %neg3A_370 : vector<16xi32>
      %mul3A_372 = arith.constant 8 : i32
      %mul3A_373 = arith.muli %mul3A_372, %scan3A_168 : i32
      %add3A_374 = arith.constant 7 : i32
      %add3A_375 = arith.addi %mul3A_373, %add3A_374 : i32
      %mul3A_376 = arith.constant 16 : i32
      %mul3A_377 = arith.muli %add3A_375, %mul3A_376 : i32
      %swap3A_378 = arith.index_cast %mul3A_377 : i32 to index
      %swap3A_379 = tpu.vector_load %arg8[%swap3A_378] {strides = array<i32>} : memref<8192xi32, #tpu.memory_space<vmem>>, vector<16xi32>,
      %swap3A_380 = vector.shape_cast %swap3A_379 : vector<16xi32> to vector<16xi32>
      %swap3A_381 = vector.shape_cast %or3A_371 : vector<16xi32> to vector<16xi32>
      tpu.vector_store %arg8[%swap3A_378], %swap3A_381 {strides = array<i32>} : memref<8192xi32, #tpu.memory_space<vmem>>, vector<16xi32>,
      %scan3A_382 = arith.constant 0 : i32
      scf.yield %scan3A_382 : i32
    }
    %scan3A_68 = arith.constant 64 : i32
    %add3A_69 = arith.constant 16384 : i32
    %add3A_70 = arith.addi %mul3A_2, %add3A_69 : i32
    %dma_start3A_71 = tpu.memref_slice %arg4[%add3A_70] : memref<2097152xi32, #tpu.memory_space<hbm>> -> memref<8192xi32, #tpu.memory_space<hbm>>
    %dma_start3A_72 = tpu.memref_slice %arg4[%add3A_70] : memref<2097152xi32, #tpu.memory_space<hbm>> -> memref<8192xi32, #tpu.memory_space<hbm>>
    tpu.enqueue_dma source(%arg8 : memref<8192xi32, #tpu.memory_space<vmem>>) target(%dma_start3A_72 : memref<8192xi32, #tpu.memory_space<hbm>>) target_semaphore(%arg12 : memref<!tpu.dma_semaphore, #tpu.memory_space<semaphore_mem>>)
    %add3A_73 = arith.constant 32768 : i32
    %add3A_74 = arith.addi %mul3A_2, %add3A_73 : i32
    %dma_start3A_75 = tpu.memref_slice %arg2[%add3A_74] : memref<2097152xi32, #tpu.memory_space<hbm>> -> memref<8192xi32, #tpu.memory_space<hbm>>
    %dma_start3A_76 = tpu.memref_slice %arg2[%add3A_74] : memref<2097152xi32, #tpu.memory_space<hbm>> -> memref<8192xi32, #tpu.memory_space<hbm>>
    tpu.enqueue_dma source(%dma_start3A_76 : memref<8192xi32, #tpu.memory_space<hbm>>) target(%arg6 : memref<8192xi32, #tpu.memory_space<vmem>>) target_semaphore(%arg10 : memref<!tpu.dma_semaphore, #tpu.memory_space<semaphore_mem>>)
    %dma_wait3A_77 = tpu.memref_slice %arg2[%add3A_55] : memref<2097152xi32, #tpu.memory_space<hbm>> -> memref<8192xi32, #tpu.memory_space<hbm>>
    %dma_wait3A_78 = tpu.memref_slice %arg2[%add3A_55] : memref<2097152xi32, #tpu.memory_space<hbm>> -> memref<8192xi32, #tpu.memory_space<hbm>>
    tpu.wait_dma2 semaphore(%arg11 : memref<!tpu.dma_semaphore, #tpu.memory_space<semaphore_mem>>) src(%dma_wait3A_78 : memref<8192xi32, #tpu.memory_space<hbm>>) dst(%arg7 : memref<8192xi32, #tpu.memory_space<vmem>>)
    %dma_wait3A_79 = tpu.memref_slice %arg4[%add3A_51] : memref<2097152xi32, #tpu.memory_space<hbm>> -> memref<8192xi32, #tpu.memory_space<hbm>>
    %dma_wait3A_80 = tpu.memref_slice %arg4[%add3A_51] : memref<2097152xi32, #tpu.memory_space<hbm>> -> memref<8192xi32, #tpu.memory_space<hbm>>
    tpu.wait_dma2 semaphore(%arg13 : memref<!tpu.dma_semaphore, #tpu.memory_space<semaphore_mem>>) src(%arg9 : memref<8192xi32, #tpu.memory_space<vmem>>) dst(%dma_wait3A_80 : memref<8192xi32, #tpu.memory_space<hbm>>)
    %scan3A_81 = arith.constant 0 : i32
    %scan3A_82 = arith.constant 0 : i32
    %scan3A_83 = arith.constant 64 : i32
    %scan3A_84 = arith.addi %scan3A_82, %scan3A_83 : i32
    %scan3A_85 = arith.constant 1 : i32
    %scan3A_86 = scf.for %scan3A_168 = %scan3A_82 to %scan3A_84 step %scan3A_85 iter_args(%scan3A_169 = %scan3A_81) -> (i32)  : i32 {
      %mul3A_170 = arith.constant 8 : i32
      %mul3A_171 = arith.muli %mul3A_170, %scan3A_168 : i32
      %add3A_172 = arith.constant 0 : i32
      %add3A_173 = arith.addi %mul3A_171, %add3A_172 : i32
      %mul3A_174 = arith.constant 16 : i32
      %mul3A_175 = arith.muli %add3A_173, %mul3A_174 : i32
      %get3A_176 = arith.index_cast %mul3A_175 : i32 to index
      %get3A_177 = tpu.vector_load %arg7[%get3A_176] {strides = array<i32>} : memref<8192xi32, #tpu.memory_space<vmem>>, vector<16xi32>,
      %get3A_178 = vector.shape_cast %get3A_177 : vector<16xi32> to vector<16xi32>
      %shift_right_arithmetic3A = arith.shrsi %get3A_20, %get3A_178 : vector<16xi32>
      %and3A_179 = arith.constant 1 : i32
      %and3A_180 = vector.broadcast %and3A_179 : i32 to vector<16xi32>
      %and3A_181 = arith.andi %shift_right_arithmetic3A, %and3A_180 : vector<16xi32>
      %neg3A = arith.constant 0 : i32
      %neg3A_182 = vector.broadcast %neg3A : i32 to vector<16xi32>
      %neg3A_183 = arith.subi %neg3A_182, %and3A_181 : vector<16xi32>
      %or3A = arith.ori %get3A_178, %neg3A_183 : vector<16xi32>
      %mul3A_184 = arith.constant 8 : i32
      %mul3A_185 = arith.muli %mul3A_184, %scan3A_168 : i32
      %add3A_186 = arith.constant 0 : i32
      %add3A_187 = arith.addi %mul3A_185, %add3A_186 : i32
      %mul3A_188 = arith.constant 16 : i32
      %mul3A_189 = arith.muli %add3A_187, %mul3A_188 : i32
      %swap3A = arith.index_cast %mul3A_189 : i32 to index
      %swap3A_190 = tpu.vector_load %arg9[%swap3A] {strides = array<i32>} : memref<8192xi32, #tpu.memory_space<vmem>>, vector<16xi32>,
      %swap3A_191 = vector.shape_cast %swap3A_190 : vector<16xi32> to vector<16xi32>
      %swap3A_192 = vector.shape_cast %or3A : vector<16xi32> to vector<16xi32>
      tpu.vector_store %arg9[%swap3A], %swap3A_192 {strides = array<i32>} : memref<8192xi32, #tpu.memory_space<vmem>>, vector<16xi32>,
      %mul3A_193 = arith.constant 8 : i32
      %mul3A_194 = arith.muli %mul3A_193, %scan3A_168 : i32
      %add3A_195 = arith.constant 1 : i32
      %add3A_196 = arith.addi %mul3A_194, %add3A_195 : i32
      %mul3A_197 = arith.constant 16 : i32
      %mul3A_198 = arith.muli %add3A_196, %mul3A_197 : i32
      %get3A_199 = arith.index_cast %mul3A_198 : i32 to index
      %get3A_200 = tpu.vector_load %arg7[%get3A_199] {strides = array<i32>} : memref<8192xi32, #tpu.memory_space<vmem>>, vector<16xi32>,
      %get3A_201 = vector.shape_cast %get3A_200 : vector<16xi32> to vector<16xi32>
      %shift_right_arithmetic3A_202 = arith.shrsi %get3A_20, %get3A_201 : vector<16xi32>
      %and3A_203 = arith.constant 1 : i32
      %and3A_204 = vector.broadcast %and3A_203 : i32 to vector<16xi32>
      %and3A_205 = arith.andi %shift_right_arithmetic3A_202, %and3A_204 : vector<16xi32>
      %neg3A_206 = arith.constant 0 : i32
      %neg3A_207 = vector.broadcast %neg3A_206 : i32 to vector<16xi32>
      %neg3A_208 = arith.subi %neg3A_207, %and3A_205 : vector<16xi32>
      %or3A_209 = arith.ori %get3A_201, %neg3A_208 : vector<16xi32>
      %mul3A_210 = arith.constant 8 : i32
      %mul3A_211 = arith.muli %mul3A_210, %scan3A_168 : i32
      %add3A_212 = arith.constant 1 : i32
      %add3A_213 = arith.addi %mul3A_211, %add3A_212 : i32
      %mul3A_214 = arith.constant 16 : i32
      %mul3A_215 = arith.muli %add3A_213, %mul3A_214 : i32
      %swap3A_216 = arith.index_cast %mul3A_215 : i32 to index
      %swap3A_217 = tpu.vector_load %arg9[%swap3A_216] {strides = array<i32>} : memref<8192xi32, #tpu.memory_space<vmem>>, vector<16xi32>,
      %swap3A_218 = vector.shape_cast %swap3A_217 : vector<16xi32> to vector<16xi32>
      %swap3A_219 = vector.shape_cast %or3A_209 : vector<16xi32> to vector<16xi32>
      tpu.vector_store %arg9[%swap3A_216], %swap3A_219 {strides = array<i32>} : memref<8192xi32, #tpu.memory_space<vmem>>, vector<16xi32>,
      %mul3A_220 = arith.constant 8 : i32
      %mul3A_221 = arith.muli %mul3A_220, %scan3A_168 : i32
      %add3A_222 = arith.constant 2 : i32
      %add3A_223 = arith.addi %mul3A_221, %add3A_222 : i32
      %mul3A_224 = arith.constant 16 : i32
      %mul3A_225 = arith.muli %add3A_223, %mul3A_224 : i32
      %get3A_226 = arith.index_cast %mul3A_225 : i32 to index
      %get3A_227 = tpu.vector_load %arg7[%get3A_226] {strides = array<i32>} : memref<8192xi32, #tpu.memory_space<vmem>>, vector<16xi32>,
      %get3A_228 = vector.shape_cast %get3A_227 : vector<16xi32> to vector<16xi32>
      %shift_right_arithmetic3A_229 = arith.shrsi %get3A_20, %get3A_228 : vector<16xi32>
      %and3A_230 = arith.constant 1 : i32
      %and3A_231 = vector.broadcast %and3A_230 : i32 to vector<16xi32>
      %and3A_232 = arith.andi %shift_right_arithmetic3A_229, %and3A_231 : vector<16xi32>
      %neg3A_233 = arith.constant 0 : i32
      %neg3A_234 = vector.broadcast %neg3A_233 : i32 to vector<16xi32>
      %neg3A_235 = arith.subi %neg3A_234, %and3A_232 : vector<16xi32>
      %or3A_236 = arith.ori %get3A_228, %neg3A_235 : vector<16xi32>
      %mul3A_237 = arith.constant 8 : i32
      %mul3A_238 = arith.muli %mul3A_237, %scan3A_168 : i32
      %add3A_239 = arith.constant 2 : i32
      %add3A_240 = arith.addi %mul3A_238, %add3A_239 : i32
      %mul3A_241 = arith.constant 16 : i32
      %mul3A_242 = arith.muli %add3A_240, %mul3A_241 : i32
      %swap3A_243 = arith.index_cast %mul3A_242 : i32 to index
      %swap3A_244 = tpu.vector_load %arg9[%swap3A_243] {strides = array<i32>} : memref<8192xi32, #tpu.memory_space<vmem>>, vector<16xi32>,
      %swap3A_245 = vector.shape_cast %swap3A_244 : vector<16xi32> to vector<16xi32>
      %swap3A_246 = vector.shape_cast %or3A_236 : vector<16xi32> to vector<16xi32>
      tpu.vector_store %arg9[%swap3A_243], %swap3A_246 {strides = array<i32>} : memref<8192xi32, #tpu.memory_space<vmem>>, vector<16xi32>,
      %mul3A_247 = arith.constant 8 : i32
      %mul3A_248 = arith.muli %mul3A_247, %scan3A_168 : i32
      %add3A_249 = arith.constant 3 : i32
      %add3A_250 = arith.addi %mul3A_248, %add3A_249 : i32
      %mul3A_251 = arith.constant 16 : i32
      %mul3A_252 = arith.muli %add3A_250, %mul3A_251 : i32
      %get3A_253 = arith.index_cast %mul3A_252 : i32 to index
      %get3A_254 = tpu.vector_load %arg7[%get3A_253] {strides = array<i32>} : memref<8192xi32, #tpu.memory_space<vmem>>, vector<16xi32>,
      %get3A_255 = vector.shape_cast %get3A_254 : vector<16xi32> to vector<16xi32>
      %shift_right_arithmetic3A_256 = arith.shrsi %get3A_20, %get3A_255 : vector<16xi32>
      %and3A_257 = arith.constant 1 : i32
      %and3A_258 = vector.broadcast %and3A_257 : i32 to vector<16xi32>
      %and3A_259 = arith.andi %shift_right_arithmetic3A_256, %and3A_258 : vector<16xi32>
      %neg3A_260 = arith.constant 0 : i32
      %neg3A_261 = vector.broadcast %neg3A_260 : i32 to vector<16xi32>
      %neg3A_262 = arith.subi %neg3A_261, %and3A_259 : vector<16xi32>
      %or3A_263 = arith.ori %get3A_255, %neg3A_262 : vector<16xi32>
      %mul3A_264 = arith.constant 8 : i32
      %mul3A_265 = arith.muli %mul3A_264, %scan3A_168 : i32
      %add3A_266 = arith.constant 3 : i32
      %add3A_267 = arith.addi %mul3A_265, %add3A_266 : i32
      %mul3A_268 = arith.constant 16 : i32
      %mul3A_269 = arith.muli %add3A_267, %mul3A_268 : i32
      %swap3A_270 = arith.index_cast %mul3A_269 : i32 to index
      %swap3A_271 = tpu.vector_load %arg9[%swap3A_270] {strides = array<i32>} : memref<8192xi32, #tpu.memory_space<vmem>>, vector<16xi32>,
      %swap3A_272 = vector.shape_cast %swap3A_271 : vector<16xi32> to vector<16xi32>
      %swap3A_273 = vector.shape_cast %or3A_263 : vector<16xi32> to vector<16xi32>
      tpu.vector_store %arg9[%swap3A_270], %swap3A_273 {strides = array<i32>} : memref<8192xi32, #tpu.memory_space<vmem>>, vector<16xi32>,
      %mul3A_274 = arith.constant 8 : i32
      %mul3A_275 = arith.muli %mul3A_274, %scan3A_168 : i32
      %add3A_276 = arith.constant 4 : i32
      %add3A_277 = arith.addi %mul3A_275, %add3A_276 : i32
      %mul3A_278 = arith.constant 16 : i32
      %mul3A_279 = arith.muli %add3A_277, %mul3A_278 : i32
      %get3A_280 = arith.index_cast %mul3A_279 : i32 to index
      %get3A_281 = tpu.vector_load %arg7[%get3A_280] {strides = array<i32>} : memref<8192xi32, #tpu.memory_space<vmem>>, vector<16xi32>,
      %get3A_282 = vector.shape_cast %get3A_281 : vector<16xi32> to vector<16xi32>
      %shift_right_arithmetic3A_283 = arith.shrsi %get3A_20, %get3A_282 : vector<16xi32>
      %and3A_284 = arith.constant 1 : i32
      %and3A_285 = vector.broadcast %and3A_284 : i32 to vector<16xi32>
      %and3A_286 = arith.andi %shift_right_arithmetic3A_283, %and3A_285 : vector<16xi32>
      %neg3A_287 = arith.constant 0 : i32
      %neg3A_288 = vector.broadcast %neg3A_287 : i32 to vector<16xi32>
      %neg3A_289 = arith.subi %neg3A_288, %and3A_286 : vector<16xi32>
      %or3A_290 = arith.ori %get3A_282, %neg3A_289 : vector<16xi32>
      %mul3A_291 = arith.constant 8 : i32
      %mul3A_292 = arith.muli %mul3A_291, %scan3A_168 : i32
      %add3A_293 = arith.constant 4 : i32
      %add3A_294 = arith.addi %mul3A_292, %add3A_293 : i32
      %mul3A_295 = arith.constant 16 : i32
      %mul3A_296 = arith.muli %add3A_294, %mul3A_295 : i32
      %swap3A_297 = arith.index_cast %mul3A_296 : i32 to index
      %swap3A_298 = tpu.vector_load %arg9[%swap3A_297] {strides = array<i32>} : memref<8192xi32, #tpu.memory_space<vmem>>, vector<16xi32>,
      %swap3A_299 = vector.shape_cast %swap3A_298 : vector<16xi32> to vector<16xi32>
      %swap3A_300 = vector.shape_cast %or3A_290 : vector<16xi32> to vector<16xi32>
      tpu.vector_store %arg9[%swap3A_297], %swap3A_300 {strides = array<i32>} : memref<8192xi32, #tpu.memory_space<vmem>>, vector<16xi32>,
      %mul3A_301 = arith.constant 8 : i32
      %mul3A_302 = arith.muli %mul3A_301, %scan3A_168 : i32
      %add3A_303 = arith.constant 5 : i32
      %add3A_304 = arith.addi %mul3A_302, %add3A_303 : i32
      %mul3A_305 = arith.constant 16 : i32
      %mul3A_306 = arith.muli %add3A_304, %mul3A_305 : i32
      %get3A_307 = arith.index_cast %mul3A_306 : i32 to index
      %get3A_308 = tpu.vector_load %arg7[%get3A_307] {strides = array<i32>} : memref<8192xi32, #tpu.memory_space<vmem>>, vector<16xi32>,
      %get3A_309 = vector.shape_cast %get3A_308 : vector<16xi32> to vector<16xi32>
      %shift_right_arithmetic3A_310 = arith.shrsi %get3A_20, %get3A_309 : vector<16xi32>
      %and3A_311 = arith.constant 1 : i32
      %and3A_312 = vector.broadcast %and3A_311 : i32 to vector<16xi32>
      %and3A_313 = arith.andi %shift_right_arithmetic3A_310, %and3A_312 : vector<16xi32>
      %neg3A_314 = arith.constant 0 : i32
      %neg3A_315 = vector.broadcast %neg3A_314 : i32 to vector<16xi32>
      %neg3A_316 = arith.subi %neg3A_315, %and3A_313 : vector<16xi32>
      %or3A_317 = arith.ori %get3A_309, %neg3A_316 : vector<16xi32>
      %mul3A_318 = arith.constant 8 : i32
      %mul3A_319 = arith.muli %mul3A_318, %scan3A_168 : i32
      %add3A_320 = arith.constant 5 : i32
      %add3A_321 = arith.addi %mul3A_319, %add3A_320 : i32
      %mul3A_322 = arith.constant 16 : i32
      %mul3A_323 = arith.muli %add3A_321, %mul3A_322 : i32
      %swap3A_324 = arith.index_cast %mul3A_323 : i32 to index
      %swap3A_325 = tpu.vector_load %arg9[%swap3A_324] {strides = array<i32>} : memref<8192xi32, #tpu.memory_space<vmem>>, vector<16xi32>,
      %swap3A_326 = vector.shape_cast %swap3A_325 : vector<16xi32> to vector<16xi32>
      %swap3A_327 = vector.shape_cast %or3A_317 : vector<16xi32> to vector<16xi32>
      tpu.vector_store %arg9[%swap3A_324], %swap3A_327 {strides = array<i32>} : memref<8192xi32, #tpu.memory_space<vmem>>, vector<16xi32>,
      %mul3A_328 = arith.constant 8 : i32
      %mul3A_329 = arith.muli %mul3A_328, %scan3A_168 : i32
      %add3A_330 = arith.constant 6 : i32
      %add3A_331 = arith.addi %mul3A_329, %add3A_330 : i32
      %mul3A_332 = arith.constant 16 : i32
      %mul3A_333 = arith.muli %add3A_331, %mul3A_332 : i32
      %get3A_334 = arith.index_cast %mul3A_333 : i32 to index
      %get3A_335 = tpu.vector_load %arg7[%get3A_334] {strides = array<i32>} : memref<8192xi32, #tpu.memory_space<vmem>>, vector<16xi32>,
      %get3A_336 = vector.shape_cast %get3A_335 : vector<16xi32> to vector<16xi32>
      %shift_right_arithmetic3A_337 = arith.shrsi %get3A_20, %get3A_336 : vector<16xi32>
      %and3A_338 = arith.constant 1 : i32
      %and3A_339 = vector.broadcast %and3A_338 : i32 to vector<16xi32>
      %and3A_340 = arith.andi %shift_right_arithmetic3A_337, %and3A_339 : vector<16xi32>
      %neg3A_341 = arith.constant 0 : i32
      %neg3A_342 = vector.broadcast %neg3A_341 : i32 to vector<16xi32>
      %neg3A_343 = arith.subi %neg3A_342, %and3A_340 : vector<16xi32>
      %or3A_344 = arith.ori %get3A_336, %neg3A_343 : vector<16xi32>
      %mul3A_345 = arith.constant 8 : i32
      %mul3A_346 = arith.muli %mul3A_345, %scan3A_168 : i32
      %add3A_347 = arith.constant 6 : i32
      %add3A_348 = arith.addi %mul3A_346, %add3A_347 : i32
      %mul3A_349 = arith.constant 16 : i32
      %mul3A_350 = arith.muli %add3A_348, %mul3A_349 : i32
      %swap3A_351 = arith.index_cast %mul3A_350 : i32 to index
      %swap3A_352 = tpu.vector_load %arg9[%swap3A_351] {strides = array<i32>} : memref<8192xi32, #tpu.memory_space<vmem>>, vector<16xi32>,
      %swap3A_353 = vector.shape_cast %swap3A_352 : vector<16xi32> to vector<16xi32>
      %swap3A_354 = vector.shape_cast %or3A_344 : vector<16xi32> to vector<16xi32>
      tpu.vector_store %arg9[%swap3A_351], %swap3A_354 {strides = array<i32>} : memref<8192xi32, #tpu.memory_space<vmem>>, vector<16xi32>,
      %mul3A_355 = arith.constant 8 : i32
      %mul3A_356 = arith.muli %mul3A_355, %scan3A_168 : i32
      %add3A_357 = arith.constant 7 : i32
      %add3A_358 = arith.addi %mul3A_356, %add3A_357 : i32
      %mul3A_359 = arith.constant 16 : i32
      %mul3A_360 = arith.muli %add3A_358, %mul3A_359 : i32
      %get3A_361 = arith.index_cast %mul3A_360 : i32 to index
      %get3A_362 = tpu.vector_load %arg7[%get3A_361] {strides = array<i32>} : memref<8192xi32, #tpu.memory_space<vmem>>, vector<16xi32>,
      %get3A_363 = vector.shape_cast %get3A_362 : vector<16xi32> to vector<16xi32>
      %shift_right_arithmetic3A_364 = arith.shrsi %get3A_20, %get3A_363 : vector<16xi32>
      %and3A_365 = arith.constant 1 : i32
      %and3A_366 = vector.broadcast %and3A_365 : i32 to vector<16xi32>
      %and3A_367 = arith.andi %shift_right_arithmetic3A_364, %and3A_366 : vector<16xi32>
      %neg3A_368 = arith.constant 0 : i32
      %neg3A_369 = vector.broadcast %neg3A_368 : i32 to vector<16xi32>
      %neg3A_370 = arith.subi %neg3A_369, %and3A_367 : vector<16xi32>
      %or3A_371 = arith.ori %get3A_363, %neg3A_370 : vector<16xi32>
      %mul3A_372 = arith.constant 8 : i32
      %mul3A_373 = arith.muli %mul3A_372, %scan3A_168 : i32
      %add3A_374 = arith.constant 7 : i32
      %add3A_375 = arith.addi %mul3A_373, %add3A_374 : i32
      %mul3A_376 = arith.constant 16 : i32
      %mul3A_377 = arith.muli %add3A_375, %mul3A_376 : i32
      %swap3A_378 = arith.index_cast %mul3A_377 : i32 to index
      %swap3A_379 = tpu.vector_load %arg9[%swap3A_378] {strides = array<i32>} : memref<8192xi32, #tpu.memory_space<vmem>>, vector<16xi32>,
      %swap3A_380 = vector.shape_cast %swap3A_379 : vector<16xi32> to vector<16xi32>
      %swap3A_381 = vector.shape_cast %or3A_371 : vector<16xi32> to vector<16xi32>
      tpu.vector_store %arg9[%swap3A_378], %swap3A_381 {strides = array<i32>} : memref<8192xi32, #tpu.memory_space<vmem>>, vector<16xi32>,
      %scan3A_382 = arith.constant 0 : i32
      scf.yield %scan3A_382 : i32
    }
    %scan3A_87 = arith.constant 64 : i32
    %add3A_88 = arith.constant 24576 : i32
    %add3A_89 = arith.addi %mul3A_2, %add3A_88 : i32
    %dma_start3A_90 = tpu.memref_slice %arg4[%add3A_89] : memref<2097152xi32, #tpu.memory_space<hbm>> -> memref<8192xi32, #tpu.memory_space<hbm>>
    %dma_start3A_91 = tpu.memref_slice %arg4[%add3A_89] : memref<2097152xi32, #tpu.memory_space<hbm>> -> memref<8192xi32, #tpu.memory_space<hbm>>
    tpu.enqueue_dma source(%arg9 : memref<8192xi32, #tpu.memory_space<vmem>>) target(%dma_start3A_91 : memref<8192xi32, #tpu.memory_space<hbm>>) target_semaphore(%arg13 : memref<!tpu.dma_semaphore, #tpu.memory_space<semaphore_mem>>)
    %add3A_92 = arith.constant 40960 : i32
    %add3A_93 = arith.addi %mul3A_2, %add3A_92 : i32
    %dma_start3A_94 = tpu.memref_slice %arg2[%add3A_93] : memref<2097152xi32, #tpu.memory_space<hbm>> -> memref<8192xi32, #tpu.memory_space<hbm>>
    %dma_start3A_95 = tpu.memref_slice %arg2[%add3A_93] : memref<2097152xi32, #tpu.memory_space<hbm>> -> memref<8192xi32, #tpu.memory_space<hbm>>
    tpu.enqueue_dma source(%dma_start3A_95 : memref<8192xi32, #tpu.memory_space<hbm>>) target(%arg7 : memref<8192xi32, #tpu.memory_space<vmem>>) target_semaphore(%arg11 : memref<!tpu.dma_semaphore, #tpu.memory_space<semaphore_mem>>)
    %dma_wait3A_96 = tpu.memref_slice %arg2[%add3A_74] : memref<2097152xi32, #tpu.memory_space<hbm>> -> memref<8192xi32, #tpu.memory_space<hbm>>
    %dma_wait3A_97 = tpu.memref_slice %arg2[%add3A_74] : memref<2097152xi32, #tpu.memory_space<hbm>> -> memref<8192xi32, #tpu.memory_space<hbm>>
    tpu.wait_dma2 semaphore(%arg10 : memref<!tpu.dma_semaphore, #tpu.memory_space<semaphore_mem>>) src(%dma_wait3A_97 : memref<8192xi32, #tpu.memory_space<hbm>>) dst(%arg6 : memref<8192xi32, #tpu.memory_space<vmem>>)
    %dma_wait3A_98 = tpu.memref_slice %arg4[%add3A_70] : memref<2097152xi32, #tpu.memory_space<hbm>> -> memref<8192xi32, #tpu.memory_space<hbm>>
    %dma_wait3A_99 = tpu.memref_slice %arg4[%add3A_70] : memref<2097152xi32, #tpu.memory_space<hbm>> -> memref<8192xi32, #tpu.memory_space<hbm>>
    tpu.wait_dma2 semaphore(%arg12 : memref<!tpu.dma_semaphore, #tpu.memory_space<semaphore_mem>>) src(%arg8 : memref<8192xi32, #tpu.memory_space<vmem>>) dst(%dma_wait3A_99 : memref<8192xi32, #tpu.memory_space<hbm>>)
    %scan3A_100 = arith.constant 0 : i32
    %scan3A_101 = arith.constant 0 : i32
    %scan3A_102 = arith.constant 64 : i32
    %scan3A_103 = arith.addi %scan3A_101, %scan3A_102 : i32
    %scan3A_104 = arith.constant 1 : i32
    %scan3A_105 = scf.for %scan3A_168 = %scan3A_101 to %scan3A_103 step %scan3A_104 iter_args(%scan3A_169 = %scan3A_100) -> (i32)  : i32 {
      %mul3A_170 = arith.constant 8 : i32
      %mul3A_171 = arith.muli %mul3A_170, %scan3A_168 : i32
      %add3A_172 = arith.constant 0 : i32
      %add3A_173 = arith.addi %mul3A_171, %add3A_172 : i32
      %mul3A_174 = arith.constant 16 : i32
      %mul3A_175 = arith.muli %add3A_173, %mul3A_174 : i32
      %get3A_176 = arith.index_cast %mul3A_175 : i32 to index
      %get3A_177 = tpu.vector_load %arg6[%get3A_176] {strides = array<i32>} : memref<8192xi32, #tpu.memory_space<vmem>>, vector<16xi32>,
      %get3A_178 = vector.shape_cast %get3A_177 : vector<16xi32> to vector<16xi32>
      %shift_right_arithmetic3A = arith.shrsi %get3A_20, %get3A_178 : vector<16xi32>
      %and3A_179 = arith.constant 1 : i32
      %and3A_180 = vector.broadcast %and3A_179 : i32 to vector<16xi32>
      %and3A_181 = arith.andi %shift_right_arithmetic3A, %and3A_180 : vector<16xi32>
      %neg3A = arith.constant 0 : i32
      %neg3A_182 = vector.broadcast %neg3A : i32 to vector<16xi32>
      %neg3A_183 = arith.subi %neg3A_182, %and3A_181 : vector<16xi32>
      %or3A = arith.ori %get3A_178, %neg3A_183 : vector<16xi32>
      %mul3A_184 = arith.constant 8 : i32
      %mul3A_185 = arith.muli %mul3A_184, %scan3A_168 : i32
      %add3A_186 = arith.constant 0 : i32
      %add3A_187 = arith.addi %mul3A_185, %add3A_186 : i32
      %mul3A_188 = arith.constant 16 : i32
      %mul3A_189 = arith.muli %add3A_187, %mul3A_188 : i32
      %swap3A = arith.index_cast %mul3A_189 : i32 to index
      %swap3A_190 = tpu.vector_load %arg8[%swap3A] {strides = array<i32>} : memref<8192xi32, #tpu.memory_space<vmem>>, vector<16xi32>,
      %swap3A_191 = vector.shape_cast %swap3A_190 : vector<16xi32> to vector<16xi32>
      %swap3A_192 = vector.shape_cast %or3A : vector<16xi32> to vector<16xi32>
      tpu.vector_store %arg8[%swap3A], %swap3A_192 {strides = array<i32>} : memref<8192xi32, #tpu.memory_space<vmem>>, vector<16xi32>,
      %mul3A_193 = arith.constant 8 : i32
      %mul3A_194 = arith.muli %mul3A_193, %scan3A_168 : i32
      %add3A_195 = arith.constant 1 : i32
      %add3A_196 = arith.addi %mul3A_194, %add3A_195 : i32
      %mul3A_197 = arith.constant 16 : i32
      %mul3A_198 = arith.muli %add3A_196, %mul3A_197 : i32
      %get3A_199 = arith.index_cast %mul3A_198 : i32 to index
      %get3A_200 = tpu.vector_load %arg6[%get3A_199] {strides = array<i32>} : memref<8192xi32, #tpu.memory_space<vmem>>, vector<16xi32>,
      %get3A_201 = vector.shape_cast %get3A_200 : vector<16xi32> to vector<16xi32>
      %shift_right_arithmetic3A_202 = arith.shrsi %get3A_20, %get3A_201 : vector<16xi32>
      %and3A_203 = arith.constant 1 : i32
      %and3A_204 = vector.broadcast %and3A_203 : i32 to vector<16xi32>
      %and3A_205 = arith.andi %shift_right_arithmetic3A_202, %and3A_204 : vector<16xi32>
      %neg3A_206 = arith.constant 0 : i32
      %neg3A_207 = vector.broadcast %neg3A_206 : i32 to vector<16xi32>
      %neg3A_208 = arith.subi %neg3A_207, %and3A_205 : vector<16xi32>
      %or3A_209 = arith.ori %get3A_201, %neg3A_208 : vector<16xi32>
      %mul3A_210 = arith.constant 8 : i32
      %mul3A_211 = arith.muli %mul3A_210, %scan3A_168 : i32
      %add3A_212 = arith.constant 1 : i32
      %add3A_213 = arith.addi %mul3A_211, %add3A_212 : i32
      %mul3A_214 = arith.constant 16 : i32
      %mul3A_215 = arith.muli %add3A_213, %mul3A_214 : i32
      %swap3A_216 = arith.index_cast %mul3A_215 : i32 to index
      %swap3A_217 = tpu.vector_load %arg8[%swap3A_216] {strides = array<i32>} : memref<8192xi32, #tpu.memory_space<vmem>>, vector<16xi32>,
      %swap3A_218 = vector.shape_cast %swap3A_217 : vector<16xi32> to vector<16xi32>
      %swap3A_219 = vector.shape_cast %or3A_209 : vector<16xi32> to vector<16xi32>
      tpu.vector_store %arg8[%swap3A_216], %swap3A_219 {strides = array<i32>} : memref<8192xi32, #tpu.memory_space<vmem>>, vector<16xi32>,
      %mul3A_220 = arith.constant 8 : i32
      %mul3A_221 = arith.muli %mul3A_220, %scan3A_168 : i32
      %add3A_222 = arith.constant 2 : i32
      %add3A_223 = arith.addi %mul3A_221, %add3A_222 : i32
      %mul3A_224 = arith.constant 16 : i32
      %mul3A_225 = arith.muli %add3A_223, %mul3A_224 : i32
      %get3A_226 = arith.index_cast %mul3A_225 : i32 to index
      %get3A_227 = tpu.vector_load %arg6[%get3A_226] {strides = array<i32>} : memref<8192xi32, #tpu.memory_space<vmem>>, vector<16xi32>,
      %get3A_228 = vector.shape_cast %get3A_227 : vector<16xi32> to vector<16xi32>
      %shift_right_arithmetic3A_229 = arith.shrsi %get3A_20, %get3A_228 : vector<16xi32>
      %and3A_230 = arith.constant 1 : i32
      %and3A_231 = vector.broadcast %and3A_230 : i32 to vector<16xi32>
      %and3A_232 = arith.andi %shift_right_arithmetic3A_229, %and3A_231 : vector<16xi32>
      %neg3A_233 = arith.constant 0 : i32
      %neg3A_234 = vector.broadcast %neg3A_233 : i32 to vector<16xi32>
      %neg3A_235 = arith.subi %neg3A_234, %and3A_232 : vector<16xi32>
      %or3A_236 = arith.ori %get3A_228, %neg3A_235 : vector<16xi32>
      %mul3A_237 = arith.constant 8 : i32
      %mul3A_238 = arith.muli %mul3A_237, %scan3A_168 : i32
      %add3A_239 = arith.constant 2 : i32
      %add3A_240 = arith.addi %mul3A_238, %add3A_239 : i32
      %mul3A_241 = arith.constant 16 : i32
      %mul3A_242 = arith.muli %add3A_240, %mul3A_241 : i32
      %swap3A_243 = arith.index_cast %mul3A_242 : i32 to index
      %swap3A_244 = tpu.vector_load %arg8[%swap3A_243] {strides = array<i32>} : memref<8192xi32, #tpu.memory_space<vmem>>, vector<16xi32>,
      %swap3A_245 = vector.shape_cast %swap3A_244 : vector<16xi32> to vector<16xi32>
      %swap3A_246 = vector.shape_cast %or3A_236 : vector<16xi32> to vector<16xi32>
      tpu.vector_store %arg8[%swap3A_243], %swap3A_246 {strides = array<i32>} : memref<8192xi32, #tpu.memory_space<vmem>>, vector<16xi32>,
      %mul3A_247 = arith.constant 8 : i32
      %mul3A_248 = arith.muli %mul3A_247, %scan3A_168 : i32
      %add3A_249 = arith.constant 3 : i32
      %add3A_250 = arith.addi %mul3A_248, %add3A_249 : i32
      %mul3A_251 = arith.constant 16 : i32
      %mul3A_252 = arith.muli %add3A_250, %mul3A_251 : i32
      %get3A_253 = arith.index_cast %mul3A_252 : i32 to index
      %get3A_254 = tpu.vector_load %arg6[%get3A_253] {strides = array<i32>} : memref<8192xi32, #tpu.memory_space<vmem>>, vector<16xi32>,
      %get3A_255 = vector.shape_cast %get3A_254 : vector<16xi32> to vector<16xi32>
      %shift_right_arithmetic3A_256 = arith.shrsi %get3A_20, %get3A_255 : vector<16xi32>
      %and3A_257 = arith.constant 1 : i32
      %and3A_258 = vector.broadcast %and3A_257 : i32 to vector<16xi32>
      %and3A_259 = arith.andi %shift_right_arithmetic3A_256, %and3A_258 : vector<16xi32>
      %neg3A_260 = arith.constant 0 : i32
      %neg3A_261 = vector.broadcast %neg3A_260 : i32 to vector<16xi32>
      %neg3A_262 = arith.subi %neg3A_261, %and3A_259 : vector<16xi32>
      %or3A_263 = arith.ori %get3A_255, %neg3A_262 : vector<16xi32>
      %mul3A_264 = arith.constant 8 : i32
      %mul3A_265 = arith.muli %mul3A_264, %scan3A_168 : i32
      %add3A_266 = arith.constant 3 : i32
      %add3A_267 = arith.addi %mul3A_265, %add3A_266 : i32
      %mul3A_268 = arith.constant 16 : i32
      %mul3A_269 = arith.muli %add3A_267, %mul3A_268 : i32
      %swap3A_270 = arith.index_cast %mul3A_269 : i32 to index
      %swap3A_271 = tpu.vector_load %arg8[%swap3A_270] {strides = array<i32>} : memref<8192xi32, #tpu.memory_space<vmem>>, vector<16xi32>,
      %swap3A_272 = vector.shape_cast %swap3A_271 : vector<16xi32> to vector<16xi32>
      %swap3A_273 = vector.shape_cast %or3A_263 : vector<16xi32> to vector<16xi32>
      tpu.vector_store %arg8[%swap3A_270], %swap3A_273 {strides = array<i32>} : memref<8192xi32, #tpu.memory_space<vmem>>, vector<16xi32>,
      %mul3A_274 = arith.constant 8 : i32
      %mul3A_275 = arith.muli %mul3A_274, %scan3A_168 : i32
      %add3A_276 = arith.constant 4 : i32
      %add3A_277 = arith.addi %mul3A_275, %add3A_276 : i32
      %mul3A_278 = arith.constant 16 : i32
      %mul3A_279 = arith.muli %add3A_277, %mul3A_278 : i32
      %get3A_280 = arith.index_cast %mul3A_279 : i32 to index
      %get3A_281 = tpu.vector_load %arg6[%get3A_280] {strides = array<i32>} : memref<8192xi32, #tpu.memory_space<vmem>>, vector<16xi32>,
      %get3A_282 = vector.shape_cast %get3A_281 : vector<16xi32> to vector<16xi32>
      %shift_right_arithmetic3A_283 = arith.shrsi %get3A_20, %get3A_282 : vector<16xi32>
      %and3A_284 = arith.constant 1 : i32
      %and3A_285 = vector.broadcast %and3A_284 : i32 to vector<16xi32>
      %and3A_286 = arith.andi %shift_right_arithmetic3A_283, %and3A_285 : vector<16xi32>
      %neg3A_287 = arith.constant 0 : i32
      %neg3A_288 = vector.broadcast %neg3A_287 : i32 to vector<16xi32>
      %neg3A_289 = arith.subi %neg3A_288, %and3A_286 : vector<16xi32>
      %or3A_290 = arith.ori %get3A_282, %neg3A_289 : vector<16xi32>
      %mul3A_291 = arith.constant 8 : i32
      %mul3A_292 = arith.muli %mul3A_291, %scan3A_168 : i32
      %add3A_293 = arith.constant 4 : i32
      %add3A_294 = arith.addi %mul3A_292, %add3A_293 : i32
      %mul3A_295 = arith.constant 16 : i32
      %mul3A_296 = arith.muli %add3A_294, %mul3A_295 : i32
      %swap3A_297 = arith.index_cast %mul3A_296 : i32 to index
      %swap3A_298 = tpu.vector_load %arg8[%swap3A_297] {strides = array<i32>} : memref<8192xi32, #tpu.memory_space<vmem>>, vector<16xi32>,
      %swap3A_299 = vector.shape_cast %swap3A_298 : vector<16xi32> to vector<16xi32>
      %swap3A_300 = vector.shape_cast %or3A_290 : vector<16xi32> to vector<16xi32>
      tpu.vector_store %arg8[%swap3A_297], %swap3A_300 {strides = array<i32>} : memref<8192xi32, #tpu.memory_space<vmem>>, vector<16xi32>,
      %mul3A_301 = arith.constant 8 : i32
      %mul3A_302 = arith.muli %mul3A_301, %scan3A_168 : i32
      %add3A_303 = arith.constant 5 : i32
      %add3A_304 = arith.addi %mul3A_302, %add3A_303 : i32
      %mul3A_305 = arith.constant 16 : i32
      %mul3A_306 = arith.muli %add3A_304, %mul3A_305 : i32
      %get3A_307 = arith.index_cast %mul3A_306 : i32 to index
      %get3A_308 = tpu.vector_load %arg6[%get3A_307] {strides = array<i32>} : memref<8192xi32, #tpu.memory_space<vmem>>, vector<16xi32>,
      %get3A_309 = vector.shape_cast %get3A_308 : vector<16xi32> to vector<16xi32>
      %shift_right_arithmetic3A_310 = arith.shrsi %get3A_20, %get3A_309 : vector<16xi32>
      %and3A_311 = arith.constant 1 : i32
      %and3A_312 = vector.broadcast %and3A_311 : i32 to vector<16xi32>
      %and3A_313 = arith.andi %shift_right_arithmetic3A_310, %and3A_312 : vector<16xi32>
      %neg3A_314 = arith.constant 0 : i32
      %neg3A_315 = vector.broadcast %neg3A_314 : i32 to vector<16xi32>
      %neg3A_316 = arith.subi %neg3A_315, %and3A_313 : vector<16xi32>
      %or3A_317 = arith.ori %get3A_309, %neg3A_316 : vector<16xi32>
      %mul3A_318 = arith.constant 8 : i32
      %mul3A_319 = arith.muli %mul3A_318, %scan3A_168 : i32
      %add3A_320 = arith.constant 5 : i32
      %add3A_321 = arith.addi %mul3A_319, %add3A_320 : i32
      %mul3A_322 = arith.constant 16 : i32
      %mul3A_323 = arith.muli %add3A_321, %mul3A_322 : i32
      %swap3A_324 = arith.index_cast %mul3A_323 : i32 to index
      %swap3A_325 = tpu.vector_load %arg8[%swap3A_324] {strides = array<i32>} : memref<8192xi32, #tpu.memory_space<vmem>>, vector<16xi32>,
      %swap3A_326 = vector.shape_cast %swap3A_325 : vector<16xi32> to vector<16xi32>
      %swap3A_327 = vector.shape_cast %or3A_317 : vector<16xi32> to vector<16xi32>
      tpu.vector_store %arg8[%swap3A_324], %swap3A_327 {strides = array<i32>} : memref<8192xi32, #tpu.memory_space<vmem>>, vector<16xi32>,
      %mul3A_328 = arith.constant 8 : i32
      %mul3A_329 = arith.muli %mul3A_328, %scan3A_168 : i32
      %add3A_330 = arith.constant 6 : i32
      %add3A_331 = arith.addi %mul3A_329, %add3A_330 : i32
      %mul3A_332 = arith.constant 16 : i32
      %mul3A_333 = arith.muli %add3A_331, %mul3A_332 : i32
      %get3A_334 = arith.index_cast %mul3A_333 : i32 to index
      %get3A_335 = tpu.vector_load %arg6[%get3A_334] {strides = array<i32>} : memref<8192xi32, #tpu.memory_space<vmem>>, vector<16xi32>,
      %get3A_336 = vector.shape_cast %get3A_335 : vector<16xi32> to vector<16xi32>
      %shift_right_arithmetic3A_337 = arith.shrsi %get3A_20, %get3A_336 : vector<16xi32>
      %and3A_338 = arith.constant 1 : i32
      %and3A_339 = vector.broadcast %and3A_338 : i32 to vector<16xi32>
      %and3A_340 = arith.andi %shift_right_arithmetic3A_337, %and3A_339 : vector<16xi32>
      %neg3A_341 = arith.constant 0 : i32
      %neg3A_342 = vector.broadcast %neg3A_341 : i32 to vector<16xi32>
      %neg3A_343 = arith.subi %neg3A_342, %and3A_340 : vector<16xi32>
      %or3A_344 = arith.ori %get3A_336, %neg3A_343 : vector<16xi32>
      %mul3A_345 = arith.constant 8 : i32
      %mul3A_346 = arith.muli %mul3A_345, %scan3A_168 : i32
      %add3A_347 = arith.constant 6 : i32
      %add3A_348 = arith.addi %mul3A_346, %add3A_347 : i32
      %mul3A_349 = arith.constant 16 : i32
      %mul3A_350 = arith.muli %add3A_348, %mul3A_349 : i32
      %swap3A_351 = arith.index_cast %mul3A_350 : i32 to index
      %swap3A_352 = tpu.vector_load %arg8[%swap3A_351] {strides = array<i32>} : memref<8192xi32, #tpu.memory_space<vmem>>, vector<16xi32>,
      %swap3A_353 = vector.shape_cast %swap3A_352 : vector<16xi32> to vector<16xi32>
      %swap3A_354 = vector.shape_cast %or3A_344 : vector<16xi32> to vector<16xi32>
      tpu.vector_store %arg8[%swap3A_351], %swap3A_354 {strides = array<i32>} : memref<8192xi32, #tpu.memory_space<vmem>>, vector<16xi32>,
      %mul3A_355 = arith.constant 8 : i32
      %mul3A_356 = arith.muli %mul3A_355, %scan3A_168 : i32
      %add3A_357 = arith.constant 7 : i32
      %add3A_358 = arith.addi %mul3A_356, %add3A_357 : i32
      %mul3A_359 = arith.constant 16 : i32
      %mul3A_360 = arith.muli %add3A_358, %mul3A_359 : i32
      %get3A_361 = arith.index_cast %mul3A_360 : i32 to index
      %get3A_362 = tpu.vector_load %arg6[%get3A_361] {strides = array<i32>} : memref<8192xi32, #tpu.memory_space<vmem>>, vector<16xi32>,
      %get3A_363 = vector.shape_cast %get3A_362 : vector<16xi32> to vector<16xi32>
      %shift_right_arithmetic3A_364 = arith.shrsi %get3A_20, %get3A_363 : vector<16xi32>
      %and3A_365 = arith.constant 1 : i32
      %and3A_366 = vector.broadcast %and3A_365 : i32 to vector<16xi32>
      %and3A_367 = arith.andi %shift_right_arithmetic3A_364, %and3A_366 : vector<16xi32>
      %neg3A_368 = arith.constant 0 : i32
      %neg3A_369 = vector.broadcast %neg3A_368 : i32 to vector<16xi32>
      %neg3A_370 = arith.subi %neg3A_369, %and3A_367 : vector<16xi32>
      %or3A_371 = arith.ori %get3A_363, %neg3A_370 : vector<16xi32>
      %mul3A_372 = arith.constant 8 : i32
      %mul3A_373 = arith.muli %mul3A_372, %scan3A_168 : i32
      %add3A_374 = arith.constant 7 : i32
      %add3A_375 = arith.addi %mul3A_373, %add3A_374 : i32
      %mul3A_376 = arith.constant 16 : i32
      %mul3A_377 = arith.muli %add3A_375, %mul3A_376 : i32
      %swap3A_378 = arith.index_cast %mul3A_377 : i32 to index
      %swap3A_379 = tpu.vector_load %arg8[%swap3A_378] {strides = array<i32>} : memref<8192xi32, #tpu.memory_space<vmem>>, vector<16xi32>,
      %swap3A_380 = vector.shape_cast %swap3A_379 : vector<16xi32> to vector<16xi32>
      %swap3A_381 = vector.shape_cast %or3A_371 : vector<16xi32> to vector<16xi32>
      tpu.vector_store %arg8[%swap3A_378], %swap3A_381 {strides = array<i32>} : memref<8192xi32, #tpu.memory_space<vmem>>, vector<16xi32>,
      %scan3A_382 = arith.constant 0 : i32
      scf.yield %scan3A_382 : i32
    }
    %scan3A_106 = arith.constant 64 : i32
    %add3A_107 = arith.constant 32768 : i32
    %add3A_108 = arith.addi %mul3A_2, %add3A_107 : i32
    %dma_start3A_109 = tpu.memref_slice %arg4[%add3A_108] : memref<2097152xi32, #tpu.memory_space<hbm>> -> memref<8192xi32, #tpu.memory_space<hbm>>
    %dma_start3A_110 = tpu.memref_slice %arg4[%add3A_108] : memref<2097152xi32, #tpu.memory_space<hbm>> -> memref<8192xi32, #tpu.memory_space<hbm>>
    tpu.enqueue_dma source(%arg8 : memref<8192xi32, #tpu.memory_space<vmem>>) target(%dma_start3A_110 : memref<8192xi32, #tpu.memory_space<hbm>>) target_semaphore(%arg12 : memref<!tpu.dma_semaphore, #tpu.memory_space<semaphore_mem>>)
    %add3A_111 = arith.constant 49152 : i32
    %add3A_112 = arith.addi %mul3A_2, %add3A_111 : i32
    %dma_start3A_113 = tpu.memref_slice %arg2[%add3A_112] : memref<2097152xi32, #tpu.memory_space<hbm>> -> memref<8192xi32, #tpu.memory_space<hbm>>
    %dma_start3A_114 = tpu.memref_slice %arg2[%add3A_112] : memref<2097152xi32, #tpu.memory_space<hbm>> -> memref<8192xi32, #tpu.memory_space<hbm>>
    tpu.enqueue_dma source(%dma_start3A_114 : memref<8192xi32, #tpu.memory_space<hbm>>) target(%arg6 : memref<8192xi32, #tpu.memory_space<vmem>>) target_semaphore(%arg10 : memref<!tpu.dma_semaphore, #tpu.memory_space<semaphore_mem>>)
    %dma_wait3A_115 = tpu.memref_slice %arg2[%add3A_93] : memref<2097152xi32, #tpu.memory_space<hbm>> -> memref<8192xi32, #tpu.memory_space<hbm>>
    %dma_wait3A_116 = tpu.memref_slice %arg2[%add3A_93] : memref<2097152xi32, #tpu.memory_space<hbm>> -> memref<8192xi32, #tpu.memory_space<hbm>>
    tpu.wait_dma2 semaphore(%arg11 : memref<!tpu.dma_semaphore, #tpu.memory_space<semaphore_mem>>) src(%dma_wait3A_116 : memref<8192xi32, #tpu.memory_space<hbm>>) dst(%arg7 : memref<8192xi32, #tpu.memory_space<vmem>>)
    %dma_wait3A_117 = tpu.memref_slice %arg4[%add3A_89] : memref<2097152xi32, #tpu.memory_space<hbm>> -> memref<8192xi32, #tpu.memory_space<hbm>>
    %dma_wait3A_118 = tpu.memref_slice %arg4[%add3A_89] : memref<2097152xi32, #tpu.memory_space<hbm>> -> memref<8192xi32, #tpu.memory_space<hbm>>
    tpu.wait_dma2 semaphore(%arg13 : memref<!tpu.dma_semaphore, #tpu.memory_space<semaphore_mem>>) src(%arg9 : memref<8192xi32, #tpu.memory_space<vmem>>) dst(%dma_wait3A_118 : memref<8192xi32, #tpu.memory_space<hbm>>)
    %scan3A_119 = arith.constant 0 : i32
    %scan3A_120 = arith.constant 0 : i32
    %scan3A_121 = arith.constant 64 : i32
    %scan3A_122 = arith.addi %scan3A_120, %scan3A_121 : i32
    %scan3A_123 = arith.constant 1 : i32
    %scan3A_124 = scf.for %scan3A_168 = %scan3A_120 to %scan3A_122 step %scan3A_123 iter_args(%scan3A_169 = %scan3A_119) -> (i32)  : i32 {
      %mul3A_170 = arith.constant 8 : i32
      %mul3A_171 = arith.muli %mul3A_170, %scan3A_168 : i32
      %add3A_172 = arith.constant 0 : i32
      %add3A_173 = arith.addi %mul3A_171, %add3A_172 : i32
      %mul3A_174 = arith.constant 16 : i32
      %mul3A_175 = arith.muli %add3A_173, %mul3A_174 : i32
      %get3A_176 = arith.index_cast %mul3A_175 : i32 to index
      %get3A_177 = tpu.vector_load %arg7[%get3A_176] {strides = array<i32>} : memref<8192xi32, #tpu.memory_space<vmem>>, vector<16xi32>,
      %get3A_178 = vector.shape_cast %get3A_177 : vector<16xi32> to vector<16xi32>
      %shift_right_arithmetic3A = arith.shrsi %get3A_20, %get3A_178 : vector<16xi32>
      %and3A_179 = arith.constant 1 : i32
      %and3A_180 = vector.broadcast %and3A_179 : i32 to vector<16xi32>
      %and3A_181 = arith.andi %shift_right_arithmetic3A, %and3A_180 : vector<16xi32>
      %neg3A = arith.constant 0 : i32
      %neg3A_182 = vector.broadcast %neg3A : i32 to vector<16xi32>
      %neg3A_183 = arith.subi %neg3A_182, %and3A_181 : vector<16xi32>
      %or3A = arith.ori %get3A_178, %neg3A_183 : vector<16xi32>
      %mul3A_184 = arith.constant 8 : i32
      %mul3A_185 = arith.muli %mul3A_184, %scan3A_168 : i32
      %add3A_186 = arith.constant 0 : i32
      %add3A_187 = arith.addi %mul3A_185, %add3A_186 : i32
      %mul3A_188 = arith.constant 16 : i32
      %mul3A_189 = arith.muli %add3A_187, %mul3A_188 : i32
      %swap3A = arith.index_cast %mul3A_189 : i32 to index
      %swap3A_190 = tpu.vector_load %arg9[%swap3A] {strides = array<i32>} : memref<8192xi32, #tpu.memory_space<vmem>>, vector<16xi32>,
      %swap3A_191 = vector.shape_cast %swap3A_190 : vector<16xi32> to vector<16xi32>
      %swap3A_192 = vector.shape_cast %or3A : vector<16xi32> to vector<16xi32>
      tpu.vector_store %arg9[%swap3A], %swap3A_192 {strides = array<i32>} : memref<8192xi32, #tpu.memory_space<vmem>>, vector<16xi32>,
      %mul3A_193 = arith.constant 8 : i32
      %mul3A_194 = arith.muli %mul3A_193, %scan3A_168 : i32
      %add3A_195 = arith.constant 1 : i32
      %add3A_196 = arith.addi %mul3A_194, %add3A_195 : i32
      %mul3A_197 = arith.constant 16 : i32
      %mul3A_198 = arith.muli %add3A_196, %mul3A_197 : i32
      %get3A_199 = arith.index_cast %mul3A_198 : i32 to index
      %get3A_200 = tpu.vector_load %arg7[%get3A_199] {strides = array<i32>} : memref<8192xi32, #tpu.memory_space<vmem>>, vector<16xi32>,
      %get3A_201 = vector.shape_cast %get3A_200 : vector<16xi32> to vector<16xi32>
      %shift_right_arithmetic3A_202 = arith.shrsi %get3A_20, %get3A_201 : vector<16xi32>
      %and3A_203 = arith.constant 1 : i32
      %and3A_204 = vector.broadcast %and3A_203 : i32 to vector<16xi32>
      %and3A_205 = arith.andi %shift_right_arithmetic3A_202, %and3A_204 : vector<16xi32>
      %neg3A_206 = arith.constant 0 : i32
      %neg3A_207 = vector.broadcast %neg3A_206 : i32 to vector<16xi32>
      %neg3A_208 = arith.subi %neg3A_207, %and3A_205 : vector<16xi32>
      %or3A_209 = arith.ori %get3A_201, %neg3A_208 : vector<16xi32>
      %mul3A_210 = arith.constant 8 : i32
      %mul3A_211 = arith.muli %mul3A_210, %scan3A_168 : i32
      %add3A_212 = arith.constant 1 : i32
      %add3A_213 = arith.addi %mul3A_211, %add3A_212 : i32
      %mul3A_214 = arith.constant 16 : i32
      %mul3A_215 = arith.muli %add3A_213, %mul3A_214 : i32
      %swap3A_216 = arith.index_cast %mul3A_215 : i32 to index
      %swap3A_217 = tpu.vector_load %arg9[%swap3A_216] {strides = array<i32>} : memref<8192xi32, #tpu.memory_space<vmem>>, vector<16xi32>,
      %swap3A_218 = vector.shape_cast %swap3A_217 : vector<16xi32> to vector<16xi32>
      %swap3A_219 = vector.shape_cast %or3A_209 : vector<16xi32> to vector<16xi32>
      tpu.vector_store %arg9[%swap3A_216], %swap3A_219 {strides = array<i32>} : memref<8192xi32, #tpu.memory_space<vmem>>, vector<16xi32>,
      %mul3A_220 = arith.constant 8 : i32
      %mul3A_221 = arith.muli %mul3A_220, %scan3A_168 : i32
      %add3A_222 = arith.constant 2 : i32
      %add3A_223 = arith.addi %mul3A_221, %add3A_222 : i32
      %mul3A_224 = arith.constant 16 : i32
      %mul3A_225 = arith.muli %add3A_223, %mul3A_224 : i32
      %get3A_226 = arith.index_cast %mul3A_225 : i32 to index
      %get3A_227 = tpu.vector_load %arg7[%get3A_226] {strides = array<i32>} : memref<8192xi32, #tpu.memory_space<vmem>>, vector<16xi32>,
      %get3A_228 = vector.shape_cast %get3A_227 : vector<16xi32> to vector<16xi32>
      %shift_right_arithmetic3A_229 = arith.shrsi %get3A_20, %get3A_228 : vector<16xi32>
      %and3A_230 = arith.constant 1 : i32
      %and3A_231 = vector.broadcast %and3A_230 : i32 to vector<16xi32>
      %and3A_232 = arith.andi %shift_right_arithmetic3A_229, %and3A_231 : vector<16xi32>
      %neg3A_233 = arith.constant 0 : i32
      %neg3A_234 = vector.broadcast %neg3A_233 : i32 to vector<16xi32>
      %neg3A_235 = arith.subi %neg3A_234, %and3A_232 : vector<16xi32>
      %or3A_236 = arith.ori %get3A_228, %neg3A_235 : vector<16xi32>
      %mul3A_237 = arith.constant 8 : i32
      %mul3A_238 = arith.muli %mul3A_237, %scan3A_168 : i32
      %add3A_239 = arith.constant 2 : i32
      %add3A_240 = arith.addi %mul3A_238, %add3A_239 : i32
      %mul3A_241 = arith.constant 16 : i32
      %mul3A_242 = arith.muli %add3A_240, %mul3A_241 : i32
      %swap3A_243 = arith.index_cast %mul3A_242 : i32 to index
      %swap3A_244 = tpu.vector_load %arg9[%swap3A_243] {strides = array<i32>} : memref<8192xi32, #tpu.memory_space<vmem>>, vector<16xi32>,
      %swap3A_245 = vector.shape_cast %swap3A_244 : vector<16xi32> to vector<16xi32>
      %swap3A_246 = vector.shape_cast %or3A_236 : vector<16xi32> to vector<16xi32>
      tpu.vector_store %arg9[%swap3A_243], %swap3A_246 {strides = array<i32>} : memref<8192xi32, #tpu.memory_space<vmem>>, vector<16xi32>,
      %mul3A_247 = arith.constant 8 : i32
      %mul3A_248 = arith.muli %mul3A_247, %scan3A_168 : i32
      %add3A_249 = arith.constant 3 : i32
      %add3A_250 = arith.addi %mul3A_248, %add3A_249 : i32
      %mul3A_251 = arith.constant 16 : i32
      %mul3A_252 = arith.muli %add3A_250, %mul3A_251 : i32
      %get3A_253 = arith.index_cast %mul3A_252 : i32 to index
      %get3A_254 = tpu.vector_load %arg7[%get3A_253] {strides = array<i32>} : memref<8192xi32, #tpu.memory_space<vmem>>, vector<16xi32>,
      %get3A_255 = vector.shape_cast %get3A_254 : vector<16xi32> to vector<16xi32>
      %shift_right_arithmetic3A_256 = arith.shrsi %get3A_20, %get3A_255 : vector<16xi32>
      %and3A_257 = arith.constant 1 : i32
      %and3A_258 = vector.broadcast %and3A_257 : i32 to vector<16xi32>
      %and3A_259 = arith.andi %shift_right_arithmetic3A_256, %and3A_258 : vector<16xi32>
      %neg3A_260 = arith.constant 0 : i32
      %neg3A_261 = vector.broadcast %neg3A_260 : i32 to vector<16xi32>
      %neg3A_262 = arith.subi %neg3A_261, %and3A_259 : vector<16xi32>
      %or3A_263 = arith.ori %get3A_255, %neg3A_262 : vector<16xi32>
      %mul3A_264 = arith.constant 8 : i32
      %mul3A_265 = arith.muli %mul3A_264, %scan3A_168 : i32
      %add3A_266 = arith.constant 3 : i32
      %add3A_267 = arith.addi %mul3A_265, %add3A_266 : i32
      %mul3A_268 = arith.constant 16 : i32
      %mul3A_269 = arith.muli %add3A_267, %mul3A_268 : i32
      %swap3A_270 = arith.index_cast %mul3A_269 : i32 to index
      %swap3A_271 = tpu.vector_load %arg9[%swap3A_270] {strides = array<i32>} : memref<8192xi32, #tpu.memory_space<vmem>>, vector<16xi32>,
      %swap3A_272 = vector.shape_cast %swap3A_271 : vector<16xi32> to vector<16xi32>
      %swap3A_273 = vector.shape_cast %or3A_263 : vector<16xi32> to vector<16xi32>
      tpu.vector_store %arg9[%swap3A_270], %swap3A_273 {strides = array<i32>} : memref<8192xi32, #tpu.memory_space<vmem>>, vector<16xi32>,
      %mul3A_274 = arith.constant 8 : i32
      %mul3A_275 = arith.muli %mul3A_274, %scan3A_168 : i32
      %add3A_276 = arith.constant 4 : i32
      %add3A_277 = arith.addi %mul3A_275, %add3A_276 : i32
      %mul3A_278 = arith.constant 16 : i32
      %mul3A_279 = arith.muli %add3A_277, %mul3A_278 : i32
      %get3A_280 = arith.index_cast %mul3A_279 : i32 to index
      %get3A_281 = tpu.vector_load %arg7[%get3A_280] {strides = array<i32>} : memref<8192xi32, #tpu.memory_space<vmem>>, vector<16xi32>,
      %get3A_282 = vector.shape_cast %get3A_281 : vector<16xi32> to vector<16xi32>
      %shift_right_arithmetic3A_283 = arith.shrsi %get3A_20, %get3A_282 : vector<16xi32>
      %and3A_284 = arith.constant 1 : i32
      %and3A_285 = vector.broadcast %and3A_284 : i32 to vector<16xi32>
      %and3A_286 = arith.andi %shift_right_arithmetic3A_283, %and3A_285 : vector<16xi32>
      %neg3A_287 = arith.constant 0 : i32
      %neg3A_288 = vector.broadcast %neg3A_287 : i32 to vector<16xi32>
      %neg3A_289 = arith.subi %neg3A_288, %and3A_286 : vector<16xi32>
      %or3A_290 = arith.ori %get3A_282, %neg3A_289 : vector<16xi32>
      %mul3A_291 = arith.constant 8 : i32
      %mul3A_292 = arith.muli %mul3A_291, %scan3A_168 : i32
      %add3A_293 = arith.constant 4 : i32
      %add3A_294 = arith.addi %mul3A_292, %add3A_293 : i32
      %mul3A_295 = arith.constant 16 : i32
      %mul3A_296 = arith.muli %add3A_294, %mul3A_295 : i32
      %swap3A_297 = arith.index_cast %mul3A_296 : i32 to index
      %swap3A_298 = tpu.vector_load %arg9[%swap3A_297] {strides = array<i32>} : memref<8192xi32, #tpu.memory_space<vmem>>, vector<16xi32>,
      %swap3A_299 = vector.shape_cast %swap3A_298 : vector<16xi32> to vector<16xi32>
      %swap3A_300 = vector.shape_cast %or3A_290 : vector<16xi32> to vector<16xi32>
      tpu.vector_store %arg9[%swap3A_297], %swap3A_300 {strides = array<i32>} : memref<8192xi32, #tpu.memory_space<vmem>>, vector<16xi32>,
      %mul3A_301 = arith.constant 8 : i32
      %mul3A_302 = arith.muli %mul3A_301, %scan3A_168 : i32
      %add3A_303 = arith.constant 5 : i32
      %add3A_304 = arith.addi %mul3A_302, %add3A_303 : i32
      %mul3A_305 = arith.constant 16 : i32
      %mul3A_306 = arith.muli %add3A_304, %mul3A_305 : i32
      %get3A_307 = arith.index_cast %mul3A_306 : i32 to index
      %get3A_308 = tpu.vector_load %arg7[%get3A_307] {strides = array<i32>} : memref<8192xi32, #tpu.memory_space<vmem>>, vector<16xi32>,
      %get3A_309 = vector.shape_cast %get3A_308 : vector<16xi32> to vector<16xi32>
      %shift_right_arithmetic3A_310 = arith.shrsi %get3A_20, %get3A_309 : vector<16xi32>
      %and3A_311 = arith.constant 1 : i32
      %and3A_312 = vector.broadcast %and3A_311 : i32 to vector<16xi32>
      %and3A_313 = arith.andi %shift_right_arithmetic3A_310, %and3A_312 : vector<16xi32>
      %neg3A_314 = arith.constant 0 : i32
      %neg3A_315 = vector.broadcast %neg3A_314 : i32 to vector<16xi32>
      %neg3A_316 = arith.subi %neg3A_315, %and3A_313 : vector<16xi32>
      %or3A_317 = arith.ori %get3A_309, %neg3A_316 : vector<16xi32>
      %mul3A_318 = arith.constant 8 : i32
      %mul3A_319 = arith.muli %mul3A_318, %scan3A_168 : i32
      %add3A_320 = arith.constant 5 : i32
      %add3A_321 = arith.addi %mul3A_319, %add3A_320 : i32
      %mul3A_322 = arith.constant 16 : i32
      %mul3A_323 = arith.muli %add3A_321, %mul3A_322 : i32
      %swap3A_324 = arith.index_cast %mul3A_323 : i32 to index
      %swap3A_325 = tpu.vector_load %arg9[%swap3A_324] {strides = array<i32>} : memref<8192xi32, #tpu.memory_space<vmem>>, vector<16xi32>,
      %swap3A_326 = vector.shape_cast %swap3A_325 : vector<16xi32> to vector<16xi32>
      %swap3A_327 = vector.shape_cast %or3A_317 : vector<16xi32> to vector<16xi32>
      tpu.vector_store %arg9[%swap3A_324], %swap3A_327 {strides = array<i32>} : memref<8192xi32, #tpu.memory_space<vmem>>, vector<16xi32>,
      %mul3A_328 = arith.constant 8 : i32
      %mul3A_329 = arith.muli %mul3A_328, %scan3A_168 : i32
      %add3A_330 = arith.constant 6 : i32
      %add3A_331 = arith.addi %mul3A_329, %add3A_330 : i32
      %mul3A_332 = arith.constant 16 : i32
      %mul3A_333 = arith.muli %add3A_331, %mul3A_332 : i32
      %get3A_334 = arith.index_cast %mul3A_333 : i32 to index
      %get3A_335 = tpu.vector_load %arg7[%get3A_334] {strides = array<i32>} : memref<8192xi32, #tpu.memory_space<vmem>>, vector<16xi32>,
      %get3A_336 = vector.shape_cast %get3A_335 : vector<16xi32> to vector<16xi32>
      %shift_right_arithmetic3A_337 = arith.shrsi %get3A_20, %get3A_336 : vector<16xi32>
      %and3A_338 = arith.constant 1 : i32
      %and3A_339 = vector.broadcast %and3A_338 : i32 to vector<16xi32>
      %and3A_340 = arith.andi %shift_right_arithmetic3A_337, %and3A_339 : vector<16xi32>
      %neg3A_341 = arith.constant 0 : i32
      %neg3A_342 = vector.broadcast %neg3A_341 : i32 to vector<16xi32>
      %neg3A_343 = arith.subi %neg3A_342, %and3A_340 : vector<16xi32>
      %or3A_344 = arith.ori %get3A_336, %neg3A_343 : vector<16xi32>
      %mul3A_345 = arith.constant 8 : i32
      %mul3A_346 = arith.muli %mul3A_345, %scan3A_168 : i32
      %add3A_347 = arith.constant 6 : i32
      %add3A_348 = arith.addi %mul3A_346, %add3A_347 : i32
      %mul3A_349 = arith.constant 16 : i32
      %mul3A_350 = arith.muli %add3A_348, %mul3A_349 : i32
      %swap3A_351 = arith.index_cast %mul3A_350 : i32 to index
      %swap3A_352 = tpu.vector_load %arg9[%swap3A_351] {strides = array<i32>} : memref<8192xi32, #tpu.memory_space<vmem>>, vector<16xi32>,
      %swap3A_353 = vector.shape_cast %swap3A_352 : vector<16xi32> to vector<16xi32>
      %swap3A_354 = vector.shape_cast %or3A_344 : vector<16xi32> to vector<16xi32>
      tpu.vector_store %arg9[%swap3A_351], %swap3A_354 {strides = array<i32>} : memref<8192xi32, #tpu.memory_space<vmem>>, vector<16xi32>,
      %mul3A_355 = arith.constant 8 : i32
      %mul3A_356 = arith.muli %mul3A_355, %scan3A_168 : i32
      %add3A_357 = arith.constant 7 : i32
      %add3A_358 = arith.addi %mul3A_356, %add3A_357 : i32
      %mul3A_359 = arith.constant 16 : i32
      %mul3A_360 = arith.muli %add3A_358, %mul3A_359 : i32
      %get3A_361 = arith.index_cast %mul3A_360 : i32 to index
      %get3A_362 = tpu.vector_load %arg7[%get3A_361] {strides = array<i32>} : memref<8192xi32, #tpu.memory_space<vmem>>, vector<16xi32>,
      %get3A_363 = vector.shape_cast %get3A_362 : vector<16xi32> to vector<16xi32>
      %shift_right_arithmetic3A_364 = arith.shrsi %get3A_20, %get3A_363 : vector<16xi32>
      %and3A_365 = arith.constant 1 : i32
      %and3A_366 = vector.broadcast %and3A_365 : i32 to vector<16xi32>
      %and3A_367 = arith.andi %shift_right_arithmetic3A_364, %and3A_366 : vector<16xi32>
      %neg3A_368 = arith.constant 0 : i32
      %neg3A_369 = vector.broadcast %neg3A_368 : i32 to vector<16xi32>
      %neg3A_370 = arith.subi %neg3A_369, %and3A_367 : vector<16xi32>
      %or3A_371 = arith.ori %get3A_363, %neg3A_370 : vector<16xi32>
      %mul3A_372 = arith.constant 8 : i32
      %mul3A_373 = arith.muli %mul3A_372, %scan3A_168 : i32
      %add3A_374 = arith.constant 7 : i32
      %add3A_375 = arith.addi %mul3A_373, %add3A_374 : i32
      %mul3A_376 = arith.constant 16 : i32
      %mul3A_377 = arith.muli %add3A_375, %mul3A_376 : i32
      %swap3A_378 = arith.index_cast %mul3A_377 : i32 to index
      %swap3A_379 = tpu.vector_load %arg9[%swap3A_378] {strides = array<i32>} : memref<8192xi32, #tpu.memory_space<vmem>>, vector<16xi32>,
      %swap3A_380 = vector.shape_cast %swap3A_379 : vector<16xi32> to vector<16xi32>
      %swap3A_381 = vector.shape_cast %or3A_371 : vector<16xi32> to vector<16xi32>
      tpu.vector_store %arg9[%swap3A_378], %swap3A_381 {strides = array<i32>} : memref<8192xi32, #tpu.memory_space<vmem>>, vector<16xi32>,
      %scan3A_382 = arith.constant 0 : i32
      scf.yield %scan3A_382 : i32
    }
    %scan3A_125 = arith.constant 64 : i32
    %add3A_126 = arith.constant 40960 : i32
    %add3A_127 = arith.addi %mul3A_2, %add3A_126 : i32
    %dma_start3A_128 = tpu.memref_slice %arg4[%add3A_127] : memref<2097152xi32, #tpu.memory_space<hbm>> -> memref<8192xi32, #tpu.memory_space<hbm>>
    %dma_start3A_129 = tpu.memref_slice %arg4[%add3A_127] : memref<2097152xi32, #tpu.memory_space<hbm>> -> memref<8192xi32, #tpu.memory_space<hbm>>
    tpu.enqueue_dma source(%arg9 : memref<8192xi32, #tpu.memory_space<vmem>>) target(%dma_start3A_129 : memref<8192xi32, #tpu.memory_space<hbm>>) target_semaphore(%arg13 : memref<!tpu.dma_semaphore, #tpu.memory_space<semaphore_mem>>)
    %add3A_130 = arith.constant 57344 : i32
    %add3A_131 = arith.addi %mul3A_2, %add3A_130 : i32
    %dma_start3A_132 = tpu.memref_slice %arg2[%add3A_131] : memref<2097152xi32, #tpu.memory_space<hbm>> -> memref<8192xi32, #tpu.memory_space<hbm>>
    %dma_start3A_133 = tpu.memref_slice %arg2[%add3A_131] : memref<2097152xi32, #tpu.memory_space<hbm>> -> memref<8192xi32, #tpu.memory_space<hbm>>
    tpu.enqueue_dma source(%dma_start3A_133 : memref<8192xi32, #tpu.memory_space<hbm>>) target(%arg7 : memref<8192xi32, #tpu.memory_space<vmem>>) target_semaphore(%arg11 : memref<!tpu.dma_semaphore, #tpu.memory_space<semaphore_mem>>)
    %dma_wait3A_134 = tpu.memref_slice %arg2[%add3A_112] : memref<2097152xi32, #tpu.memory_space<hbm>> -> memref<8192xi32, #tpu.memory_space<hbm>>
    %dma_wait3A_135 = tpu.memref_slice %arg2[%add3A_112] : memref<2097152xi32, #tpu.memory_space<hbm>> -> memref<8192xi32, #tpu.memory_space<hbm>>
    tpu.wait_dma2 semaphore(%arg10 : memref<!tpu.dma_semaphore, #tpu.memory_space<semaphore_mem>>) src(%dma_wait3A_135 : memref<8192xi32, #tpu.memory_space<hbm>>) dst(%arg6 : memref<8192xi32, #tpu.memory_space<vmem>>)
    %dma_wait3A_136 = tpu.memref_slice %arg4[%add3A_108] : memref<2097152xi32, #tpu.memory_space<hbm>> -> memref<8192xi32, #tpu.memory_space<hbm>>
    %dma_wait3A_137 = tpu.memref_slice %arg4[%add3A_108] : memref<2097152xi32, #tpu.memory_space<hbm>> -> memref<8192xi32, #tpu.memory_space<hbm>>
    tpu.wait_dma2 semaphore(%arg12 : memref<!tpu.dma_semaphore, #tpu.memory_space<semaphore_mem>>) src(%arg8 : memref<8192xi32, #tpu.memory_space<vmem>>) dst(%dma_wait3A_137 : memref<8192xi32, #tpu.memory_space<hbm>>)
    %scan3A_138 = arith.constant 0 : i32
    %scan3A_139 = arith.constant 0 : i32
    %scan3A_140 = arith.constant 64 : i32
    %scan3A_141 = arith.addi %scan3A_139, %scan3A_140 : i32
    %scan3A_142 = arith.constant 1 : i32
    %scan3A_143 = scf.for %scan3A_168 = %scan3A_139 to %scan3A_141 step %scan3A_142 iter_args(%scan3A_169 = %scan3A_138) -> (i32)  : i32 {
      %mul3A_170 = arith.constant 8 : i32
      %mul3A_171 = arith.muli %mul3A_170, %scan3A_168 : i32
      %add3A_172 = arith.constant 0 : i32
      %add3A_173 = arith.addi %mul3A_171, %add3A_172 : i32
      %mul3A_174 = arith.constant 16 : i32
      %mul3A_175 = arith.muli %add3A_173, %mul3A_174 : i32
      %get3A_176 = arith.index_cast %mul3A_175 : i32 to index
      %get3A_177 = tpu.vector_load %arg6[%get3A_176] {strides = array<i32>} : memref<8192xi32, #tpu.memory_space<vmem>>, vector<16xi32>,
      %get3A_178 = vector.shape_cast %get3A_177 : vector<16xi32> to vector<16xi32>
      %shift_right_arithmetic3A = arith.shrsi %get3A_20, %get3A_178 : vector<16xi32>
      %and3A_179 = arith.constant 1 : i32
      %and3A_180 = vector.broadcast %and3A_179 : i32 to vector<16xi32>
      %and3A_181 = arith.andi %shift_right_arithmetic3A, %and3A_180 : vector<16xi32>
      %neg3A = arith.constant 0 : i32
      %neg3A_182 = vector.broadcast %neg3A : i32 to vector<16xi32>
      %neg3A_183 = arith.subi %neg3A_182, %and3A_181 : vector<16xi32>
      %or3A = arith.ori %get3A_178, %neg3A_183 : vector<16xi32>
      %mul3A_184 = arith.constant 8 : i32
      %mul3A_185 = arith.muli %mul3A_184, %scan3A_168 : i32
      %add3A_186 = arith.constant 0 : i32
      %add3A_187 = arith.addi %mul3A_185, %add3A_186 : i32
      %mul3A_188 = arith.constant 16 : i32
      %mul3A_189 = arith.muli %add3A_187, %mul3A_188 : i32
      %swap3A = arith.index_cast %mul3A_189 : i32 to index
      %swap3A_190 = tpu.vector_load %arg8[%swap3A] {strides = array<i32>} : memref<8192xi32, #tpu.memory_space<vmem>>, vector<16xi32>,
      %swap3A_191 = vector.shape_cast %swap3A_190 : vector<16xi32> to vector<16xi32>
      %swap3A_192 = vector.shape_cast %or3A : vector<16xi32> to vector<16xi32>
      tpu.vector_store %arg8[%swap3A], %swap3A_192 {strides = array<i32>} : memref<8192xi32, #tpu.memory_space<vmem>>, vector<16xi32>,
      %mul3A_193 = arith.constant 8 : i32
      %mul3A_194 = arith.muli %mul3A_193, %scan3A_168 : i32
      %add3A_195 = arith.constant 1 : i32
      %add3A_196 = arith.addi %mul3A_194, %add3A_195 : i32
      %mul3A_197 = arith.constant 16 : i32
      %mul3A_198 = arith.muli %add3A_196, %mul3A_197 : i32
      %get3A_199 = arith.index_cast %mul3A_198 : i32 to index
      %get3A_200 = tpu.vector_load %arg6[%get3A_199] {strides = array<i32>} : memref<8192xi32, #tpu.memory_space<vmem>>, vector<16xi32>,
      %get3A_201 = vector.shape_cast %get3A_200 : vector<16xi32> to vector<16xi32>
      %shift_right_arithmetic3A_202 = arith.shrsi %get3A_20, %get3A_201 : vector<16xi32>
      %and3A_203 = arith.constant 1 : i32
      %and3A_204 = vector.broadcast %and3A_203 : i32 to vector<16xi32>
      %and3A_205 = arith.andi %shift_right_arithmetic3A_202, %and3A_204 : vector<16xi32>
      %neg3A_206 = arith.constant 0 : i32
      %neg3A_207 = vector.broadcast %neg3A_206 : i32 to vector<16xi32>
      %neg3A_208 = arith.subi %neg3A_207, %and3A_205 : vector<16xi32>
      %or3A_209 = arith.ori %get3A_201, %neg3A_208 : vector<16xi32>
      %mul3A_210 = arith.constant 8 : i32
      %mul3A_211 = arith.muli %mul3A_210, %scan3A_168 : i32
      %add3A_212 = arith.constant 1 : i32
      %add3A_213 = arith.addi %mul3A_211, %add3A_212 : i32
      %mul3A_214 = arith.constant 16 : i32
      %mul3A_215 = arith.muli %add3A_213, %mul3A_214 : i32
      %swap3A_216 = arith.index_cast %mul3A_215 : i32 to index
      %swap3A_217 = tpu.vector_load %arg8[%swap3A_216] {strides = array<i32>} : memref<8192xi32, #tpu.memory_space<vmem>>, vector<16xi32>,
      %swap3A_218 = vector.shape_cast %swap3A_217 : vector<16xi32> to vector<16xi32>
      %swap3A_219 = vector.shape_cast %or3A_209 : vector<16xi32> to vector<16xi32>
      tpu.vector_store %arg8[%swap3A_216], %swap3A_219 {strides = array<i32>} : memref<8192xi32, #tpu.memory_space<vmem>>, vector<16xi32>,
      %mul3A_220 = arith.constant 8 : i32
      %mul3A_221 = arith.muli %mul3A_220, %scan3A_168 : i32
      %add3A_222 = arith.constant 2 : i32
      %add3A_223 = arith.addi %mul3A_221, %add3A_222 : i32
      %mul3A_224 = arith.constant 16 : i32
      %mul3A_225 = arith.muli %add3A_223, %mul3A_224 : i32
      %get3A_226 = arith.index_cast %mul3A_225 : i32 to index
      %get3A_227 = tpu.vector_load %arg6[%get3A_226] {strides = array<i32>} : memref<8192xi32, #tpu.memory_space<vmem>>, vector<16xi32>,
      %get3A_228 = vector.shape_cast %get3A_227 : vector<16xi32> to vector<16xi32>
      %shift_right_arithmetic3A_229 = arith.shrsi %get3A_20, %get3A_228 : vector<16xi32>
      %and3A_230 = arith.constant 1 : i32
      %and3A_231 = vector.broadcast %and3A_230 : i32 to vector<16xi32>
      %and3A_232 = arith.andi %shift_right_arithmetic3A_229, %and3A_231 : vector<16xi32>
      %neg3A_233 = arith.constant 0 : i32
      %neg3A_234 = vector.broadcast %neg3A_233 : i32 to vector<16xi32>
      %neg3A_235 = arith.subi %neg3A_234, %and3A_232 : vector<16xi32>
      %or3A_236 = arith.ori %get3A_228, %neg3A_235 : vector<16xi32>
      %mul3A_237 = arith.constant 8 : i32
      %mul3A_238 = arith.muli %mul3A_237, %scan3A_168 : i32
      %add3A_239 = arith.constant 2 : i32
      %add3A_240 = arith.addi %mul3A_238, %add3A_239 : i32
      %mul3A_241 = arith.constant 16 : i32
      %mul3A_242 = arith.muli %add3A_240, %mul3A_241 : i32
      %swap3A_243 = arith.index_cast %mul3A_242 : i32 to index
      %swap3A_244 = tpu.vector_load %arg8[%swap3A_243] {strides = array<i32>} : memref<8192xi32, #tpu.memory_space<vmem>>, vector<16xi32>,
      %swap3A_245 = vector.shape_cast %swap3A_244 : vector<16xi32> to vector<16xi32>
      %swap3A_246 = vector.shape_cast %or3A_236 : vector<16xi32> to vector<16xi32>
      tpu.vector_store %arg8[%swap3A_243], %swap3A_246 {strides = array<i32>} : memref<8192xi32, #tpu.memory_space<vmem>>, vector<16xi32>,
      %mul3A_247 = arith.constant 8 : i32
      %mul3A_248 = arith.muli %mul3A_247, %scan3A_168 : i32
      %add3A_249 = arith.constant 3 : i32
      %add3A_250 = arith.addi %mul3A_248, %add3A_249 : i32
      %mul3A_251 = arith.constant 16 : i32
      %mul3A_252 = arith.muli %add3A_250, %mul3A_251 : i32
      %get3A_253 = arith.index_cast %mul3A_252 : i32 to index
      %get3A_254 = tpu.vector_load %arg6[%get3A_253] {strides = array<i32>} : memref<8192xi32, #tpu.memory_space<vmem>>, vector<16xi32>,
      %get3A_255 = vector.shape_cast %get3A_254 : vector<16xi32> to vector<16xi32>
      %shift_right_arithmetic3A_256 = arith.shrsi %get3A_20, %get3A_255 : vector<16xi32>
      %and3A_257 = arith.constant 1 : i32
      %and3A_258 = vector.broadcast %and3A_257 : i32 to vector<16xi32>
      %and3A_259 = arith.andi %shift_right_arithmetic3A_256, %and3A_258 : vector<16xi32>
      %neg3A_260 = arith.constant 0 : i32
      %neg3A_261 = vector.broadcast %neg3A_260 : i32 to vector<16xi32>
      %neg3A_262 = arith.subi %neg3A_261, %and3A_259 : vector<16xi32>
      %or3A_263 = arith.ori %get3A_255, %neg3A_262 : vector<16xi32>
      %mul3A_264 = arith.constant 8 : i32
      %mul3A_265 = arith.muli %mul3A_264, %scan3A_168 : i32
      %add3A_266 = arith.constant 3 : i32
      %add3A_267 = arith.addi %mul3A_265, %add3A_266 : i32
      %mul3A_268 = arith.constant 16 : i32
      %mul3A_269 = arith.muli %add3A_267, %mul3A_268 : i32
      %swap3A_270 = arith.index_cast %mul3A_269 : i32 to index
      %swap3A_271 = tpu.vector_load %arg8[%swap3A_270] {strides = array<i32>} : memref<8192xi32, #tpu.memory_space<vmem>>, vector<16xi32>,
      %swap3A_272 = vector.shape_cast %swap3A_271 : vector<16xi32> to vector<16xi32>
      %swap3A_273 = vector.shape_cast %or3A_263 : vector<16xi32> to vector<16xi32>
      tpu.vector_store %arg8[%swap3A_270], %swap3A_273 {strides = array<i32>} : memref<8192xi32, #tpu.memory_space<vmem>>, vector<16xi32>,
      %mul3A_274 = arith.constant 8 : i32
      %mul3A_275 = arith.muli %mul3A_274, %scan3A_168 : i32
      %add3A_276 = arith.constant 4 : i32
      %add3A_277 = arith.addi %mul3A_275, %add3A_276 : i32
      %mul3A_278 = arith.constant 16 : i32
      %mul3A_279 = arith.muli %add3A_277, %mul3A_278 : i32
      %get3A_280 = arith.index_cast %mul3A_279 : i32 to index
      %get3A_281 = tpu.vector_load %arg6[%get3A_280] {strides = array<i32>} : memref<8192xi32, #tpu.memory_space<vmem>>, vector<16xi32>,
      %get3A_282 = vector.shape_cast %get3A_281 : vector<16xi32> to vector<16xi32>
      %shift_right_arithmetic3A_283 = arith.shrsi %get3A_20, %get3A_282 : vector<16xi32>
      %and3A_284 = arith.constant 1 : i32
      %and3A_285 = vector.broadcast %and3A_284 : i32 to vector<16xi32>
      %and3A_286 = arith.andi %shift_right_arithmetic3A_283, %and3A_285 : vector<16xi32>
      %neg3A_287 = arith.constant 0 : i32
      %neg3A_288 = vector.broadcast %neg3A_287 : i32 to vector<16xi32>
      %neg3A_289 = arith.subi %neg3A_288, %and3A_286 : vector<16xi32>
      %or3A_290 = arith.ori %get3A_282, %neg3A_289 : vector<16xi32>
      %mul3A_291 = arith.constant 8 : i32
      %mul3A_292 = arith.muli %mul3A_291, %scan3A_168 : i32
      %add3A_293 = arith.constant 4 : i32
      %add3A_294 = arith.addi %mul3A_292, %add3A_293 : i32
      %mul3A_295 = arith.constant 16 : i32
      %mul3A_296 = arith.muli %add3A_294, %mul3A_295 : i32
      %swap3A_297 = arith.index_cast %mul3A_296 : i32 to index
      %swap3A_298 = tpu.vector_load %arg8[%swap3A_297] {strides = array<i32>} : memref<8192xi32, #tpu.memory_space<vmem>>, vector<16xi32>,
      %swap3A_299 = vector.shape_cast %swap3A_298 : vector<16xi32> to vector<16xi32>
      %swap3A_300 = vector.shape_cast %or3A_290 : vector<16xi32> to vector<16xi32>
      tpu.vector_store %arg8[%swap3A_297], %swap3A_300 {strides = array<i32>} : memref<8192xi32, #tpu.memory_space<vmem>>, vector<16xi32>,
      %mul3A_301 = arith.constant 8 : i32
      %mul3A_302 = arith.muli %mul3A_301, %scan3A_168 : i32
      %add3A_303 = arith.constant 5 : i32
      %add3A_304 = arith.addi %mul3A_302, %add3A_303 : i32
      %mul3A_305 = arith.constant 16 : i32
      %mul3A_306 = arith.muli %add3A_304, %mul3A_305 : i32
      %get3A_307 = arith.index_cast %mul3A_306 : i32 to index
      %get3A_308 = tpu.vector_load %arg6[%get3A_307] {strides = array<i32>} : memref<8192xi32, #tpu.memory_space<vmem>>, vector<16xi32>,
      %get3A_309 = vector.shape_cast %get3A_308 : vector<16xi32> to vector<16xi32>
      %shift_right_arithmetic3A_310 = arith.shrsi %get3A_20, %get3A_309 : vector<16xi32>
      %and3A_311 = arith.constant 1 : i32
      %and3A_312 = vector.broadcast %and3A_311 : i32 to vector<16xi32>
      %and3A_313 = arith.andi %shift_right_arithmetic3A_310, %and3A_312 : vector<16xi32>
      %neg3A_314 = arith.constant 0 : i32
      %neg3A_315 = vector.broadcast %neg3A_314 : i32 to vector<16xi32>
      %neg3A_316 = arith.subi %neg3A_315, %and3A_313 : vector<16xi32>
      %or3A_317 = arith.ori %get3A_309, %neg3A_316 : vector<16xi32>
      %mul3A_318 = arith.constant 8 : i32
      %mul3A_319 = arith.muli %mul3A_318, %scan3A_168 : i32
      %add3A_320 = arith.constant 5 : i32
      %add3A_321 = arith.addi %mul3A_319, %add3A_320 : i32
      %mul3A_322 = arith.constant 16 : i32
      %mul3A_323 = arith.muli %add3A_321, %mul3A_322 : i32
      %swap3A_324 = arith.index_cast %mul3A_323 : i32 to index
      %swap3A_325 = tpu.vector_load %arg8[%swap3A_324] {strides = array<i32>} : memref<8192xi32, #tpu.memory_space<vmem>>, vector<16xi32>,
      %swap3A_326 = vector.shape_cast %swap3A_325 : vector<16xi32> to vector<16xi32>
      %swap3A_327 = vector.shape_cast %or3A_317 : vector<16xi32> to vector<16xi32>
      tpu.vector_store %arg8[%swap3A_324], %swap3A_327 {strides = array<i32>} : memref<8192xi32, #tpu.memory_space<vmem>>, vector<16xi32>,
      %mul3A_328 = arith.constant 8 : i32
      %mul3A_329 = arith.muli %mul3A_328, %scan3A_168 : i32
      %add3A_330 = arith.constant 6 : i32
      %add3A_331 = arith.addi %mul3A_329, %add3A_330 : i32
      %mul3A_332 = arith.constant 16 : i32
      %mul3A_333 = arith.muli %add3A_331, %mul3A_332 : i32
      %get3A_334 = arith.index_cast %mul3A_333 : i32 to index
      %get3A_335 = tpu.vector_load %arg6[%get3A_334] {strides = array<i32>} : memref<8192xi32, #tpu.memory_space<vmem>>, vector<16xi32>,
      %get3A_336 = vector.shape_cast %get3A_335 : vector<16xi32> to vector<16xi32>
      %shift_right_arithmetic3A_337 = arith.shrsi %get3A_20, %get3A_336 : vector<16xi32>
      %and3A_338 = arith.constant 1 : i32
      %and3A_339 = vector.broadcast %and3A_338 : i32 to vector<16xi32>
      %and3A_340 = arith.andi %shift_right_arithmetic3A_337, %and3A_339 : vector<16xi32>
      %neg3A_341 = arith.constant 0 : i32
      %neg3A_342 = vector.broadcast %neg3A_341 : i32 to vector<16xi32>
      %neg3A_343 = arith.subi %neg3A_342, %and3A_340 : vector<16xi32>
      %or3A_344 = arith.ori %get3A_336, %neg3A_343 : vector<16xi32>
      %mul3A_345 = arith.constant 8 : i32
      %mul3A_346 = arith.muli %mul3A_345, %scan3A_168 : i32
      %add3A_347 = arith.constant 6 : i32
      %add3A_348 = arith.addi %mul3A_346, %add3A_347 : i32
      %mul3A_349 = arith.constant 16 : i32
      %mul3A_350 = arith.muli %add3A_348, %mul3A_349 : i32
      %swap3A_351 = arith.index_cast %mul3A_350 : i32 to index
      %swap3A_352 = tpu.vector_load %arg8[%swap3A_351] {strides = array<i32>} : memref<8192xi32, #tpu.memory_space<vmem>>, vector<16xi32>,
      %swap3A_353 = vector.shape_cast %swap3A_352 : vector<16xi32> to vector<16xi32>
      %swap3A_354 = vector.shape_cast %or3A_344 : vector<16xi32> to vector<16xi32>
      tpu.vector_store %arg8[%swap3A_351], %swap3A_354 {strides = array<i32>} : memref<8192xi32, #tpu.memory_space<vmem>>, vector<16xi32>,
      %mul3A_355 = arith.constant 8 : i32
      %mul3A_356 = arith.muli %mul3A_355, %scan3A_168 : i32
      %add3A_357 = arith.constant 7 : i32
      %add3A_358 = arith.addi %mul3A_356, %add3A_357 : i32
      %mul3A_359 = arith.constant 16 : i32
      %mul3A_360 = arith.muli %add3A_358, %mul3A_359 : i32
      %get3A_361 = arith.index_cast %mul3A_360 : i32 to index
      %get3A_362 = tpu.vector_load %arg6[%get3A_361] {strides = array<i32>} : memref<8192xi32, #tpu.memory_space<vmem>>, vector<16xi32>,
      %get3A_363 = vector.shape_cast %get3A_362 : vector<16xi32> to vector<16xi32>
      %shift_right_arithmetic3A_364 = arith.shrsi %get3A_20, %get3A_363 : vector<16xi32>
      %and3A_365 = arith.constant 1 : i32
      %and3A_366 = vector.broadcast %and3A_365 : i32 to vector<16xi32>
      %and3A_367 = arith.andi %shift_right_arithmetic3A_364, %and3A_366 : vector<16xi32>
      %neg3A_368 = arith.constant 0 : i32
      %neg3A_369 = vector.broadcast %neg3A_368 : i32 to vector<16xi32>
      %neg3A_370 = arith.subi %neg3A_369, %and3A_367 : vector<16xi32>
      %or3A_371 = arith.ori %get3A_363, %neg3A_370 : vector<16xi32>
      %mul3A_372 = arith.constant 8 : i32
      %mul3A_373 = arith.muli %mul3A_372, %scan3A_168 : i32
      %add3A_374 = arith.constant 7 : i32
      %add3A_375 = arith.addi %mul3A_373, %add3A_374 : i32
      %mul3A_376 = arith.constant 16 : i32
      %mul3A_377 = arith.muli %add3A_375, %mul3A_376 : i32
      %swap3A_378 = arith.index_cast %mul3A_377 : i32 to index
      %swap3A_379 = tpu.vector_load %arg8[%swap3A_378] {strides = array<i32>} : memref<8192xi32, #tpu.memory_space<vmem>>, vector<16xi32>,
      %swap3A_380 = vector.shape_cast %swap3A_379 : vector<16xi32> to vector<16xi32>
      %swap3A_381 = vector.shape_cast %or3A_371 : vector<16xi32> to vector<16xi32>
      tpu.vector_store %arg8[%swap3A_378], %swap3A_381 {strides = array<i32>} : memref<8192xi32, #tpu.memory_space<vmem>>, vector<16xi32>,
      %scan3A_382 = arith.constant 0 : i32
      scf.yield %scan3A_382 : i32
    }
    %scan3A_144 = arith.constant 64 : i32
    %add3A_145 = arith.constant 49152 : i32
    %add3A_146 = arith.addi %mul3A_2, %add3A_145 : i32
    %dma_start3A_147 = tpu.memref_slice %arg4[%add3A_146] : memref<2097152xi32, #tpu.memory_space<hbm>> -> memref<8192xi32, #tpu.memory_space<hbm>>
    %dma_start3A_148 = tpu.memref_slice %arg4[%add3A_146] : memref<2097152xi32, #tpu.memory_space<hbm>> -> memref<8192xi32, #tpu.memory_space<hbm>>
    tpu.enqueue_dma source(%arg8 : memref<8192xi32, #tpu.memory_space<vmem>>) target(%dma_start3A_148 : memref<8192xi32, #tpu.memory_space<hbm>>) target_semaphore(%arg12 : memref<!tpu.dma_semaphore, #tpu.memory_space<semaphore_mem>>)
    %dma_wait3A_149 = tpu.memref_slice %arg2[%add3A_131] : memref<2097152xi32, #tpu.memory_space<hbm>> -> memref<8192xi32, #tpu.memory_space<hbm>>
    %dma_wait3A_150 = tpu.memref_slice %arg2[%add3A_131] : memref<2097152xi32, #tpu.memory_space<hbm>> -> memref<8192xi32, #tpu.memory_space<hbm>>
    tpu.wait_dma2 semaphore(%arg11 : memref<!tpu.dma_semaphore, #tpu.memory_space<semaphore_mem>>) src(%dma_wait3A_150 : memref<8192xi32, #tpu.memory_space<hbm>>) dst(%arg7 : memref<8192xi32, #tpu.memory_space<vmem>>)
    %dma_wait3A_151 = tpu.memref_slice %arg4[%add3A_127] : memref<2097152xi32, #tpu.memory_space<hbm>> -> memref<8192xi32, #tpu.memory_space<hbm>>
    %dma_wait3A_152 = tpu.memref_slice %arg4[%add3A_127] : memref<2097152xi32, #tpu.memory_space<hbm>> -> memref<8192xi32, #tpu.memory_space<hbm>>
    tpu.wait_dma2 semaphore(%arg13 : memref<!tpu.dma_semaphore, #tpu.memory_space<semaphore_mem>>) src(%arg9 : memref<8192xi32, #tpu.memory_space<vmem>>) dst(%dma_wait3A_152 : memref<8192xi32, #tpu.memory_space<hbm>>)
    %scan3A_153 = arith.constant 0 : i32
    %scan3A_154 = arith.constant 0 : i32
    %scan3A_155 = arith.constant 64 : i32
    %scan3A_156 = arith.addi %scan3A_154, %scan3A_155 : i32
    %scan3A_157 = arith.constant 1 : i32
    %scan3A_158 = scf.for %scan3A_168 = %scan3A_154 to %scan3A_156 step %scan3A_157 iter_args(%scan3A_169 = %scan3A_153) -> (i32)  : i32 {
      %mul3A_170 = arith.constant 8 : i32
      %mul3A_171 = arith.muli %mul3A_170, %scan3A_168 : i32
      %add3A_172 = arith.constant 0 : i32
      %add3A_173 = arith.addi %mul3A_171, %add3A_172 : i32
      %mul3A_174 = arith.constant 16 : i32
      %mul3A_175 = arith.muli %add3A_173, %mul3A_174 : i32
      %get3A_176 = arith.index_cast %mul3A_175 : i32 to index
      %get3A_177 = tpu.vector_load %arg7[%get3A_176] {strides = array<i32>} : memref<8192xi32, #tpu.memory_space<vmem>>, vector<16xi32>,
      %get3A_178 = vector.shape_cast %get3A_177 : vector<16xi32> to vector<16xi32>
      %shift_right_arithmetic3A = arith.shrsi %get3A_20, %get3A_178 : vector<16xi32>
      %and3A_179 = arith.constant 1 : i32
      %and3A_180 = vector.broadcast %and3A_179 : i32 to vector<16xi32>
      %and3A_181 = arith.andi %shift_right_arithmetic3A, %and3A_180 : vector<16xi32>
      %neg3A = arith.constant 0 : i32
      %neg3A_182 = vector.broadcast %neg3A : i32 to vector<16xi32>
      %neg3A_183 = arith.subi %neg3A_182, %and3A_181 : vector<16xi32>
      %or3A = arith.ori %get3A_178, %neg3A_183 : vector<16xi32>
      %mul3A_184 = arith.constant 8 : i32
      %mul3A_185 = arith.muli %mul3A_184, %scan3A_168 : i32
      %add3A_186 = arith.constant 0 : i32
      %add3A_187 = arith.addi %mul3A_185, %add3A_186 : i32
      %mul3A_188 = arith.constant 16 : i32
      %mul3A_189 = arith.muli %add3A_187, %mul3A_188 : i32
      %swap3A = arith.index_cast %mul3A_189 : i32 to index
      %swap3A_190 = tpu.vector_load %arg9[%swap3A] {strides = array<i32>} : memref<8192xi32, #tpu.memory_space<vmem>>, vector<16xi32>,
      %swap3A_191 = vector.shape_cast %swap3A_190 : vector<16xi32> to vector<16xi32>
      %swap3A_192 = vector.shape_cast %or3A : vector<16xi32> to vector<16xi32>
      tpu.vector_store %arg9[%swap3A], %swap3A_192 {strides = array<i32>} : memref<8192xi32, #tpu.memory_space<vmem>>, vector<16xi32>,
      %mul3A_193 = arith.constant 8 : i32
      %mul3A_194 = arith.muli %mul3A_193, %scan3A_168 : i32
      %add3A_195 = arith.constant 1 : i32
      %add3A_196 = arith.addi %mul3A_194, %add3A_195 : i32
      %mul3A_197 = arith.constant 16 : i32
      %mul3A_198 = arith.muli %add3A_196, %mul3A_197 : i32
      %get3A_199 = arith.index_cast %mul3A_198 : i32 to index
      %get3A_200 = tpu.vector_load %arg7[%get3A_199] {strides = array<i32>} : memref<8192xi32, #tpu.memory_space<vmem>>, vector<16xi32>,
      %get3A_201 = vector.shape_cast %get3A_200 : vector<16xi32> to vector<16xi32>
      %shift_right_arithmetic3A_202 = arith.shrsi %get3A_20, %get3A_201 : vector<16xi32>
      %and3A_203 = arith.constant 1 : i32
      %and3A_204 = vector.broadcast %and3A_203 : i32 to vector<16xi32>
      %and3A_205 = arith.andi %shift_right_arithmetic3A_202, %and3A_204 : vector<16xi32>
      %neg3A_206 = arith.constant 0 : i32
      %neg3A_207 = vector.broadcast %neg3A_206 : i32 to vector<16xi32>
      %neg3A_208 = arith.subi %neg3A_207, %and3A_205 : vector<16xi32>
      %or3A_209 = arith.ori %get3A_201, %neg3A_208 : vector<16xi32>
      %mul3A_210 = arith.constant 8 : i32
      %mul3A_211 = arith.muli %mul3A_210, %scan3A_168 : i32
      %add3A_212 = arith.constant 1 : i32
      %add3A_213 = arith.addi %mul3A_211, %add3A_212 : i32
      %mul3A_214 = arith.constant 16 : i32
      %mul3A_215 = arith.muli %add3A_213, %mul3A_214 : i32
      %swap3A_216 = arith.index_cast %mul3A_215 : i32 to index
      %swap3A_217 = tpu.vector_load %arg9[%swap3A_216] {strides = array<i32>} : memref<8192xi32, #tpu.memory_space<vmem>>, vector<16xi32>,
      %swap3A_218 = vector.shape_cast %swap3A_217 : vector<16xi32> to vector<16xi32>
      %swap3A_219 = vector.shape_cast %or3A_209 : vector<16xi32> to vector<16xi32>
      tpu.vector_store %arg9[%swap3A_216], %swap3A_219 {strides = array<i32>} : memref<8192xi32, #tpu.memory_space<vmem>>, vector<16xi32>,
      %mul3A_220 = arith.constant 8 : i32
      %mul3A_221 = arith.muli %mul3A_220, %scan3A_168 : i32
      %add3A_222 = arith.constant 2 : i32
      %add3A_223 = arith.addi %mul3A_221, %add3A_222 : i32
      %mul3A_224 = arith.constant 16 : i32
      %mul3A_225 = arith.muli %add3A_223, %mul3A_224 : i32
      %get3A_226 = arith.index_cast %mul3A_225 : i32 to index
      %get3A_227 = tpu.vector_load %arg7[%get3A_226] {strides = array<i32>} : memref<8192xi32, #tpu.memory_space<vmem>>, vector<16xi32>,
      %get3A_228 = vector.shape_cast %get3A_227 : vector<16xi32> to vector<16xi32>
      %shift_right_arithmetic3A_229 = arith.shrsi %get3A_20, %get3A_228 : vector<16xi32>
      %and3A_230 = arith.constant 1 : i32
      %and3A_231 = vector.broadcast %and3A_230 : i32 to vector<16xi32>
      %and3A_232 = arith.andi %shift_right_arithmetic3A_229, %and3A_231 : vector<16xi32>
      %neg3A_233 = arith.constant 0 : i32
      %neg3A_234 = vector.broadcast %neg3A_233 : i32 to vector<16xi32>
      %neg3A_235 = arith.subi %neg3A_234, %and3A_232 : vector<16xi32>
      %or3A_236 = arith.ori %get3A_228, %neg3A_235 : vector<16xi32>
      %mul3A_237 = arith.constant 8 : i32
      %mul3A_238 = arith.muli %mul3A_237, %scan3A_168 : i32
      %add3A_239 = arith.constant 2 : i32
      %add3A_240 = arith.addi %mul3A_238, %add3A_239 : i32
      %mul3A_241 = arith.constant 16 : i32
      %mul3A_242 = arith.muli %add3A_240, %mul3A_241 : i32
      %swap3A_243 = arith.index_cast %mul3A_242 : i32 to index
      %swap3A_244 = tpu.vector_load %arg9[%swap3A_243] {strides = array<i32>} : memref<8192xi32, #tpu.memory_space<vmem>>, vector<16xi32>,
      %swap3A_245 = vector.shape_cast %swap3A_244 : vector<16xi32> to vector<16xi32>
      %swap3A_246 = vector.shape_cast %or3A_236 : vector<16xi32> to vector<16xi32>
      tpu.vector_store %arg9[%swap3A_243], %swap3A_246 {strides = array<i32>} : memref<8192xi32, #tpu.memory_space<vmem>>, vector<16xi32>,
      %mul3A_247 = arith.constant 8 : i32
      %mul3A_248 = arith.muli %mul3A_247, %scan3A_168 : i32
      %add3A_249 = arith.constant 3 : i32
      %add3A_250 = arith.addi %mul3A_248, %add3A_249 : i32
      %mul3A_251 = arith.constant 16 : i32
      %mul3A_252 = arith.muli %add3A_250, %mul3A_251 : i32
      %get3A_253 = arith.index_cast %mul3A_252 : i32 to index
      %get3A_254 = tpu.vector_load %arg7[%get3A_253] {strides = array<i32>} : memref<8192xi32, #tpu.memory_space<vmem>>, vector<16xi32>,
      %get3A_255 = vector.shape_cast %get3A_254 : vector<16xi32> to vector<16xi32>
      %shift_right_arithmetic3A_256 = arith.shrsi %get3A_20, %get3A_255 : vector<16xi32>
      %and3A_257 = arith.constant 1 : i32
      %and3A_258 = vector.broadcast %and3A_257 : i32 to vector<16xi32>
      %and3A_259 = arith.andi %shift_right_arithmetic3A_256, %and3A_258 : vector<16xi32>
      %neg3A_260 = arith.constant 0 : i32
      %neg3A_261 = vector.broadcast %neg3A_260 : i32 to vector<16xi32>
      %neg3A_262 = arith.subi %neg3A_261, %and3A_259 : vector<16xi32>
      %or3A_263 = arith.ori %get3A_255, %neg3A_262 : vector<16xi32>
      %mul3A_264 = arith.constant 8 : i32
      %mul3A_265 = arith.muli %mul3A_264, %scan3A_168 : i32
      %add3A_266 = arith.constant 3 : i32
      %add3A_267 = arith.addi %mul3A_265, %add3A_266 : i32
      %mul3A_268 = arith.constant 16 : i32
      %mul3A_269 = arith.muli %add3A_267, %mul3A_268 : i32
      %swap3A_270 = arith.index_cast %mul3A_269 : i32 to index
      %swap3A_271 = tpu.vector_load %arg9[%swap3A_270] {strides = array<i32>} : memref<8192xi32, #tpu.memory_space<vmem>>, vector<16xi32>,
      %swap3A_272 = vector.shape_cast %swap3A_271 : vector<16xi32> to vector<16xi32>
      %swap3A_273 = vector.shape_cast %or3A_263 : vector<16xi32> to vector<16xi32>
      tpu.vector_store %arg9[%swap3A_270], %swap3A_273 {strides = array<i32>} : memref<8192xi32, #tpu.memory_space<vmem>>, vector<16xi32>,
      %mul3A_274 = arith.constant 8 : i32
      %mul3A_275 = arith.muli %mul3A_274, %scan3A_168 : i32
      %add3A_276 = arith.constant 4 : i32
      %add3A_277 = arith.addi %mul3A_275, %add3A_276 : i32
      %mul3A_278 = arith.constant 16 : i32
      %mul3A_279 = arith.muli %add3A_277, %mul3A_278 : i32
      %get3A_280 = arith.index_cast %mul3A_279 : i32 to index
      %get3A_281 = tpu.vector_load %arg7[%get3A_280] {strides = array<i32>} : memref<8192xi32, #tpu.memory_space<vmem>>, vector<16xi32>,
      %get3A_282 = vector.shape_cast %get3A_281 : vector<16xi32> to vector<16xi32>
      %shift_right_arithmetic3A_283 = arith.shrsi %get3A_20, %get3A_282 : vector<16xi32>
      %and3A_284 = arith.constant 1 : i32
      %and3A_285 = vector.broadcast %and3A_284 : i32 to vector<16xi32>
      %and3A_286 = arith.andi %shift_right_arithmetic3A_283, %and3A_285 : vector<16xi32>
      %neg3A_287 = arith.constant 0 : i32
      %neg3A_288 = vector.broadcast %neg3A_287 : i32 to vector<16xi32>
      %neg3A_289 = arith.subi %neg3A_288, %and3A_286 : vector<16xi32>
      %or3A_290 = arith.ori %get3A_282, %neg3A_289 : vector<16xi32>
      %mul3A_291 = arith.constant 8 : i32
      %mul3A_292 = arith.muli %mul3A_291, %scan3A_168 : i32
      %add3A_293 = arith.constant 4 : i32
      %add3A_294 = arith.addi %mul3A_292, %add3A_293 : i32
      %mul3A_295 = arith.constant 16 : i32
      %mul3A_296 = arith.muli %add3A_294, %mul3A_295 : i32
      %swap3A_297 = arith.index_cast %mul3A_296 : i32 to index
      %swap3A_298 = tpu.vector_load %arg9[%swap3A_297] {strides = array<i32>} : memref<8192xi32, #tpu.memory_space<vmem>>, vector<16xi32>,
      %swap3A_299 = vector.shape_cast %swap3A_298 : vector<16xi32> to vector<16xi32>
      %swap3A_300 = vector.shape_cast %or3A_290 : vector<16xi32> to vector<16xi32>
      tpu.vector_store %arg9[%swap3A_297], %swap3A_300 {strides = array<i32>} : memref<8192xi32, #tpu.memory_space<vmem>>, vector<16xi32>,
      %mul3A_301 = arith.constant 8 : i32
      %mul3A_302 = arith.muli %mul3A_301, %scan3A_168 : i32
      %add3A_303 = arith.constant 5 : i32
      %add3A_304 = arith.addi %mul3A_302, %add3A_303 : i32
      %mul3A_305 = arith.constant 16 : i32
      %mul3A_306 = arith.muli %add3A_304, %mul3A_305 : i32
      %get3A_307 = arith.index_cast %mul3A_306 : i32 to index
      %get3A_308 = tpu.vector_load %arg7[%get3A_307] {strides = array<i32>} : memref<8192xi32, #tpu.memory_space<vmem>>, vector<16xi32>,
      %get3A_309 = vector.shape_cast %get3A_308 : vector<16xi32> to vector<16xi32>
      %shift_right_arithmetic3A_310 = arith.shrsi %get3A_20, %get3A_309 : vector<16xi32>
      %and3A_311 = arith.constant 1 : i32
      %and3A_312 = vector.broadcast %and3A_311 : i32 to vector<16xi32>
      %and3A_313 = arith.andi %shift_right_arithmetic3A_310, %and3A_312 : vector<16xi32>
      %neg3A_314 = arith.constant 0 : i32
      %neg3A_315 = vector.broadcast %neg3A_314 : i32 to vector<16xi32>
      %neg3A_316 = arith.subi %neg3A_315, %and3A_313 : vector<16xi32>
      %or3A_317 = arith.ori %get3A_309, %neg3A_316 : vector<16xi32>
      %mul3A_318 = arith.constant 8 : i32
      %mul3A_319 = arith.muli %mul3A_318, %scan3A_168 : i32
      %add3A_320 = arith.constant 5 : i32
      %add3A_321 = arith.addi %mul3A_319, %add3A_320 : i32
      %mul3A_322 = arith.constant 16 : i32
      %mul3A_323 = arith.muli %add3A_321, %mul3A_322 : i32
      %swap3A_324 = arith.index_cast %mul3A_323 : i32 to index
      %swap3A_325 = tpu.vector_load %arg9[%swap3A_324] {strides = array<i32>} : memref<8192xi32, #tpu.memory_space<vmem>>, vector<16xi32>,
      %swap3A_326 = vector.shape_cast %swap3A_325 : vector<16xi32> to vector<16xi32>
      %swap3A_327 = vector.shape_cast %or3A_317 : vector<16xi32> to vector<16xi32>
      tpu.vector_store %arg9[%swap3A_324], %swap3A_327 {strides = array<i32>} : memref<8192xi32, #tpu.memory_space<vmem>>, vector<16xi32>,
      %mul3A_328 = arith.constant 8 : i32
      %mul3A_329 = arith.muli %mul3A_328, %scan3A_168 : i32
      %add3A_330 = arith.constant 6 : i32
      %add3A_331 = arith.addi %mul3A_329, %add3A_330 : i32
      %mul3A_332 = arith.constant 16 : i32
      %mul3A_333 = arith.muli %add3A_331, %mul3A_332 : i32
      %get3A_334 = arith.index_cast %mul3A_333 : i32 to index
      %get3A_335 = tpu.vector_load %arg7[%get3A_334] {strides = array<i32>} : memref<8192xi32, #tpu.memory_space<vmem>>, vector<16xi32>,
      %get3A_336 = vector.shape_cast %get3A_335 : vector<16xi32> to vector<16xi32>
      %shift_right_arithmetic3A_337 = arith.shrsi %get3A_20, %get3A_336 : vector<16xi32>
      %and3A_338 = arith.constant 1 : i32
      %and3A_339 = vector.broadcast %and3A_338 : i32 to vector<16xi32>
      %and3A_340 = arith.andi %shift_right_arithmetic3A_337, %and3A_339 : vector<16xi32>
      %neg3A_341 = arith.constant 0 : i32
      %neg3A_342 = vector.broadcast %neg3A_341 : i32 to vector<16xi32>
      %neg3A_343 = arith.subi %neg3A_342, %and3A_340 : vector<16xi32>
      %or3A_344 = arith.ori %get3A_336, %neg3A_343 : vector<16xi32>
      %mul3A_345 = arith.constant 8 : i32
      %mul3A_346 = arith.muli %mul3A_345, %scan3A_168 : i32
      %add3A_347 = arith.constant 6 : i32
      %add3A_348 = arith.addi %mul3A_346, %add3A_347 : i32
      %mul3A_349 = arith.constant 16 : i32
      %mul3A_350 = arith.muli %add3A_348, %mul3A_349 : i32
      %swap3A_351 = arith.index_cast %mul3A_350 : i32 to index
      %swap3A_352 = tpu.vector_load %arg9[%swap3A_351] {strides = array<i32>} : memref<8192xi32, #tpu.memory_space<vmem>>, vector<16xi32>,
      %swap3A_353 = vector.shape_cast %swap3A_352 : vector<16xi32> to vector<16xi32>
      %swap3A_354 = vector.shape_cast %or3A_344 : vector<16xi32> to vector<16xi32>
      tpu.vector_store %arg9[%swap3A_351], %swap3A_354 {strides = array<i32>} : memref<8192xi32, #tpu.memory_space<vmem>>, vector<16xi32>,
      %mul3A_355 = arith.constant 8 : i32
      %mul3A_356 = arith.muli %mul3A_355, %scan3A_168 : i32
      %add3A_357 = arith.constant 7 : i32
      %add3A_358 = arith.addi %mul3A_356, %add3A_357 : i32
      %mul3A_359 = arith.constant 16 : i32
      %mul3A_360 = arith.muli %add3A_358, %mul3A_359 : i32
      %get3A_361 = arith.index_cast %mul3A_360 : i32 to index
      %get3A_362 = tpu.vector_load %arg7[%get3A_361] {strides = array<i32>} : memref<8192xi32, #tpu.memory_space<vmem>>, vector<16xi32>,
      %get3A_363 = vector.shape_cast %get3A_362 : vector<16xi32> to vector<16xi32>
      %shift_right_arithmetic3A_364 = arith.shrsi %get3A_20, %get3A_363 : vector<16xi32>
      %and3A_365 = arith.constant 1 : i32
      %and3A_366 = vector.broadcast %and3A_365 : i32 to vector<16xi32>
      %and3A_367 = arith.andi %shift_right_arithmetic3A_364, %and3A_366 : vector<16xi32>
      %neg3A_368 = arith.constant 0 : i32
      %neg3A_369 = vector.broadcast %neg3A_368 : i32 to vector<16xi32>
      %neg3A_370 = arith.subi %neg3A_369, %and3A_367 : vector<16xi32>
      %or3A_371 = arith.ori %get3A_363, %neg3A_370 : vector<16xi32>
      %mul3A_372 = arith.constant 8 : i32
      %mul3A_373 = arith.muli %mul3A_372, %scan3A_168 : i32
      %add3A_374 = arith.constant 7 : i32
      %add3A_375 = arith.addi %mul3A_373, %add3A_374 : i32
      %mul3A_376 = arith.constant 16 : i32
      %mul3A_377 = arith.muli %add3A_375, %mul3A_376 : i32
      %swap3A_378 = arith.index_cast %mul3A_377 : i32 to index
      %swap3A_379 = tpu.vector_load %arg9[%swap3A_378] {strides = array<i32>} : memref<8192xi32, #tpu.memory_space<vmem>>, vector<16xi32>,
      %swap3A_380 = vector.shape_cast %swap3A_379 : vector<16xi32> to vector<16xi32>
      %swap3A_381 = vector.shape_cast %or3A_371 : vector<16xi32> to vector<16xi32>
      tpu.vector_store %arg9[%swap3A_378], %swap3A_381 {strides = array<i32>} : memref<8192xi32, #tpu.memory_space<vmem>>, vector<16xi32>,
      %scan3A_382 = arith.constant 0 : i32
      scf.yield %scan3A_382 : i32
    }
    %scan3A_159 = arith.constant 64 : i32
    %add3A_160 = arith.constant 57344 : i32
    %add3A_161 = arith.addi %mul3A_2, %add3A_160 : i32
    %dma_start3A_162 = tpu.memref_slice %arg4[%add3A_161] : memref<2097152xi32, #tpu.memory_space<hbm>> -> memref<8192xi32, #tpu.memory_space<hbm>>
    %dma_start3A_163 = tpu.memref_slice %arg4[%add3A_161] : memref<2097152xi32, #tpu.memory_space<hbm>> -> memref<8192xi32, #tpu.memory_space<hbm>>
    tpu.enqueue_dma source(%arg9 : memref<8192xi32, #tpu.memory_space<vmem>>) target(%dma_start3A_163 : memref<8192xi32, #tpu.memory_space<hbm>>) target_semaphore(%arg13 : memref<!tpu.dma_semaphore, #tpu.memory_space<semaphore_mem>>)
    %dma_wait3A_164 = tpu.memref_slice %arg4[%add3A_146] : memref<2097152xi32, #tpu.memory_space<hbm>> -> memref<8192xi32, #tpu.memory_space<hbm>>
    %dma_wait3A_165 = tpu.memref_slice %arg4[%add3A_146] : memref<2097152xi32, #tpu.memory_space<hbm>> -> memref<8192xi32, #tpu.memory_space<hbm>>
    tpu.wait_dma2 semaphore(%arg12 : memref<!tpu.dma_semaphore, #tpu.memory_space<semaphore_mem>>) src(%arg8 : memref<8192xi32, #tpu.memory_space<vmem>>) dst(%dma_wait3A_165 : memref<8192xi32, #tpu.memory_space<hbm>>)
    %dma_wait3A_166 = tpu.memref_slice %arg4[%add3A_161] : memref<2097152xi32, #tpu.memory_space<hbm>> -> memref<8192xi32, #tpu.memory_space<hbm>>
    %dma_wait3A_167 = tpu.memref_slice %arg4[%add3A_161] : memref<2097152xi32, #tpu.memory_space<hbm>> -> memref<8192xi32, #tpu.memory_space<hbm>>
    tpu.wait_dma2 semaphore(%arg13 : memref<!tpu.dma_semaphore, #tpu.memory_space<semaphore_mem>>) src(%arg9 : memref<8192xi32, #tpu.memory_space<vmem>>) dst(%dma_wait3A_167 : memref<8192xi32, #tpu.memory_space<hbm>>)
    return
  }
}

module attributes {stable_mosaic.version = 14 : i64} {
  func.func @_count_body(%arg0: i32, %arg1: memref<10x512x512xf32, #tpu.memory_space<vmem>>, %arg2: memref<1x256x512xi32, #tpu.memory_space<vmem>>, %arg3: memref<8x128xi32, #tpu.memory_space<vmem>>, %arg4: memref<131072xi32, #tpu.memory_space<vmem>>, %arg5: memref<32x8x128xf32, #tpu.memory_space<vmem>>) attributes {dimension_semantics = [#tpu.dimension_semantics<arbitrary>], iteration_bounds = array<i64: 16>, scalar_prefetch = 0 : i64, scratch_operands = 1 : i64, tpu.core_type = #tpu.core_type<tc>, window_params = [{transform_indices = @transform_0, window_bounds = array<i64: 10, 512, 512>}, {transform_indices = @transform_1, window_bounds = array<i64: 1, 256, 512>}, {pipeline_mode = #tpu.pipeline_mode<synchronous>, transform_indices = @transform_2, window_bounds = array<i64: 8, 128>}, {transform_indices = @transform_3, window_bounds = array<i64: 131072>}]} {
    %get3A = arith.constant 0 : index
    %get3A_0 = arith.constant 0 : index
    %get3A_1 = arith.constant 0 : index
    %get3A_2 = vector.load %arg2[%get3A, %get3A_0, %get3A_1] : memref<1x256x512xi32, #tpu.memory_space<vmem>>, vector<1x256x512xi32>
    %get3A_3 = vector.shape_cast %get3A_2 : vector<1x256x512xi32> to vector<256x512xi32>
    %reshape3A = vector.shape_cast %get3A_3 : vector<256x512xi32> to vector<131072xi32>
    %swap3A = arith.constant 0 : index
    %swap3A_4 = vector.load %arg4[%swap3A] : memref<131072xi32, #tpu.memory_space<vmem>>, vector<131072xi32>
    tpu.vector_store %arg4[%swap3A], %reshape3A {strides = array<i32>} : memref<131072xi32, #tpu.memory_space<vmem>>, vector<131072xi32>,
    %iota3A = tpu.iota {dimensions = array<i32: 0>} : vector<8x128xi32>
    %iota3A_5 = tpu.iota {dimensions = array<i32: 1>} : vector<8x128xi32>
    %get3A_6 = arith.constant 0 : index
    %get3A_7 = arith.constant 0 : index
    %get3A_8 = arith.constant 0 : index
    %get3A_9 = vector.load %arg1[%get3A_6, %get3A_7, %get3A_8] : memref<10x512x512xf32, #tpu.memory_space<vmem>>, vector<1x512x512xf32>
    %get3A_10 = vector.shape_cast %get3A_9 : vector<1x512x512xf32> to vector<512x512xf32>
    %get3A_11 = arith.constant 1 : index
    %get3A_12 = arith.constant 0 : index
    %get3A_13 = arith.constant 0 : index
    %get3A_14 = vector.load %arg1[%get3A_11, %get3A_12, %get3A_13] : memref<10x512x512xf32, #tpu.memory_space<vmem>>, vector<1x512x512xf32>
    %get3A_15 = vector.shape_cast %get3A_14 : vector<1x512x512xf32> to vector<512x512xf32>
    %get3A_16 = arith.constant 2 : index
    %get3A_17 = arith.constant 0 : index
    %get3A_18 = arith.constant 0 : index
    %get3A_19 = vector.load %arg1[%get3A_16, %get3A_17, %get3A_18] : memref<10x512x512xf32, #tpu.memory_space<vmem>>, vector<1x512x512xf32>
    %get3A_20 = vector.shape_cast %get3A_19 : vector<1x512x512xf32> to vector<512x512xf32>
    %get3A_21 = arith.constant 3 : index
    %get3A_22 = arith.constant 0 : index
    %get3A_23 = arith.constant 0 : index
    %get3A_24 = vector.load %arg1[%get3A_21, %get3A_22, %get3A_23] : memref<10x512x512xf32, #tpu.memory_space<vmem>>, vector<1x512x512xf32>
    %get3A_25 = vector.shape_cast %get3A_24 : vector<1x512x512xf32> to vector<512x512xf32>
    %get3A_26 = arith.constant 4 : index
    %get3A_27 = arith.constant 0 : index
    %get3A_28 = arith.constant 0 : index
    %get3A_29 = vector.load %arg1[%get3A_26, %get3A_27, %get3A_28] : memref<10x512x512xf32, #tpu.memory_space<vmem>>, vector<1x512x512xf32>
    %get3A_30 = vector.shape_cast %get3A_29 : vector<1x512x512xf32> to vector<512x512xf32>
    %max3A = arith.maximumf %get3A_10, %get3A_15 : vector<512x512xf32>
    %max3A_31 = arith.maximumf %max3A, %get3A_20 : vector<512x512xf32>
    %max3A_32 = arith.maximumf %max3A_31, %get3A_25 : vector<512x512xf32>
    %max3A_33 = arith.maximumf %get3A_25, %get3A_30 : vector<512x512xf32>
    %max3A_34 = arith.maximumf %get3A_20, %max3A_33 : vector<512x512xf32>
    %max3A_35 = arith.maximumf %get3A_15, %max3A_34 : vector<512x512xf32>
    %gt3A = arith.cmpf ogt, %max3A_35, %get3A_10 : vector<512x512xf32>
    %convert_element_type3A = arith.extui %gt3A : vector<512x512xi1> to vector<512x512xi32>
    %convert_element_type3A_36 = arith.sitofp %convert_element_type3A : vector<512x512xi32> to vector<512x512xf32>
    %reduce_sum3A = vector.shape_cast %convert_element_type3A_36 : vector<512x512xf32> to vector<1x512x512xf32>
    %reduce_sum3A_37 = arith.constant dense<0.000000e+00> : vector<1xf32>
    %reduce_sum3A_38 = vector.multi_reduction <add>, %reduce_sum3A, %reduce_sum3A_37 [1, 2] : vector<1x512x512xf32> to vector<1xf32>
    %reduce_sum3A_39 = vector.shape_cast %reduce_sum3A_38 : vector<1xf32> to vector<1x1x1xf32>
    %reduce_sum3A_40 = vector.extract %reduce_sum3A_39[0, 0, 0] : f32 from vector<1x1x1xf32>
    %gt3A_41 = arith.cmpf ogt, %max3A_34, %max3A : vector<512x512xf32>
    %convert_element_type3A_42 = arith.extui %gt3A_41 : vector<512x512xi1> to vector<512x512xi32>
    %convert_element_type3A_43 = arith.sitofp %convert_element_type3A_42 : vector<512x512xi32> to vector<512x512xf32>
    %reduce_sum3A_44 = vector.shape_cast %convert_element_type3A_43 : vector<512x512xf32> to vector<1x512x512xf32>
    %reduce_sum3A_45 = arith.constant dense<0.000000e+00> : vector<1xf32>
    %reduce_sum3A_46 = vector.multi_reduction <add>, %reduce_sum3A_44, %reduce_sum3A_45 [1, 2] : vector<1x512x512xf32> to vector<1xf32>
    %reduce_sum3A_47 = vector.shape_cast %reduce_sum3A_46 : vector<1xf32> to vector<1x1x1xf32>
    %reduce_sum3A_48 = vector.extract %reduce_sum3A_47[0, 0, 0] : f32 from vector<1x1x1xf32>
    %gt3A_49 = arith.cmpf ogt, %max3A_33, %max3A_31 : vector<512x512xf32>
    %convert_element_type3A_50 = arith.extui %gt3A_49 : vector<512x512xi1> to vector<512x512xi32>
    %convert_element_type3A_51 = arith.sitofp %convert_element_type3A_50 : vector<512x512xi32> to vector<512x512xf32>
    %reduce_sum3A_52 = vector.shape_cast %convert_element_type3A_51 : vector<512x512xf32> to vector<1x512x512xf32>
    %reduce_sum3A_53 = arith.constant dense<0.000000e+00> : vector<1xf32>
    %reduce_sum3A_54 = vector.multi_reduction <add>, %reduce_sum3A_52, %reduce_sum3A_53 [1, 2] : vector<1x512x512xf32> to vector<1xf32>
    %reduce_sum3A_55 = vector.shape_cast %reduce_sum3A_54 : vector<1xf32> to vector<1x1x1xf32>
    %reduce_sum3A_56 = vector.extract %reduce_sum3A_55[0, 0, 0] : f32 from vector<1x1x1xf32>
    %gt3A_57 = arith.cmpf ogt, %get3A_30, %max3A_32 : vector<512x512xf32>
    %convert_element_type3A_58 = arith.extui %gt3A_57 : vector<512x512xi1> to vector<512x512xi32>
    %convert_element_type3A_59 = arith.sitofp %convert_element_type3A_58 : vector<512x512xi32> to vector<512x512xf32>
    %reduce_sum3A_60 = vector.shape_cast %convert_element_type3A_59 : vector<512x512xf32> to vector<1x512x512xf32>
    %reduce_sum3A_61 = arith.constant dense<0.000000e+00> : vector<1xf32>
    %reduce_sum3A_62 = vector.multi_reduction <add>, %reduce_sum3A_60, %reduce_sum3A_61 [1, 2] : vector<1x512x512xf32> to vector<1xf32>
    %reduce_sum3A_63 = vector.shape_cast %reduce_sum3A_62 : vector<1xf32> to vector<1x1x1xf32>
    %reduce_sum3A_64 = vector.extract %reduce_sum3A_63[0, 0, 0] : f32 from vector<1x1x1xf32>
    %broadcast_in_dim3A = arith.constant 0.000000e+00 : f32
    %broadcast_in_dim3A_65 = vector.broadcast %broadcast_in_dim3A : f32 to vector<8x128xf32>
    %eq3A = arith.constant 0 : i32
    %eq3A_66 = vector.broadcast %eq3A : i32 to vector<8x128xi32>
    %eq3A_67 = arith.cmpi eq, %iota3A, %eq3A_66 : vector<8x128xi32>
    %eq3A_68 = arith.constant 0 : i32
    %eq3A_69 = vector.broadcast %eq3A_68 : i32 to vector<8x128xi32>
    %eq3A_70 = arith.cmpi eq, %iota3A_5, %eq3A_69 : vector<8x128xi32>
    %and3A = arith.andi %eq3A_67, %eq3A_70 : vector<8x128xi1>
    %broadcast_in_dim3A_71 = vector.broadcast %reduce_sum3A_40 : f32 to vector<8x128xf32>
    %select_n3A = arith.select %and3A, %broadcast_in_dim3A_71, %broadcast_in_dim3A_65 : vector<8x128xi1>, vector<8x128xf32>
    %eq3A_72 = arith.constant 0 : i32
    %eq3A_73 = vector.broadcast %eq3A_72 : i32 to vector<8x128xi32>
    %eq3A_74 = arith.cmpi eq, %iota3A, %eq3A_73 : vector<8x128xi32>
    %eq3A_75 = arith.constant 1 : i32
    %eq3A_76 = vector.broadcast %eq3A_75 : i32 to vector<8x128xi32>
    %eq3A_77 = arith.cmpi eq, %iota3A_5, %eq3A_76 : vector<8x128xi32>
    %and3A_78 = arith.andi %eq3A_74, %eq3A_77 : vector<8x128xi1>
    %broadcast_in_dim3A_79 = vector.broadcast %reduce_sum3A_48 : f32 to vector<8x128xf32>
    %select_n3A_80 = arith.select %and3A_78, %broadcast_in_dim3A_79, %select_n3A : vector<8x128xi1>, vector<8x128xf32>
    %eq3A_81 = arith.constant 0 : i32
    %eq3A_82 = vector.broadcast %eq3A_81 : i32 to vector<8x128xi32>
    %eq3A_83 = arith.cmpi eq, %iota3A, %eq3A_82 : vector<8x128xi32>
    %eq3A_84 = arith.constant 2 : i32
    %eq3A_85 = vector.broadcast %eq3A_84 : i32 to vector<8x128xi32>
    %eq3A_86 = arith.cmpi eq, %iota3A_5, %eq3A_85 : vector<8x128xi32>
    %and3A_87 = arith.andi %eq3A_83, %eq3A_86 : vector<8x128xi1>
    %broadcast_in_dim3A_88 = vector.broadcast %reduce_sum3A_56 : f32 to vector<8x128xf32>
    %select_n3A_89 = arith.select %and3A_87, %broadcast_in_dim3A_88, %select_n3A_80 : vector<8x128xi1>, vector<8x128xf32>
    %eq3A_90 = arith.constant 0 : i32
    %eq3A_91 = vector.broadcast %eq3A_90 : i32 to vector<8x128xi32>
    %eq3A_92 = arith.cmpi eq, %iota3A, %eq3A_91 : vector<8x128xi32>
    %eq3A_93 = arith.constant 3 : i32
    %eq3A_94 = vector.broadcast %eq3A_93 : i32 to vector<8x128xi32>
    %eq3A_95 = arith.cmpi eq, %iota3A_5, %eq3A_94 : vector<8x128xi32>
    %and3A_96 = arith.andi %eq3A_92, %eq3A_95 : vector<8x128xi1>
    %broadcast_in_dim3A_97 = vector.broadcast %reduce_sum3A_64 : f32 to vector<8x128xf32>
    %select_n3A_98 = arith.select %and3A_96, %broadcast_in_dim3A_97, %select_n3A_89 : vector<8x128xi1>, vector<8x128xf32>
    %broadcast_in_dim3A_99 = vector.shape_cast %select_n3A_98 : vector<8x128xf32> to vector<1x8x128xf32>
    %mul3A = arith.constant 2 : i32
    %mul3A_100 = arith.muli %mul3A, %arg0 : i32
    %add3A = arith.constant 0 : i32
    %add3A_101 = arith.addi %mul3A_100, %add3A : i32
    %swap3A_102 = arith.index_cast %add3A_101 : i32 to index
    %swap3A_103 = arith.constant 0 : index
    %swap3A_104 = arith.constant 0 : index
    %swap3A_105 = vector.load %arg5[%swap3A_102, %swap3A_103, %swap3A_104] : memref<32x8x128xf32, #tpu.memory_space<vmem>>, vector<1x8x128xf32>
    tpu.vector_store %arg5[%swap3A_102, %swap3A_103, %swap3A_104], %broadcast_in_dim3A_99 {strides = array<i32>} : memref<32x8x128xf32, #tpu.memory_space<vmem>>, vector<1x8x128xf32>,
    %get3A_106 = arith.constant 5 : index
    %get3A_107 = arith.constant 0 : index
    %get3A_108 = arith.constant 0 : index
    %get3A_109 = vector.load %arg1[%get3A_106, %get3A_107, %get3A_108] : memref<10x512x512xf32, #tpu.memory_space<vmem>>, vector<1x512x512xf32>
    %get3A_110 = vector.shape_cast %get3A_109 : vector<1x512x512xf32> to vector<512x512xf32>
    %get3A_111 = arith.constant 6 : index
    %get3A_112 = arith.constant 0 : index
    %get3A_113 = arith.constant 0 : index
    %get3A_114 = vector.load %arg1[%get3A_111, %get3A_112, %get3A_113] : memref<10x512x512xf32, #tpu.memory_space<vmem>>, vector<1x512x512xf32>
    %get3A_115 = vector.shape_cast %get3A_114 : vector<1x512x512xf32> to vector<512x512xf32>
    %get3A_116 = arith.constant 7 : index
    %get3A_117 = arith.constant 0 : index
    %get3A_118 = arith.constant 0 : index
    %get3A_119 = vector.load %arg1[%get3A_116, %get3A_117, %get3A_118] : memref<10x512x512xf32, #tpu.memory_space<vmem>>, vector<1x512x512xf32>
    %get3A_120 = vector.shape_cast %get3A_119 : vector<1x512x512xf32> to vector<512x512xf32>
    %get3A_121 = arith.constant 8 : index
    %get3A_122 = arith.constant 0 : index
    %get3A_123 = arith.constant 0 : index
    %get3A_124 = vector.load %arg1[%get3A_121, %get3A_122, %get3A_123] : memref<10x512x512xf32, #tpu.memory_space<vmem>>, vector<1x512x512xf32>
    %get3A_125 = vector.shape_cast %get3A_124 : vector<1x512x512xf32> to vector<512x512xf32>
    %get3A_126 = arith.constant 9 : index
    %get3A_127 = arith.constant 0 : index
    %get3A_128 = arith.constant 0 : index
    %get3A_129 = vector.load %arg1[%get3A_126, %get3A_127, %get3A_128] : memref<10x512x512xf32, #tpu.memory_space<vmem>>, vector<1x512x512xf32>
    %get3A_130 = vector.shape_cast %get3A_129 : vector<1x512x512xf32> to vector<512x512xf32>
    %max3A_131 = arith.maximumf %get3A_110, %get3A_115 : vector<512x512xf32>
    %max3A_132 = arith.maximumf %max3A_131, %get3A_120 : vector<512x512xf32>
    %max3A_133 = arith.maximumf %max3A_132, %get3A_125 : vector<512x512xf32>
    %max3A_134 = arith.maximumf %get3A_125, %get3A_130 : vector<512x512xf32>
    %max3A_135 = arith.maximumf %get3A_120, %max3A_134 : vector<512x512xf32>
    %max3A_136 = arith.maximumf %get3A_115, %max3A_135 : vector<512x512xf32>
    %gt3A_137 = arith.cmpf ogt, %max3A_136, %get3A_110 : vector<512x512xf32>
    %convert_element_type3A_138 = arith.extui %gt3A_137 : vector<512x512xi1> to vector<512x512xi32>
    %convert_element_type3A_139 = arith.sitofp %convert_element_type3A_138 : vector<512x512xi32> to vector<512x512xf32>
    %reduce_sum3A_140 = vector.shape_cast %convert_element_type3A_139 : vector<512x512xf32> to vector<1x512x512xf32>
    %reduce_sum3A_141 = arith.constant dense<0.000000e+00> : vector<1xf32>
    %reduce_sum3A_142 = vector.multi_reduction <add>, %reduce_sum3A_140, %reduce_sum3A_141 [1, 2] : vector<1x512x512xf32> to vector<1xf32>
    %reduce_sum3A_143 = vector.shape_cast %reduce_sum3A_142 : vector<1xf32> to vector<1x1x1xf32>
    %reduce_sum3A_144 = vector.extract %reduce_sum3A_143[0, 0, 0] : f32 from vector<1x1x1xf32>
    %gt3A_145 = arith.cmpf ogt, %max3A_135, %max3A_131 : vector<512x512xf32>
    %convert_element_type3A_146 = arith.extui %gt3A_145 : vector<512x512xi1> to vector<512x512xi32>
    %convert_element_type3A_147 = arith.sitofp %convert_element_type3A_146 : vector<512x512xi32> to vector<512x512xf32>
    %reduce_sum3A_148 = vector.shape_cast %convert_element_type3A_147 : vector<512x512xf32> to vector<1x512x512xf32>
    %reduce_sum3A_149 = arith.constant dense<0.000000e+00> : vector<1xf32>
    %reduce_sum3A_150 = vector.multi_reduction <add>, %reduce_sum3A_148, %reduce_sum3A_149 [1, 2] : vector<1x512x512xf32> to vector<1xf32>
    %reduce_sum3A_151 = vector.shape_cast %reduce_sum3A_150 : vector<1xf32> to vector<1x1x1xf32>
    %reduce_sum3A_152 = vector.extract %reduce_sum3A_151[0, 0, 0] : f32 from vector<1x1x1xf32>
    %gt3A_153 = arith.cmpf ogt, %max3A_134, %max3A_132 : vector<512x512xf32>
    %convert_element_type3A_154 = arith.extui %gt3A_153 : vector<512x512xi1> to vector<512x512xi32>
    %convert_element_type3A_155 = arith.sitofp %convert_element_type3A_154 : vector<512x512xi32> to vector<512x512xf32>
    %reduce_sum3A_156 = vector.shape_cast %convert_element_type3A_155 : vector<512x512xf32> to vector<1x512x512xf32>
    %reduce_sum3A_157 = arith.constant dense<0.000000e+00> : vector<1xf32>
    %reduce_sum3A_158 = vector.multi_reduction <add>, %reduce_sum3A_156, %reduce_sum3A_157 [1, 2] : vector<1x512x512xf32> to vector<1xf32>
    %reduce_sum3A_159 = vector.shape_cast %reduce_sum3A_158 : vector<1xf32> to vector<1x1x1xf32>
    %reduce_sum3A_160 = vector.extract %reduce_sum3A_159[0, 0, 0] : f32 from vector<1x1x1xf32>
    %gt3A_161 = arith.cmpf ogt, %get3A_130, %max3A_133 : vector<512x512xf32>
    %convert_element_type3A_162 = arith.extui %gt3A_161 : vector<512x512xi1> to vector<512x512xi32>
    %convert_element_type3A_163 = arith.sitofp %convert_element_type3A_162 : vector<512x512xi32> to vector<512x512xf32>
    %reduce_sum3A_164 = vector.shape_cast %convert_element_type3A_163 : vector<512x512xf32> to vector<1x512x512xf32>
    %reduce_sum3A_165 = arith.constant dense<0.000000e+00> : vector<1xf32>
    %reduce_sum3A_166 = vector.multi_reduction <add>, %reduce_sum3A_164, %reduce_sum3A_165 [1, 2] : vector<1x512x512xf32> to vector<1xf32>
    %reduce_sum3A_167 = vector.shape_cast %reduce_sum3A_166 : vector<1xf32> to vector<1x1x1xf32>
    %reduce_sum3A_168 = vector.extract %reduce_sum3A_167[0, 0, 0] : f32 from vector<1x1x1xf32>
    %broadcast_in_dim3A_169 = arith.constant 0.000000e+00 : f32
    %broadcast_in_dim3A_170 = vector.broadcast %broadcast_in_dim3A_169 : f32 to vector<8x128xf32>
    %eq3A_171 = arith.constant 0 : i32
    %eq3A_172 = vector.broadcast %eq3A_171 : i32 to vector<8x128xi32>
    %eq3A_173 = arith.cmpi eq, %iota3A, %eq3A_172 : vector<8x128xi32>
    %eq3A_174 = arith.constant 0 : i32
    %eq3A_175 = vector.broadcast %eq3A_174 : i32 to vector<8x128xi32>
    %eq3A_176 = arith.cmpi eq, %iota3A_5, %eq3A_175 : vector<8x128xi32>
    %and3A_177 = arith.andi %eq3A_173, %eq3A_176 : vector<8x128xi1>
    %broadcast_in_dim3A_178 = vector.broadcast %reduce_sum3A_144 : f32 to vector<8x128xf32>
    %select_n3A_179 = arith.select %and3A_177, %broadcast_in_dim3A_178, %broadcast_in_dim3A_170 : vector<8x128xi1>, vector<8x128xf32>
    %eq3A_180 = arith.constant 0 : i32
    %eq3A_181 = vector.broadcast %eq3A_180 : i32 to vector<8x128xi32>
    %eq3A_182 = arith.cmpi eq, %iota3A, %eq3A_181 : vector<8x128xi32>
    %eq3A_183 = arith.constant 1 : i32
    %eq3A_184 = vector.broadcast %eq3A_183 : i32 to vector<8x128xi32>
    %eq3A_185 = arith.cmpi eq, %iota3A_5, %eq3A_184 : vector<8x128xi32>
    %and3A_186 = arith.andi %eq3A_182, %eq3A_185 : vector<8x128xi1>
    %broadcast_in_dim3A_187 = vector.broadcast %reduce_sum3A_152 : f32 to vector<8x128xf32>
    %select_n3A_188 = arith.select %and3A_186, %broadcast_in_dim3A_187, %select_n3A_179 : vector<8x128xi1>, vector<8x128xf32>
    %eq3A_189 = arith.constant 0 : i32
    %eq3A_190 = vector.broadcast %eq3A_189 : i32 to vector<8x128xi32>
    %eq3A_191 = arith.cmpi eq, %iota3A, %eq3A_190 : vector<8x128xi32>
    %eq3A_192 = arith.constant 2 : i32
    %eq3A_193 = vector.broadcast %eq3A_192 : i32 to vector<8x128xi32>
    %eq3A_194 = arith.cmpi eq, %iota3A_5, %eq3A_193 : vector<8x128xi32>
    %and3A_195 = arith.andi %eq3A_191, %eq3A_194 : vector<8x128xi1>
    %broadcast_in_dim3A_196 = vector.broadcast %reduce_sum3A_160 : f32 to vector<8x128xf32>
    %select_n3A_197 = arith.select %and3A_195, %broadcast_in_dim3A_196, %select_n3A_188 : vector<8x128xi1>, vector<8x128xf32>
    %eq3A_198 = arith.constant 0 : i32
    %eq3A_199 = vector.broadcast %eq3A_198 : i32 to vector<8x128xi32>
    %eq3A_200 = arith.cmpi eq, %iota3A, %eq3A_199 : vector<8x128xi32>
    %eq3A_201 = arith.constant 3 : i32
    %eq3A_202 = vector.broadcast %eq3A_201 : i32 to vector<8x128xi32>
    %eq3A_203 = arith.cmpi eq, %iota3A_5, %eq3A_202 : vector<8x128xi32>
    %and3A_204 = arith.andi %eq3A_200, %eq3A_203 : vector<8x128xi1>
    %broadcast_in_dim3A_205 = vector.broadcast %reduce_sum3A_168 : f32 to vector<8x128xf32>
    %select_n3A_206 = arith.select %and3A_204, %broadcast_in_dim3A_205, %select_n3A_197 : vector<8x128xi1>, vector<8x128xf32>
    %broadcast_in_dim3A_207 = vector.shape_cast %select_n3A_206 : vector<8x128xf32> to vector<1x8x128xf32>
    %mul3A_208 = arith.constant 2 : i32
    %mul3A_209 = arith.muli %mul3A_208, %arg0 : i32
    %add3A_210 = arith.constant 1 : i32
    %add3A_211 = arith.addi %mul3A_209, %add3A_210 : i32
    %swap3A_212 = arith.index_cast %add3A_211 : i32 to index
    %swap3A_213 = arith.constant 0 : index
    %swap3A_214 = arith.constant 0 : index
    %swap3A_215 = vector.load %arg5[%swap3A_212, %swap3A_213, %swap3A_214] : memref<32x8x128xf32, #tpu.memory_space<vmem>>, vector<1x8x128xf32>
    tpu.vector_store %arg5[%swap3A_212, %swap3A_213, %swap3A_214], %broadcast_in_dim3A_207 {strides = array<i32>} : memref<32x8x128xf32, #tpu.memory_space<vmem>>, vector<1x8x128xf32>,
    %eq3A_216 = arith.constant 15 : i32
    %eq3A_217 = arith.cmpi eq, %arg0, %eq3A_216 : i32
    %convert_element_type3A_218 = arith.extui %eq3A_217 : i1 to i32
    %cond3A = arith.constant 0 : i32
    %cond3A_219 = arith.cmpi ne, %convert_element_type3A_218, %cond3A : i32
    scf.if %cond3A_219 {
      %broadcast_in_dim3A_220 = arith.constant 0.000000e+00 : f32
      %broadcast_in_dim3A_221 = vector.broadcast %broadcast_in_dim3A_220 : f32 to vector<8x128xf32>
      %get3A_222 = arith.constant 0 : index
      %get3A_223 = arith.constant 0 : index
      %get3A_224 = arith.constant 0 : index
      %get3A_225 = vector.load %arg5[%get3A_222, %get3A_223, %get3A_224] : memref<32x8x128xf32, #tpu.memory_space<vmem>>, vector<1x8x128xf32>
      %get3A_226 = vector.shape_cast %get3A_225 : vector<1x8x128xf32> to vector<8x128xf32>
      %roll3A = arith.constant 0 : i32
      %roll3A_227 = tpu.dynamic_rotate %get3A_226 by %roll3A dim 0 : vector<8x128xf32>, i32 -> vector<8x128xf32>
      %add3A_228 = arith.addf %broadcast_in_dim3A_221, %roll3A_227 : vector<8x128xf32>
      %get3A_229 = arith.constant 1 : index
      %get3A_230 = arith.constant 0 : index
      %get3A_231 = arith.constant 0 : index
      %get3A_232 = vector.load %arg5[%get3A_229, %get3A_230, %get3A_231] : memref<32x8x128xf32, #tpu.memory_space<vmem>>, vector<1x8x128xf32>
      %get3A_233 = vector.shape_cast %get3A_232 : vector<1x8x128xf32> to vector<8x128xf32>
      %roll3A_234 = arith.constant 1 : i32
      %roll3A_235 = tpu.dynamic_rotate %get3A_233 by %roll3A_234 dim 0 : vector<8x128xf32>, i32 -> vector<8x128xf32>
      %add3A_236 = arith.addf %add3A_228, %roll3A_235 : vector<8x128xf32>
      %get3A_237 = arith.constant 2 : index
      %get3A_238 = arith.constant 0 : index
      %get3A_239 = arith.constant 0 : index
      %get3A_240 = vector.load %arg5[%get3A_237, %get3A_238, %get3A_239] : memref<32x8x128xf32, #tpu.memory_space<vmem>>, vector<1x8x128xf32>
      %get3A_241 = vector.shape_cast %get3A_240 : vector<1x8x128xf32> to vector<8x128xf32>
      %roll3A_242 = arith.constant 2 : i32
      %roll3A_243 = tpu.dynamic_rotate %get3A_241 by %roll3A_242 dim 0 : vector<8x128xf32>, i32 -> vector<8x128xf32>
      %add3A_244 = arith.addf %add3A_236, %roll3A_243 : vector<8x128xf32>
      %get3A_245 = arith.constant 3 : index
      %get3A_246 = arith.constant 0 : index
      %get3A_247 = arith.constant 0 : index
      %get3A_248 = vector.load %arg5[%get3A_245, %get3A_246, %get3A_247] : memref<32x8x128xf32, #tpu.memory_space<vmem>>, vector<1x8x128xf32>
      %get3A_249 = vector.shape_cast %get3A_248 : vector<1x8x128xf32> to vector<8x128xf32>
      %roll3A_250 = arith.constant 3 : i32
      %roll3A_251 = tpu.dynamic_rotate %get3A_249 by %roll3A_250 dim 0 : vector<8x128xf32>, i32 -> vector<8x128xf32>
      %add3A_252 = arith.addf %add3A_244, %roll3A_251 : vector<8x128xf32>
      %get3A_253 = arith.constant 4 : index
      %get3A_254 = arith.constant 0 : index
      %get3A_255 = arith.constant 0 : index
      %get3A_256 = vector.load %arg5[%get3A_253, %get3A_254, %get3A_255] : memref<32x8x128xf32, #tpu.memory_space<vmem>>, vector<1x8x128xf32>
      %get3A_257 = vector.shape_cast %get3A_256 : vector<1x8x128xf32> to vector<8x128xf32>
      %roll3A_258 = arith.constant 4 : i32
      %roll3A_259 = tpu.dynamic_rotate %get3A_257 by %roll3A_258 dim 0 : vector<8x128xf32>, i32 -> vector<8x128xf32>
      %add3A_260 = arith.addf %add3A_252, %roll3A_259 : vector<8x128xf32>
      %get3A_261 = arith.constant 5 : index
      %get3A_262 = arith.constant 0 : index
      %get3A_263 = arith.constant 0 : index
      %get3A_264 = vector.load %arg5[%get3A_261, %get3A_262, %get3A_263] : memref<32x8x128xf32, #tpu.memory_space<vmem>>, vector<1x8x128xf32>
      %get3A_265 = vector.shape_cast %get3A_264 : vector<1x8x128xf32> to vector<8x128xf32>
      %roll3A_266 = arith.constant 5 : i32
      %roll3A_267 = tpu.dynamic_rotate %get3A_265 by %roll3A_266 dim 0 : vector<8x128xf32>, i32 -> vector<8x128xf32>
      %add3A_268 = arith.addf %add3A_260, %roll3A_267 : vector<8x128xf32>
      %get3A_269 = arith.constant 6 : index
      %get3A_270 = arith.constant 0 : index
      %get3A_271 = arith.constant 0 : index
      %get3A_272 = vector.load %arg5[%get3A_269, %get3A_270, %get3A_271] : memref<32x8x128xf32, #tpu.memory_space<vmem>>, vector<1x8x128xf32>
      %get3A_273 = vector.shape_cast %get3A_272 : vector<1x8x128xf32> to vector<8x128xf32>
      %roll3A_274 = arith.constant 6 : i32
      %roll3A_275 = tpu.dynamic_rotate %get3A_273 by %roll3A_274 dim 0 : vector<8x128xf32>, i32 -> vector<8x128xf32>
      %add3A_276 = arith.addf %add3A_268, %roll3A_275 : vector<8x128xf32>
      %get3A_277 = arith.constant 7 : index
      %get3A_278 = arith.constant 0 : index
      %get3A_279 = arith.constant 0 : index
      %get3A_280 = vector.load %arg5[%get3A_277, %get3A_278, %get3A_279] : memref<32x8x128xf32, #tpu.memory_space<vmem>>, vector<1x8x128xf32>
      %get3A_281 = vector.shape_cast %get3A_280 : vector<1x8x128xf32> to vector<8x128xf32>
      %roll3A_282 = arith.constant 7 : i32
      %roll3A_283 = tpu.dynamic_rotate %get3A_281 by %roll3A_282 dim 0 : vector<8x128xf32>, i32 -> vector<8x128xf32>
      %add3A_284 = arith.addf %add3A_276, %roll3A_283 : vector<8x128xf32>
      %roll3A_285 = arith.constant 1 : i32
      %roll3A_286 = tpu.dynamic_rotate %add3A_284 by %roll3A_285 dim 1 : vector<8x128xf32>, i32 -> vector<8x128xf32>
      %eq3A_287 = arith.constant 0 : i32
      %eq3A_288 = vector.broadcast %eq3A_287 : i32 to vector<8x128xi32>
      %eq3A_289 = arith.cmpi eq, %iota3A_5, %eq3A_288 : vector<8x128xi32>
      %sub3A = arith.constant 2.621440e+05 : f32
      %sub3A_290 = vector.broadcast %sub3A : f32 to vector<8x128xf32>
      %sub3A_291 = arith.subf %sub3A_290, %add3A_284 : vector<8x128xf32>
      %sub3A_292 = arith.subf %roll3A_286, %add3A_284 : vector<8x128xf32>
      %select_n3A_293 = arith.select %eq3A_289, %sub3A_291, %sub3A_292 : vector<8x128xi1>, vector<8x128xf32>
      %lt3A = arith.constant 5 : i32
      %lt3A_294 = vector.broadcast %lt3A : i32 to vector<8x128xi32>
      %lt3A_295 = arith.cmpi slt, %iota3A_5, %lt3A_294 : vector<8x128xi32>
      %jit3A = arith.constant 0.000000e+00 : f32
      %broadcast_in_dim3A_296 = vector.broadcast %jit3A : f32 to vector<8x128xf32>
      %select_n3A_297 = arith.select %lt3A_295, %select_n3A_293, %broadcast_in_dim3A_296 : vector<8x128xi1>, vector<8x128xf32>
      %broadcast_in_dim3A_298 = arith.constant 0.000000e+00 : f32
      %broadcast_in_dim3A_299 = vector.broadcast %broadcast_in_dim3A_298 : f32 to vector<8x128xf32>
      %get3A_300 = arith.constant 8 : index
      %get3A_301 = arith.constant 0 : index
      %get3A_302 = arith.constant 0 : index
      %get3A_303 = vector.load %arg5[%get3A_300, %get3A_301, %get3A_302] : memref<32x8x128xf32, #tpu.memory_space<vmem>>, vector<1x8x128xf32>
      %get3A_304 = vector.shape_cast %get3A_303 : vector<1x8x128xf32> to vector<8x128xf32>
      %roll3A_305 = arith.constant 0 : i32
      %roll3A_306 = tpu.dynamic_rotate %get3A_304 by %roll3A_305 dim 0 : vector<8x128xf32>, i32 -> vector<8x128xf32>
      %add3A_307 = arith.addf %broadcast_in_dim3A_299, %roll3A_306 : vector<8x128xf32>
      %get3A_308 = arith.constant 9 : index
      %get3A_309 = arith.constant 0 : index
      %get3A_310 = arith.constant 0 : index
      %get3A_311 = vector.load %arg5[%get3A_308, %get3A_309, %get3A_310] : memref<32x8x128xf32, #tpu.memory_space<vmem>>, vector<1x8x128xf32>
      %get3A_312 = vector.shape_cast %get3A_311 : vector<1x8x128xf32> to vector<8x128xf32>
      %roll3A_313 = arith.constant 1 : i32
      %roll3A_314 = tpu.dynamic_rotate %get3A_312 by %roll3A_313 dim 0 : vector<8x128xf32>, i32 -> vector<8x128xf32>
      %add3A_315 = arith.addf %add3A_307, %roll3A_314 : vector<8x128xf32>
      %get3A_316 = arith.constant 10 : index
      %get3A_317 = arith.constant 0 : index
      %get3A_318 = arith.constant 0 : index
      %get3A_319 = vector.load %arg5[%get3A_316, %get3A_317, %get3A_318] : memref<32x8x128xf32, #tpu.memory_space<vmem>>, vector<1x8x128xf32>
      %get3A_320 = vector.shape_cast %get3A_319 : vector<1x8x128xf32> to vector<8x128xf32>
      %roll3A_321 = arith.constant 2 : i32
      %roll3A_322 = tpu.dynamic_rotate %get3A_320 by %roll3A_321 dim 0 : vector<8x128xf32>, i32 -> vector<8x128xf32>
      %add3A_323 = arith.addf %add3A_315, %roll3A_322 : vector<8x128xf32>
      %get3A_324 = arith.constant 11 : index
      %get3A_325 = arith.constant 0 : index
      %get3A_326 = arith.constant 0 : index
      %get3A_327 = vector.load %arg5[%get3A_324, %get3A_325, %get3A_326] : memref<32x8x128xf32, #tpu.memory_space<vmem>>, vector<1x8x128xf32>
      %get3A_328 = vector.shape_cast %get3A_327 : vector<1x8x128xf32> to vector<8x128xf32>
      %roll3A_329 = arith.constant 3 : i32
      %roll3A_330 = tpu.dynamic_rotate %get3A_328 by %roll3A_329 dim 0 : vector<8x128xf32>, i32 -> vector<8x128xf32>
      %add3A_331 = arith.addf %add3A_323, %roll3A_330 : vector<8x128xf32>
      %get3A_332 = arith.constant 12 : index
      %get3A_333 = arith.constant 0 : index
      %get3A_334 = arith.constant 0 : index
      %get3A_335 = vector.load %arg5[%get3A_332, %get3A_333, %get3A_334] : memref<32x8x128xf32, #tpu.memory_space<vmem>>, vector<1x8x128xf32>
      %get3A_336 = vector.shape_cast %get3A_335 : vector<1x8x128xf32> to vector<8x128xf32>
      %roll3A_337 = arith.constant 4 : i32
      %roll3A_338 = tpu.dynamic_rotate %get3A_336 by %roll3A_337 dim 0 : vector<8x128xf32>, i32 -> vector<8x128xf32>
      %add3A_339 = arith.addf %add3A_331, %roll3A_338 : vector<8x128xf32>
      %get3A_340 = arith.constant 13 : index
      %get3A_341 = arith.constant 0 : index
      %get3A_342 = arith.constant 0 : index
      %get3A_343 = vector.load %arg5[%get3A_340, %get3A_341, %get3A_342] : memref<32x8x128xf32, #tpu.memory_space<vmem>>, vector<1x8x128xf32>
      %get3A_344 = vector.shape_cast %get3A_343 : vector<1x8x128xf32> to vector<8x128xf32>
      %roll3A_345 = arith.constant 5 : i32
      %roll3A_346 = tpu.dynamic_rotate %get3A_344 by %roll3A_345 dim 0 : vector<8x128xf32>, i32 -> vector<8x128xf32>
      %add3A_347 = arith.addf %add3A_339, %roll3A_346 : vector<8x128xf32>
      %get3A_348 = arith.constant 14 : index
      %get3A_349 = arith.constant 0 : index
      %get3A_350 = arith.constant 0 : index
      %get3A_351 = vector.load %arg5[%get3A_348, %get3A_349, %get3A_350] : memref<32x8x128xf32, #tpu.memory_space<vmem>>, vector<1x8x128xf32>
      %get3A_352 = vector.shape_cast %get3A_351 : vector<1x8x128xf32> to vector<8x128xf32>
      %roll3A_353 = arith.constant 6 : i32
      %roll3A_354 = tpu.dynamic_rotate %get3A_352 by %roll3A_353 dim 0 : vector<8x128xf32>, i32 -> vector<8x128xf32>
      %add3A_355 = arith.addf %add3A_347, %roll3A_354 : vector<8x128xf32>
      %get3A_356 = arith.constant 15 : index
      %get3A_357 = arith.constant 0 : index
      %get3A_358 = arith.constant 0 : index
      %get3A_359 = vector.load %arg5[%get3A_356, %get3A_357, %get3A_358] : memref<32x8x128xf32, #tpu.memory_space<vmem>>, vector<1x8x128xf32>
      %get3A_360 = vector.shape_cast %get3A_359 : vector<1x8x128xf32> to vector<8x128xf32>
      %roll3A_361 = arith.constant 7 : i32
      %roll3A_362 = tpu.dynamic_rotate %get3A_360 by %roll3A_361 dim 0 : vector<8x128xf32>, i32 -> vector<8x128xf32>
      %add3A_363 = arith.addf %add3A_355, %roll3A_362 : vector<8x128xf32>
      %roll3A_364 = arith.constant 1 : i32
      %roll3A_365 = tpu.dynamic_rotate %add3A_363 by %roll3A_364 dim 1 : vector<8x128xf32>, i32 -> vector<8x128xf32>
      %eq3A_366 = arith.constant 0 : i32
      %eq3A_367 = vector.broadcast %eq3A_366 : i32 to vector<8x128xi32>
      %eq3A_368 = arith.cmpi eq, %iota3A_5, %eq3A_367 : vector<8x128xi32>
      %sub3A_369 = arith.constant 2.621440e+05 : f32
      %sub3A_370 = vector.broadcast %sub3A_369 : f32 to vector<8x128xf32>
      %sub3A_371 = arith.subf %sub3A_370, %add3A_363 : vector<8x128xf32>
      %sub3A_372 = arith.subf %roll3A_365, %add3A_363 : vector<8x128xf32>
      %select_n3A_373 = arith.select %eq3A_368, %sub3A_371, %sub3A_372 : vector<8x128xi1>, vector<8x128xf32>
      %lt3A_374 = arith.constant 5 : i32
      %lt3A_375 = vector.broadcast %lt3A_374 : i32 to vector<8x128xi32>
      %lt3A_376 = arith.cmpi slt, %iota3A_5, %lt3A_375 : vector<8x128xi32>
      %jit3A_377 = arith.constant 0.000000e+00 : f32
      %broadcast_in_dim3A_378 = vector.broadcast %jit3A_377 : f32 to vector<8x128xf32>
      %select_n3A_379 = arith.select %lt3A_376, %select_n3A_373, %broadcast_in_dim3A_378 : vector<8x128xi1>, vector<8x128xf32>
      %broadcast_in_dim3A_380 = arith.constant 0.000000e+00 : f32
      %broadcast_in_dim3A_381 = vector.broadcast %broadcast_in_dim3A_380 : f32 to vector<8x128xf32>
      %get3A_382 = arith.constant 16 : index
      %get3A_383 = arith.constant 0 : index
      %get3A_384 = arith.constant 0 : index
      %get3A_385 = vector.load %arg5[%get3A_382, %get3A_383, %get3A_384] : memref<32x8x128xf32, #tpu.memory_space<vmem>>, vector<1x8x128xf32>
      %get3A_386 = vector.shape_cast %get3A_385 : vector<1x8x128xf32> to vector<8x128xf32>
      %roll3A_387 = arith.constant 0 : i32
      %roll3A_388 = tpu.dynamic_rotate %get3A_386 by %roll3A_387 dim 0 : vector<8x128xf32>, i32 -> vector<8x128xf32>
      %add3A_389 = arith.addf %broadcast_in_dim3A_381, %roll3A_388 : vector<8x128xf32>
      %get3A_390 = arith.constant 17 : index
      %get3A_391 = arith.constant 0 : index
      %get3A_392 = arith.constant 0 : index
      %get3A_393 = vector.load %arg5[%get3A_390, %get3A_391, %get3A_392] : memref<32x8x128xf32, #tpu.memory_space<vmem>>, vector<1x8x128xf32>
      %get3A_394 = vector.shape_cast %get3A_393 : vector<1x8x128xf32> to vector<8x128xf32>
      %roll3A_395 = arith.constant 1 : i32
      %roll3A_396 = tpu.dynamic_rotate %get3A_394 by %roll3A_395 dim 0 : vector<8x128xf32>, i32 -> vector<8x128xf32>
      %add3A_397 = arith.addf %add3A_389, %roll3A_396 : vector<8x128xf32>
      %get3A_398 = arith.constant 18 : index
      %get3A_399 = arith.constant 0 : index
      %get3A_400 = arith.constant 0 : index
      %get3A_401 = vector.load %arg5[%get3A_398, %get3A_399, %get3A_400] : memref<32x8x128xf32, #tpu.memory_space<vmem>>, vector<1x8x128xf32>
      %get3A_402 = vector.shape_cast %get3A_401 : vector<1x8x128xf32> to vector<8x128xf32>
      %roll3A_403 = arith.constant 2 : i32
      %roll3A_404 = tpu.dynamic_rotate %get3A_402 by %roll3A_403 dim 0 : vector<8x128xf32>, i32 -> vector<8x128xf32>
      %add3A_405 = arith.addf %add3A_397, %roll3A_404 : vector<8x128xf32>
      %get3A_406 = arith.constant 19 : index
      %get3A_407 = arith.constant 0 : index
      %get3A_408 = arith.constant 0 : index
      %get3A_409 = vector.load %arg5[%get3A_406, %get3A_407, %get3A_408] : memref<32x8x128xf32, #tpu.memory_space<vmem>>, vector<1x8x128xf32>
      %get3A_410 = vector.shape_cast %get3A_409 : vector<1x8x128xf32> to vector<8x128xf32>
      %roll3A_411 = arith.constant 3 : i32
      %roll3A_412 = tpu.dynamic_rotate %get3A_410 by %roll3A_411 dim 0 : vector<8x128xf32>, i32 -> vector<8x128xf32>
      %add3A_413 = arith.addf %add3A_405, %roll3A_412 : vector<8x128xf32>
      %get3A_414 = arith.constant 20 : index
      %get3A_415 = arith.constant 0 : index
      %get3A_416 = arith.constant 0 : index
      %get3A_417 = vector.load %arg5[%get3A_414, %get3A_415, %get3A_416] : memref<32x8x128xf32, #tpu.memory_space<vmem>>, vector<1x8x128xf32>
      %get3A_418 = vector.shape_cast %get3A_417 : vector<1x8x128xf32> to vector<8x128xf32>
      %roll3A_419 = arith.constant 4 : i32
      %roll3A_420 = tpu.dynamic_rotate %get3A_418 by %roll3A_419 dim 0 : vector<8x128xf32>, i32 -> vector<8x128xf32>
      %add3A_421 = arith.addf %add3A_413, %roll3A_420 : vector<8x128xf32>
      %get3A_422 = arith.constant 21 : index
      %get3A_423 = arith.constant 0 : index
      %get3A_424 = arith.constant 0 : index
      %get3A_425 = vector.load %arg5[%get3A_422, %get3A_423, %get3A_424] : memref<32x8x128xf32, #tpu.memory_space<vmem>>, vector<1x8x128xf32>
      %get3A_426 = vector.shape_cast %get3A_425 : vector<1x8x128xf32> to vector<8x128xf32>
      %roll3A_427 = arith.constant 5 : i32
      %roll3A_428 = tpu.dynamic_rotate %get3A_426 by %roll3A_427 dim 0 : vector<8x128xf32>, i32 -> vector<8x128xf32>
      %add3A_429 = arith.addf %add3A_421, %roll3A_428 : vector<8x128xf32>
      %get3A_430 = arith.constant 22 : index
      %get3A_431 = arith.constant 0 : index
      %get3A_432 = arith.constant 0 : index
      %get3A_433 = vector.load %arg5[%get3A_430, %get3A_431, %get3A_432] : memref<32x8x128xf32, #tpu.memory_space<vmem>>, vector<1x8x128xf32>
      %get3A_434 = vector.shape_cast %get3A_433 : vector<1x8x128xf32> to vector<8x128xf32>
      %roll3A_435 = arith.constant 6 : i32
      %roll3A_436 = tpu.dynamic_rotate %get3A_434 by %roll3A_435 dim 0 : vector<8x128xf32>, i32 -> vector<8x128xf32>
      %add3A_437 = arith.addf %add3A_429, %roll3A_436 : vector<8x128xf32>
      %get3A_438 = arith.constant 23 : index
      %get3A_439 = arith.constant 0 : index
      %get3A_440 = arith.constant 0 : index
      %get3A_441 = vector.load %arg5[%get3A_438, %get3A_439, %get3A_440] : memref<32x8x128xf32, #tpu.memory_space<vmem>>, vector<1x8x128xf32>
      %get3A_442 = vector.shape_cast %get3A_441 : vector<1x8x128xf32> to vector<8x128xf32>
      %roll3A_443 = arith.constant 7 : i32
      %roll3A_444 = tpu.dynamic_rotate %get3A_442 by %roll3A_443 dim 0 : vector<8x128xf32>, i32 -> vector<8x128xf32>
      %add3A_445 = arith.addf %add3A_437, %roll3A_444 : vector<8x128xf32>
      %roll3A_446 = arith.constant 1 : i32
      %roll3A_447 = tpu.dynamic_rotate %add3A_445 by %roll3A_446 dim 1 : vector<8x128xf32>, i32 -> vector<8x128xf32>
      %eq3A_448 = arith.constant 0 : i32
      %eq3A_449 = vector.broadcast %eq3A_448 : i32 to vector<8x128xi32>
      %eq3A_450 = arith.cmpi eq, %iota3A_5, %eq3A_449 : vector<8x128xi32>
      %sub3A_451 = arith.constant 2.621440e+05 : f32
      %sub3A_452 = vector.broadcast %sub3A_451 : f32 to vector<8x128xf32>
      %sub3A_453 = arith.subf %sub3A_452, %add3A_445 : vector<8x128xf32>
      %sub3A_454 = arith.subf %roll3A_447, %add3A_445 : vector<8x128xf32>
      %select_n3A_455 = arith.select %eq3A_450, %sub3A_453, %sub3A_454 : vector<8x128xi1>, vector<8x128xf32>
      %lt3A_456 = arith.constant 5 : i32
      %lt3A_457 = vector.broadcast %lt3A_456 : i32 to vector<8x128xi32>
      %lt3A_458 = arith.cmpi slt, %iota3A_5, %lt3A_457 : vector<8x128xi32>
      %jit3A_459 = arith.constant 0.000000e+00 : f32
      %broadcast_in_dim3A_460 = vector.broadcast %jit3A_459 : f32 to vector<8x128xf32>
      %select_n3A_461 = arith.select %lt3A_458, %select_n3A_455, %broadcast_in_dim3A_460 : vector<8x128xi1>, vector<8x128xf32>
      %broadcast_in_dim3A_462 = arith.constant 0.000000e+00 : f32
      %broadcast_in_dim3A_463 = vector.broadcast %broadcast_in_dim3A_462 : f32 to vector<8x128xf32>
      %get3A_464 = arith.constant 24 : index
      %get3A_465 = arith.constant 0 : index
      %get3A_466 = arith.constant 0 : index
      %get3A_467 = vector.load %arg5[%get3A_464, %get3A_465, %get3A_466] : memref<32x8x128xf32, #tpu.memory_space<vmem>>, vector<1x8x128xf32>
      %get3A_468 = vector.shape_cast %get3A_467 : vector<1x8x128xf32> to vector<8x128xf32>
      %roll3A_469 = arith.constant 0 : i32
      %roll3A_470 = tpu.dynamic_rotate %get3A_468 by %roll3A_469 dim 0 : vector<8x128xf32>, i32 -> vector<8x128xf32>
      %add3A_471 = arith.addf %broadcast_in_dim3A_463, %roll3A_470 : vector<8x128xf32>
      %get3A_472 = arith.constant 25 : index
      %get3A_473 = arith.constant 0 : index
      %get3A_474 = arith.constant 0 : index
      %get3A_475 = vector.load %arg5[%get3A_472, %get3A_473, %get3A_474] : memref<32x8x128xf32, #tpu.memory_space<vmem>>, vector<1x8x128xf32>
      %get3A_476 = vector.shape_cast %get3A_475 : vector<1x8x128xf32> to vector<8x128xf32>
      %roll3A_477 = arith.constant 1 : i32
      %roll3A_478 = tpu.dynamic_rotate %get3A_476 by %roll3A_477 dim 0 : vector<8x128xf32>, i32 -> vector<8x128xf32>
      %add3A_479 = arith.addf %add3A_471, %roll3A_478 : vector<8x128xf32>
      %get3A_480 = arith.constant 26 : index
      %get3A_481 = arith.constant 0 : index
      %get3A_482 = arith.constant 0 : index
      %get3A_483 = vector.load %arg5[%get3A_480, %get3A_481, %get3A_482] : memref<32x8x128xf32, #tpu.memory_space<vmem>>, vector<1x8x128xf32>
      %get3A_484 = vector.shape_cast %get3A_483 : vector<1x8x128xf32> to vector<8x128xf32>
      %roll3A_485 = arith.constant 2 : i32
      %roll3A_486 = tpu.dynamic_rotate %get3A_484 by %roll3A_485 dim 0 : vector<8x128xf32>, i32 -> vector<8x128xf32>
      %add3A_487 = arith.addf %add3A_479, %roll3A_486 : vector<8x128xf32>
      %get3A_488 = arith.constant 27 : index
      %get3A_489 = arith.constant 0 : index
      %get3A_490 = arith.constant 0 : index
      %get3A_491 = vector.load %arg5[%get3A_488, %get3A_489, %get3A_490] : memref<32x8x128xf32, #tpu.memory_space<vmem>>, vector<1x8x128xf32>
      %get3A_492 = vector.shape_cast %get3A_491 : vector<1x8x128xf32> to vector<8x128xf32>
      %roll3A_493 = arith.constant 3 : i32
      %roll3A_494 = tpu.dynamic_rotate %get3A_492 by %roll3A_493 dim 0 : vector<8x128xf32>, i32 -> vector<8x128xf32>
      %add3A_495 = arith.addf %add3A_487, %roll3A_494 : vector<8x128xf32>
      %get3A_496 = arith.constant 28 : index
      %get3A_497 = arith.constant 0 : index
      %get3A_498 = arith.constant 0 : index
      %get3A_499 = vector.load %arg5[%get3A_496, %get3A_497, %get3A_498] : memref<32x8x128xf32, #tpu.memory_space<vmem>>, vector<1x8x128xf32>
      %get3A_500 = vector.shape_cast %get3A_499 : vector<1x8x128xf32> to vector<8x128xf32>
      %roll3A_501 = arith.constant 4 : i32
      %roll3A_502 = tpu.dynamic_rotate %get3A_500 by %roll3A_501 dim 0 : vector<8x128xf32>, i32 -> vector<8x128xf32>
      %add3A_503 = arith.addf %add3A_495, %roll3A_502 : vector<8x128xf32>
      %get3A_504 = arith.constant 29 : index
      %get3A_505 = arith.constant 0 : index
      %get3A_506 = arith.constant 0 : index
      %get3A_507 = vector.load %arg5[%get3A_504, %get3A_505, %get3A_506] : memref<32x8x128xf32, #tpu.memory_space<vmem>>, vector<1x8x128xf32>
      %get3A_508 = vector.shape_cast %get3A_507 : vector<1x8x128xf32> to vector<8x128xf32>
      %roll3A_509 = arith.constant 5 : i32
      %roll3A_510 = tpu.dynamic_rotate %get3A_508 by %roll3A_509 dim 0 : vector<8x128xf32>, i32 -> vector<8x128xf32>
      %add3A_511 = arith.addf %add3A_503, %roll3A_510 : vector<8x128xf32>
      %get3A_512 = arith.constant 30 : index
      %get3A_513 = arith.constant 0 : index
      %get3A_514 = arith.constant 0 : index
      %get3A_515 = vector.load %arg5[%get3A_512, %get3A_513, %get3A_514] : memref<32x8x128xf32, #tpu.memory_space<vmem>>, vector<1x8x128xf32>
      %get3A_516 = vector.shape_cast %get3A_515 : vector<1x8x128xf32> to vector<8x128xf32>
      %roll3A_517 = arith.constant 6 : i32
      %roll3A_518 = tpu.dynamic_rotate %get3A_516 by %roll3A_517 dim 0 : vector<8x128xf32>, i32 -> vector<8x128xf32>
      %add3A_519 = arith.addf %add3A_511, %roll3A_518 : vector<8x128xf32>
      %get3A_520 = arith.constant 31 : index
      %get3A_521 = arith.constant 0 : index
      %get3A_522 = arith.constant 0 : index
      %get3A_523 = vector.load %arg5[%get3A_520, %get3A_521, %get3A_522] : memref<32x8x128xf32, #tpu.memory_space<vmem>>, vector<1x8x128xf32>
      %get3A_524 = vector.shape_cast %get3A_523 : vector<1x8x128xf32> to vector<8x128xf32>
      %roll3A_525 = arith.constant 7 : i32
      %roll3A_526 = tpu.dynamic_rotate %get3A_524 by %roll3A_525 dim 0 : vector<8x128xf32>, i32 -> vector<8x128xf32>
      %add3A_527 = arith.addf %add3A_519, %roll3A_526 : vector<8x128xf32>
      %roll3A_528 = arith.constant 1 : i32
      %roll3A_529 = tpu.dynamic_rotate %add3A_527 by %roll3A_528 dim 1 : vector<8x128xf32>, i32 -> vector<8x128xf32>
      %eq3A_530 = arith.constant 0 : i32
      %eq3A_531 = vector.broadcast %eq3A_530 : i32 to vector<8x128xi32>
      %eq3A_532 = arith.cmpi eq, %iota3A_5, %eq3A_531 : vector<8x128xi32>
      %sub3A_533 = arith.constant 2.621440e+05 : f32
      %sub3A_534 = vector.broadcast %sub3A_533 : f32 to vector<8x128xf32>
      %sub3A_535 = arith.subf %sub3A_534, %add3A_527 : vector<8x128xf32>
      %sub3A_536 = arith.subf %roll3A_529, %add3A_527 : vector<8x128xf32>
      %select_n3A_537 = arith.select %eq3A_532, %sub3A_535, %sub3A_536 : vector<8x128xi1>, vector<8x128xf32>
      %lt3A_538 = arith.constant 5 : i32
      %lt3A_539 = vector.broadcast %lt3A_538 : i32 to vector<8x128xi32>
      %lt3A_540 = arith.cmpi slt, %iota3A_5, %lt3A_539 : vector<8x128xi32>
      %jit3A_541 = arith.constant 0.000000e+00 : f32
      %broadcast_in_dim3A_542 = vector.broadcast %jit3A_541 : f32 to vector<8x128xf32>
      %select_n3A_543 = arith.select %lt3A_540, %select_n3A_537, %broadcast_in_dim3A_542 : vector<8x128xi1>, vector<8x128xf32>
      %add3A_544 = arith.addf %select_n3A_297, %select_n3A_379 : vector<8x128xf32>
      %add3A_545 = arith.addf %add3A_544, %select_n3A_461 : vector<8x128xf32>
      %add3A_546 = arith.addf %add3A_545, %select_n3A_543 : vector<8x128xf32>
      %mul3A_547 = arith.constant 2.500000e-01 : f32
      %mul3A_548 = vector.broadcast %mul3A_547 : f32 to vector<8x128xf32>
      %mul3A_549 = arith.mulf %add3A_546, %mul3A_548 : vector<8x128xf32>
      %sub3A_550 = arith.subf %select_n3A_297, %mul3A_549 : vector<8x128xf32>
      %sub3A_551 = arith.subf %select_n3A_379, %mul3A_549 : vector<8x128xf32>
      %sub3A_552 = arith.subf %select_n3A_461, %mul3A_549 : vector<8x128xf32>
      %sub3A_553 = arith.subf %select_n3A_543, %mul3A_549 : vector<8x128xf32>
      %mul3A_554 = arith.mulf %sub3A_550, %sub3A_550 : vector<8x128xf32>
      %mul3A_555 = arith.mulf %sub3A_551, %sub3A_551 : vector<8x128xf32>
      %add3A_556 = arith.addf %mul3A_554, %mul3A_555 : vector<8x128xf32>
      %mul3A_557 = arith.mulf %sub3A_552, %sub3A_552 : vector<8x128xf32>
      %add3A_558 = arith.addf %add3A_556, %mul3A_557 : vector<8x128xf32>
      %mul3A_559 = arith.mulf %sub3A_553, %sub3A_553 : vector<8x128xf32>
      %add3A_560 = arith.addf %add3A_558, %mul3A_559 : vector<8x128xf32>
      %mul3A_561 = arith.constant 0.333333343 : f32
      %mul3A_562 = vector.broadcast %mul3A_561 : f32 to vector<8x128xf32>
      %mul3A_563 = arith.mulf %add3A_560, %mul3A_562 : vector<8x128xf32>
      %eq3A_564 = arith.constant 0.000000e+00 : f32
      %eq3A_565 = vector.broadcast %eq3A_564 : f32 to vector<8x128xf32>
      %eq3A_566 = arith.cmpf oeq, %mul3A_549, %eq3A_565 : vector<8x128xf32>
      %sqrt3A = math.sqrt %mul3A_563 : vector<8x128xf32>
      %add3A_567 = arith.constant 9.99999993E-9 : f32
      %add3A_568 = vector.broadcast %add3A_567 : f32 to vector<8x128xf32>
      %add3A_569 = arith.addf %mul3A_549, %add3A_568 : vector<8x128xf32>
      %div3A = arith.divf %sqrt3A, %add3A_569 : vector<8x128xf32>
      %jit3A_570 = arith.constant 0.000000e+00 : f32
      %broadcast_in_dim3A_571 = vector.broadcast %jit3A_570 : f32 to vector<8x128xf32>
      %select_n3A_572 = arith.select %eq3A_566, %broadcast_in_dim3A_571, %div3A : vector<8x128xi1>, vector<8x128xf32>
      %mul3A_573 = arith.constant 3.81469727E-6 : f32
      %mul3A_574 = vector.broadcast %mul3A_573 : f32 to vector<8x128xf32>
      %mul3A_575 = arith.mulf %mul3A_549, %mul3A_574 : vector<8x128xf32>
      %gt3A_576 = arith.constant 0.00999999977 : f32
      %gt3A_577 = vector.broadcast %gt3A_576 : f32 to vector<8x128xf32>
      %gt3A_578 = arith.cmpf ogt, %mul3A_575, %gt3A_577 : vector<8x128xf32>
      %ge3A = arith.constant 1 : i32
      %ge3A_579 = vector.broadcast %ge3A : i32 to vector<8x128xi32>
      %ge3A_580 = arith.cmpi sge, %iota3A_5, %ge3A_579 : vector<8x128xi32>
      %and3A_581 = arith.andi %gt3A_578, %ge3A_580 : vector<8x128xi1>
      %lt3A_582 = arith.constant 5 : i32
      %lt3A_583 = vector.broadcast %lt3A_582 : i32 to vector<8x128xi32>
      %lt3A_584 = arith.cmpi slt, %iota3A_5, %lt3A_583 : vector<8x128xi32>
      %and3A_585 = arith.andi %and3A_581, %lt3A_584 : vector<8x128xi1>
      %jit3A_586 = arith.constant 0xFF800000 : f32
      %broadcast_in_dim3A_587 = vector.broadcast %jit3A_586 : f32 to vector<8x128xf32>
      %select_n3A_588 = arith.select %and3A_585, %select_n3A_572, %broadcast_in_dim3A_587 : vector<8x128xi1>, vector<8x128xf32>
      %mul3A_589 = arith.constant 5 : i32
      %mul3A_590 = vector.broadcast %mul3A_589 : i32 to vector<8x128xi32>
      %mul3A_591 = arith.muli %iota3A, %mul3A_590 : vector<8x128xi32>
      %add3A_592 = arith.addi %mul3A_591, %iota3A_5 : vector<8x128xi32>
      %convert_element_type3A_593 = arith.extui %and3A_585 : vector<8x128xi1> to vector<8x128xi32>
      %convert_element_type3A_594 = arith.sitofp %convert_element_type3A_593 : vector<8x128xi32> to vector<8x128xf32>
      %reduce_sum3A_595 = vector.shape_cast %convert_element_type3A_594 : vector<8x128xf32> to vector<1x8x128xf32>
      %reduce_sum3A_596 = arith.constant dense<0.000000e+00> : vector<1xf32>
      %reduce_sum3A_597 = vector.multi_reduction <add>, %reduce_sum3A_595, %reduce_sum3A_596 [1, 2] : vector<1x8x128xf32> to vector<1xf32>
      %reduce_sum3A_598 = vector.shape_cast %reduce_sum3A_597 : vector<1xf32> to vector<1x1x1xf32>
      %reduce_sum3A_599 = vector.extract %reduce_sum3A_598[0, 0, 0] : f32 from vector<1x1x1xf32>
      %sub3A_600 = arith.constant 1.000000e+00 : f32
      %sub3A_601 = arith.subf %reduce_sum3A_599, %sub3A_600 : f32
      %max3A_602 = arith.constant 0.000000e+00 : f32
      %max3A_603 = arith.maximumf %sub3A_601, %max3A_602 : f32
      %mul3A_604 = arith.constant 8.500000e-01 : f32
      %mul3A_605 = arith.mulf %mul3A_604, %max3A_603 : f32
      %floor3A = math.floor %mul3A_605 : f32
      %ceil3A = math.ceil %mul3A_605 : f32
      %sub3A_606 = arith.subf %mul3A_605, %floor3A : f32
      %sub3A_607 = arith.constant 1.000000e+00 : f32
      %sub3A_608 = arith.subf %reduce_sum3A_599, %sub3A_607 : f32
      %sub3A_609 = arith.subf %sub3A_608, %ceil3A : f32
      %convert_element_type3A_610 = arith.fptosi %sub3A_609 : f32 to i32
      %while3A = arith.constant 1073741824 : i32
      %while3A_611 = arith.constant 0 : i32
      %while3A_612 = arith.subi %convert_element_type3A_610, %while3A_611 : i32
      %while3A_613 = arith.addi %while3A_611, %while3A_612 : i32
      %while3A_614 = arith.constant 1 : i32
      %while3A_615 = arith.divsi %while3A_612, %while3A_614 : i32
      %while3A_616 = arith.muli %while3A_615, %while3A_614 : i32
      %while3A_617 = arith.addi %while3A_611, %while3A_616 : i32
      %while3A_618 = arith.constant 1 : i32
      %while3A_619 = scf.for %while3A_725 = %while3A_611 to %while3A_617 step %while3A_618 iter_args(%while3A_726 = %select_n3A_588) -> (vector<8x128xf32>)  : i32 {
        %reduce_max3A_727 = vector.shape_cast %while3A_726 : vector<8x128xf32> to vector<1x8x128xf32>
        %reduce_max3A_728 = arith.constant dense<0xFF800000> : vector<1xf32>
        %reduce_max3A_729 = vector.multi_reduction <maximumf>, %reduce_max3A_727, %reduce_max3A_728 [1, 2] : vector<1x8x128xf32> to vector<1xf32>
        %reduce_max3A_730 = vector.shape_cast %reduce_max3A_729 : vector<1xf32> to vector<1x1x1xf32>
        %reduce_max3A_731 = vector.extract %reduce_max3A_730[0, 0, 0] : f32 from vector<1x1x1xf32>
        %eq3A_732 = vector.broadcast %reduce_max3A_731 : f32 to vector<8x128xf32>
        %eq3A_733 = arith.cmpf oeq, %while3A_726, %eq3A_732 : vector<8x128xf32>
        %broadcast_in_dim3A_734 = vector.broadcast %while3A : i32 to vector<8x128xi32>
        %select_n3A_735 = arith.select %eq3A_733, %add3A_592, %broadcast_in_dim3A_734 : vector<8x128xi1>, vector<8x128xi32>
        %reduce_min3A_736 = vector.shape_cast %select_n3A_735 : vector<8x128xi32> to vector<1x8x128xi32>
        %reduce_min3A_737 = arith.constant dense<2147483647> : vector<1xi32>
        %reduce_min3A_738 = vector.multi_reduction <minsi>, %reduce_min3A_736, %reduce_min3A_737 [1, 2] : vector<1x8x128xi32> to vector<1xi32>
        %reduce_min3A_739 = vector.shape_cast %reduce_min3A_738 : vector<1xi32> to vector<1x1x1xi32>
        %reduce_min3A_740 = vector.extract %reduce_min3A_739[0, 0, 0] : i32 from vector<1x1x1xi32>
        %eq3A_741 = vector.broadcast %reduce_min3A_740 : i32 to vector<8x128xi32>
        %eq3A_742 = arith.cmpi eq, %add3A_592, %eq3A_741 : vector<8x128xi32>
        %jit3A_743 = arith.constant 0xFF800000 : f32
        %broadcast_in_dim3A_744 = vector.broadcast %jit3A_743 : f32 to vector<8x128xf32>
        %select_n3A_745 = arith.select %eq3A_742, %broadcast_in_dim3A_744, %while3A_726 : vector<8x128xi1>, vector<8x128xf32>
        scf.yield %select_n3A_745 : vector<8x128xf32>
      }
      %while3A_620 = arith.constant 1 : i32
      %while3A_621 = scf.for %while3A_725 = %while3A_617 to %while3A_613 step %while3A_620 iter_args(%while3A_726 = %while3A_619) -> (vector<8x128xf32>)  : i32 {
        %reduce_max3A_727 = vector.shape_cast %while3A_726 : vector<8x128xf32> to vector<1x8x128xf32>
        %reduce_max3A_728 = arith.constant dense<0xFF800000> : vector<1xf32>
        %reduce_max3A_729 = vector.multi_reduction <maximumf>, %reduce_max3A_727, %reduce_max3A_728 [1, 2] : vector<1x8x128xf32> to vector<1xf32>
        %reduce_max3A_730 = vector.shape_cast %reduce_max3A_729 : vector<1xf32> to vector<1x1x1xf32>
        %reduce_max3A_731 = vector.extract %reduce_max3A_730[0, 0, 0] : f32 from vector<1x1x1xf32>
        %eq3A_732 = vector.broadcast %reduce_max3A_731 : f32 to vector<8x128xf32>
        %eq3A_733 = arith.cmpf oeq, %while3A_726, %eq3A_732 : vector<8x128xf32>
        %broadcast_in_dim3A_734 = vector.broadcast %while3A : i32 to vector<8x128xi32>
        %select_n3A_735 = arith.select %eq3A_733, %add3A_592, %broadcast_in_dim3A_734 : vector<8x128xi1>, vector<8x128xi32>
        %reduce_min3A_736 = vector.shape_cast %select_n3A_735 : vector<8x128xi32> to vector<1x8x128xi32>
        %reduce_min3A_737 = arith.constant dense<2147483647> : vector<1xi32>
        %reduce_min3A_738 = vector.multi_reduction <minsi>, %reduce_min3A_736, %reduce_min3A_737 [1, 2] : vector<1x8x128xi32> to vector<1xi32>
        %reduce_min3A_739 = vector.shape_cast %reduce_min3A_738 : vector<1xi32> to vector<1x1x1xi32>
        %reduce_min3A_740 = vector.extract %reduce_min3A_739[0, 0, 0] : i32 from vector<1x1x1xi32>
        %eq3A_741 = vector.broadcast %reduce_min3A_740 : i32 to vector<8x128xi32>
        %eq3A_742 = arith.cmpi eq, %add3A_592, %eq3A_741 : vector<8x128xi32>
        %jit3A_743 = arith.constant 0xFF800000 : f32
        %broadcast_in_dim3A_744 = vector.broadcast %jit3A_743 : f32 to vector<8x128xf32>
        %select_n3A_745 = arith.select %eq3A_742, %broadcast_in_dim3A_744, %while3A_726 : vector<8x128xi1>, vector<8x128xf32>
        scf.yield %select_n3A_745 : vector<8x128xf32>
      }
      %reduce_max3A = vector.shape_cast %while3A_621 : vector<8x128xf32> to vector<1x8x128xf32>
      %reduce_max3A_622 = arith.constant dense<0xFF800000> : vector<1xf32>
      %reduce_max3A_623 = vector.multi_reduction <maximumf>, %reduce_max3A, %reduce_max3A_622 [1, 2] : vector<1x8x128xf32> to vector<1xf32>
      %reduce_max3A_624 = vector.shape_cast %reduce_max3A_623 : vector<1xf32> to vector<1x1x1xf32>
      %reduce_max3A_625 = vector.extract %reduce_max3A_624[0, 0, 0] : f32 from vector<1x1x1xf32>
      %eq3A_626 = vector.broadcast %reduce_max3A_625 : f32 to vector<8x128xf32>
      %eq3A_627 = arith.cmpf oeq, %while3A_621, %eq3A_626 : vector<8x128xf32>
      %jit3A_628 = arith.constant 1073741824 : i32
      %broadcast_in_dim3A_629 = vector.broadcast %jit3A_628 : i32 to vector<8x128xi32>
      %select_n3A_630 = arith.select %eq3A_627, %add3A_592, %broadcast_in_dim3A_629 : vector<8x128xi1>, vector<8x128xi32>
      %reduce_min3A = vector.shape_cast %select_n3A_630 : vector<8x128xi32> to vector<1x8x128xi32>
      %reduce_min3A_631 = arith.constant dense<2147483647> : vector<1xi32>
      %reduce_min3A_632 = vector.multi_reduction <minsi>, %reduce_min3A, %reduce_min3A_631 [1, 2] : vector<1x8x128xi32> to vector<1xi32>
      %reduce_min3A_633 = vector.shape_cast %reduce_min3A_632 : vector<1xi32> to vector<1x1x1xi32>
      %reduce_min3A_634 = vector.extract %reduce_min3A_633[0, 0, 0] : i32 from vector<1x1x1xi32>
      %eq3A_635 = vector.broadcast %reduce_min3A_634 : i32 to vector<8x128xi32>
      %eq3A_636 = arith.cmpi eq, %add3A_592, %eq3A_635 : vector<8x128xi32>
      %jit3A_637 = arith.constant 0xFF800000 : f32
      %broadcast_in_dim3A_638 = vector.broadcast %jit3A_637 : f32 to vector<8x128xf32>
      %select_n3A_639 = arith.select %eq3A_636, %broadcast_in_dim3A_638, %while3A_621 : vector<8x128xi1>, vector<8x128xf32>
      %gt3A_640 = arith.cmpf ogt, %ceil3A, %floor3A : f32
      %reduce_max3A_641 = vector.shape_cast %select_n3A_639 : vector<8x128xf32> to vector<1x8x128xf32>
      %reduce_max3A_642 = arith.constant dense<0xFF800000> : vector<1xf32>
      %reduce_max3A_643 = vector.multi_reduction <maximumf>, %reduce_max3A_641, %reduce_max3A_642 [1, 2] : vector<1x8x128xf32> to vector<1xf32>
      %reduce_max3A_644 = vector.shape_cast %reduce_max3A_643 : vector<1xf32> to vector<1x1x1xf32>
      %reduce_max3A_645 = vector.extract %reduce_max3A_644[0, 0, 0] : f32 from vector<1x1x1xf32>
      %select_n3A_646 = arith.select %gt3A_640, %reduce_max3A_645, %reduce_max3A_625 : f32
      %sub3A_647 = arith.constant 1.000000e+00 : f32
      %sub3A_648 = arith.subf %sub3A_647, %sub3A_606 : f32
      %mul3A_649 = arith.mulf %select_n3A_646, %sub3A_648 : f32
      %mul3A_650 = arith.mulf %reduce_max3A_625, %sub3A_606 : f32
      %add3A_651 = arith.addf %mul3A_649, %mul3A_650 : f32
      %gt3A_652 = arith.constant 0.000000e+00 : f32
      %gt3A_653 = arith.cmpf ogt, %reduce_sum3A_599, %gt3A_652 : f32
      %jit3A_654 = arith.constant 0x7F800000 : f32
      %select_n3A_655 = arith.select %gt3A_653, %add3A_651, %jit3A_654 : f32
      %gt3A_656 = vector.broadcast %select_n3A_655 : f32 to vector<8x128xf32>
      %gt3A_657 = arith.cmpf ogt, %select_n3A_572, %gt3A_656 : vector<8x128xf32>
      %and3A_658 = arith.andi %gt3A_657, %and3A_585 : vector<8x128xi1>
      %convert_element_type3A_659 = arith.extui %and3A_658 : vector<8x128xi1> to vector<8x128xi32>
      %lt3A_660 = arith.constant 4 : i32
      %lt3A_661 = vector.broadcast %lt3A_660 : i32 to vector<8x128xi32>
      %lt3A_662 = arith.cmpi slt, %iota3A, %lt3A_661 : vector<8x128xi32>
      %sub3A_663 = arith.constant 4 : i32
      %sub3A_664 = vector.broadcast %sub3A_663 : i32 to vector<8x128xi32>
      %sub3A_665 = arith.subi %iota3A, %sub3A_664 : vector<8x128xi32>
      %select_n3A_666 = arith.select %lt3A_662, %iota3A, %sub3A_665 : vector<8x128xi1>, vector<8x128xi32>
      %mul3A_667 = arith.constant 5 : i32
      %mul3A_668 = vector.broadcast %mul3A_667 : i32 to vector<8x128xi32>
      %mul3A_669 = arith.muli %mul3A_668, %select_n3A_666 : vector<8x128xi32>
      %add3A_670 = arith.addi %mul3A_669, %iota3A_5 : vector<8x128xi32>
      %lt3A_671 = arith.constant 5 : i32
      %lt3A_672 = vector.broadcast %lt3A_671 : i32 to vector<8x128xi32>
      %lt3A_673 = arith.cmpi slt, %iota3A_5, %lt3A_672 : vector<8x128xi32>
      %shift_left3A = arith.constant 1 : i32
      %shift_left3A_674 = vector.broadcast %shift_left3A : i32 to vector<8x128xi32>
      %shift_left3A_675 = arith.shli %shift_left3A_674, %add3A_670 : vector<8x128xi32>
      %jit3A_676 = arith.constant 0 : i32
      %broadcast_in_dim3A_677 = vector.broadcast %jit3A_676 : i32 to vector<8x128xi32>
      %select_n3A_678 = arith.select %lt3A_673, %shift_left3A_675, %broadcast_in_dim3A_677 : vector<8x128xi1>, vector<8x128xi32>
      %lt3A_679 = arith.constant 4 : i32
      %lt3A_680 = vector.broadcast %lt3A_679 : i32 to vector<8x128xi32>
      %lt3A_681 = arith.cmpi slt, %iota3A, %lt3A_680 : vector<8x128xi32>
      %mul3A_682 = arith.muli %convert_element_type3A_659, %select_n3A_678 : vector<8x128xi32>
      %jit3A_683 = arith.constant 0 : i32
      %broadcast_in_dim3A_684 = vector.broadcast %jit3A_683 : i32 to vector<8x128xi32>
      %select_n3A_685 = arith.select %lt3A_681, %mul3A_682, %broadcast_in_dim3A_684 : vector<8x128xi1>, vector<8x128xi32>
      %reduce_sum3A_686 = vector.shape_cast %select_n3A_685 : vector<8x128xi32> to vector<1x8x128xi32>
      %reduce_sum3A_687 = arith.constant dense<0> : vector<1xi32>
      %reduce_sum3A_688 = vector.multi_reduction <add>, %reduce_sum3A_686, %reduce_sum3A_687 [1, 2] : vector<1x8x128xi32> to vector<1xi32>
      %reduce_sum3A_689 = vector.shape_cast %reduce_sum3A_688 : vector<1xi32> to vector<1x1x1xi32>
      %reduce_sum3A_690 = vector.extract %reduce_sum3A_689[0, 0, 0] : i32 from vector<1x1x1xi32>
      %ge3A_691 = arith.constant 4 : i32
      %ge3A_692 = vector.broadcast %ge3A_691 : i32 to vector<8x128xi32>
      %ge3A_693 = arith.cmpi sge, %iota3A, %ge3A_692 : vector<8x128xi32>
      %mul3A_694 = arith.muli %convert_element_type3A_659, %select_n3A_678 : vector<8x128xi32>
      %jit3A_695 = arith.constant 0 : i32
      %broadcast_in_dim3A_696 = vector.broadcast %jit3A_695 : i32 to vector<8x128xi32>
      %select_n3A_697 = arith.select %ge3A_693, %mul3A_694, %broadcast_in_dim3A_696 : vector<8x128xi1>, vector<8x128xi32>
      %reduce_sum3A_698 = vector.shape_cast %select_n3A_697 : vector<8x128xi32> to vector<1x8x128xi32>
      %reduce_sum3A_699 = arith.constant dense<0> : vector<1xi32>
      %reduce_sum3A_700 = vector.multi_reduction <add>, %reduce_sum3A_698, %reduce_sum3A_699 [1, 2] : vector<1x8x128xi32> to vector<1xi32>
      %reduce_sum3A_701 = vector.shape_cast %reduce_sum3A_700 : vector<1xi32> to vector<1x1x1xi32>
      %reduce_sum3A_702 = vector.extract %reduce_sum3A_701[0, 0, 0] : i32 from vector<1x1x1xi32>
      %lt3A_703 = arith.constant 4 : i32
      %lt3A_704 = vector.broadcast %lt3A_703 : i32 to vector<8x128xi32>
      %lt3A_705 = arith.cmpi slt, %iota3A, %lt3A_704 : vector<8x128xi32>
      %mul3A_706 = arith.constant 5 : i32
      %mul3A_707 = vector.broadcast %mul3A_706 : i32 to vector<8x128xi32>
      %mul3A_708 = arith.muli %mul3A_707, %iota3A : vector<8x128xi32>
      %shift_right_arithmetic3A = vector.broadcast %reduce_sum3A_690 : i32 to vector<8x128xi32>
      %shift_right_arithmetic3A_709 = arith.shrsi %shift_right_arithmetic3A, %mul3A_708 : vector<8x128xi32>
      %sub3A_710 = arith.constant 4 : i32
      %sub3A_711 = vector.broadcast %sub3A_710 : i32 to vector<8x128xi32>
      %sub3A_712 = arith.subi %iota3A, %sub3A_711 : vector<8x128xi32>
      %mul3A_713 = arith.constant 5 : i32
      %mul3A_714 = vector.broadcast %mul3A_713 : i32 to vector<8x128xi32>
      %mul3A_715 = arith.muli %mul3A_714, %sub3A_712 : vector<8x128xi32>
      %shift_right_arithmetic3A_716 = vector.broadcast %reduce_sum3A_702 : i32 to vector<8x128xi32>
      %shift_right_arithmetic3A_717 = arith.shrsi %shift_right_arithmetic3A_716, %mul3A_715 : vector<8x128xi32>
      %select_n3A_718 = arith.select %lt3A_705, %shift_right_arithmetic3A_709, %shift_right_arithmetic3A_717 : vector<8x128xi1>, vector<8x128xi32>
      %and3A_719 = arith.constant 31 : i32
      %and3A_720 = vector.broadcast %and3A_719 : i32 to vector<8x128xi32>
      %and3A_721 = arith.andi %select_n3A_718, %and3A_720 : vector<8x128xi32>
      %swap3A_722 = arith.constant 0 : index
      %swap3A_723 = arith.constant 0 : index
      %swap3A_724 = vector.load %arg3[%swap3A_722, %swap3A_723] : memref<8x128xi32, #tpu.memory_space<vmem>>, vector<8x128xi32>
      tpu.vector_store %arg3[%swap3A_722, %swap3A_723], %and3A_721 {strides = array<i32>} : memref<8x128xi32, #tpu.memory_space<vmem>>, vector<8x128xi32>,
    } else {
    }
    return
  }
  func.func @transform_0(%arg0: i32) -> (i32, i32, i32) {
    %c0_i32 = arith.constant 0 : i32
    %c0_i32_0 = arith.constant 0 : i32
    %c0_i32_1 = arith.constant 0 : i32
    return %arg0, %c0_i32, %c0_i32_0 : i32, i32, i32
  }
  func.func @transform_1(%arg0: i32) -> (i32, i32, i32) {
    %jit3A = arith.constant 2 : i32
    %div3A = arith.divsi %arg0, %jit3A : i32
    %sign3A = arith.constant 0 : i32
    %sign3A_0 = arith.cmpi sgt, %arg0, %sign3A : i32
    %sign3A_1 = arith.extui %sign3A_0 : i1 to i32
    %sign3A_2 = arith.constant 0 : i32
    %sign3A_3 = arith.cmpi slt, %arg0, %sign3A_2 : i32
    %sign3A_4 = arith.extui %sign3A_3 : i1 to i32
    %sign3A_5 = arith.subi %sign3A_1, %sign3A_4 : i32
    %sign3A_6 = arith.constant 0 : i32
    %sign3A_7 = arith.cmpi sgt, %jit3A, %sign3A_6 : i32
    %sign3A_8 = arith.extui %sign3A_7 : i1 to i32
    %sign3A_9 = arith.constant 0 : i32
    %sign3A_10 = arith.cmpi slt, %jit3A, %sign3A_9 : i32
    %sign3A_11 = arith.extui %sign3A_10 : i1 to i32
    %sign3A_12 = arith.subi %sign3A_8, %sign3A_11 : i32
    %ne3A = arith.cmpi ne, %sign3A_5, %sign3A_12 : i32
    %rem3A = arith.remsi %arg0, %jit3A : i32
    %ne3A_13 = arith.constant 0 : i32
    %ne3A_14 = arith.cmpi ne, %rem3A, %ne3A_13 : i32
    %and3A = arith.andi %ne3A, %ne3A_14 : i1
    %sub3A = arith.constant 1 : i32
    %sub3A_15 = arith.subi %div3A, %sub3A : i32
    %select_n3A = arith.select %and3A, %sub3A_15, %div3A : i32
    %jit3A_16 = arith.constant 2 : i32
    %eq3A = arith.constant 0 : i32
    %eq3A_17 = arith.cmpi eq, %jit3A_16, %eq3A : i32
    %jit3A_18 = arith.constant 1 : i32
    %select_n3A_19 = arith.select %eq3A_17, %jit3A_18, %jit3A_16 : i32
    %rem3A_20 = arith.remsi %arg0, %select_n3A_19 : i32
    %ne3A_21 = arith.constant 0 : i32
    %ne3A_22 = arith.cmpi ne, %rem3A_20, %ne3A_21 : i32
    %lt3A = arith.constant 0 : i32
    %lt3A_23 = arith.cmpi slt, %rem3A_20, %lt3A : i32
    %lt3A_24 = arith.constant 0 : i32
    %lt3A_25 = arith.cmpi slt, %select_n3A_19, %lt3A_24 : i32
    %ne3A_26 = arith.xori %lt3A_23, %lt3A_25 : i1
    %and3A_27 = arith.andi %ne3A_26, %ne3A_22 : i1
    %add3A = arith.addi %rem3A_20, %select_n3A_19 : i32
    %select_n3A_28 = arith.select %and3A_27, %add3A, %rem3A_20 : i32
    %c0_i32 = arith.constant 0 : i32
    %c0_i32_29 = arith.constant 0 : i32
    return %select_n3A, %select_n3A_28, %c0_i32 : i32, i32, i32
  }
  func.func @transform_2(%arg0: i32) -> (i32, i32) {
    %c0_i32 = arith.constant 0 : i32
    %c0_i32_0 = arith.constant 0 : i32
    %c0_i32_1 = arith.constant 0 : i32
    return %c0_i32, %c0_i32_0 : i32, i32
  }
  func.func @transform_3(%arg0: i32) -> i32 {
    %c0_i32 = arith.constant 0 : i32
    return %arg0 : i32
  }
}

</mosaic_0001>

<sc_bundles>
// kernel: kernel.4.cloned.1.call-start
scs
__scs_entry_jumppad:
0x0: {  	(pc) =	sbr.rel $0x88, $3  }
0x1: {  	(tag) =	ssettag $0x0;
	lr =	simm.s32 $0x1  }
0x2: {  	[smem:$0x3F9F] =	sst lr;
	_ =	strace $0xD0000000  }
0x3: {  	_ = 	snop  }
0x4: {  	_ = 	snop  }
0x5: {  	_ = 	snop  }
0x6: {  	_ = 	snop  }
0x7: {  	_ = 	snop  }
__scs_overlays_trampoline_lowered:
0x8: {  	[smem:$0x3FAE] =	sst s0  }
0x9: {  	[smem:$0x3FAF] =	sst s1  }
0xa: {  	[smem:$0x3FB0] =	sst s2  }
0xb: {  	[smem:$0x3FB1] =	sst s3  }
0xc: {  	[smem:$0x3FB2] =	sst s4  }
0xd: {  	[smem:$0x3FB3] =	sst s5  }
0xe: {  	[smem:$0x3FB4] =	sst s6  }
0xf: {  	[smem:$0x3FB5] =	sst s7  }
0x10: {  	[smem:$0x3FB6] =	sst s8  }
0x11: {  	[smem:$0x3FB7] =	sst s9;
	s0 =	simm.s32 @!p0 $0x0  }
0x12: {  	s1 =	sld [smem:$0x3F9D];
	s0 =	simm.s32 @p0 $0x1  }
0x13: {  	[smem:$0x3FB8] =	sst s0;
	s0 =	simm.s32 @!p1 $0x0  }
0x14: {  	s2 =	sld [smem:$0x3F9C];
	s0 =	simm.s32 @p1 $0x1  }
0x15: {  	[smem:$0x3FB9] =	sst s0;
	s0 =	simm.s32 @!p2 $0x0  }
0x16: {  	s3 =	sld [smem:$0x3FDB];
	s0 =	simm.s32 @p2 $0x1  }
0x17: {  	s4 =	simm.s32 $0x1BF5;
	[smem:$0x3FBB] =	sst s0  }
0x18: {  	s0 =	sld [smem:$0x3F9E];
	_ =	swait.ge [sflag:s4], $0x0  }
0x19: {  	s7 =	sld [smem:$0x3F9F]  }
0x1a: {  	s8 =	sadd.s32 $0xFFFFE003, lr  }
0x1b: {  	s9 =	sadd.s32 $0xFFFFFEF7, lr;
	s5 =	simm.s32 $0xFFFFFFFF;
	p2 =	slt.u32 s8, $0xFFFFF086  }
0x1c: {  	p1 =	slt.u32 s9, $0xF7A;
	s5 =	simm.s32 @!p2 $0x0  }
0x1d: {  	s5 =	simm.s32 @p1 $0x1;
	p0 =	seq.s32 s7, s2  }
0x1e: {  	s7 =	smul.u32 @!p0 $0xF7A, s2;
	p2 =	seq.s32 @!p0 s5, $0x0  }
0x1f: {  	s9 =	smul.u32 $0xF7A, s1;
	s8 =	simm.s32 @!p0 $0x1BF5;
	p2 =	por !p2, p0  }
0x20: {  	[sflag:s8] =	ssyncset.s32 @!p0 $0xFFFFF086;
	s6 =	sadd.s32 @!p0 s3, s7;
	s7 =	simm.s32 @!p0 $0x108  }
0x21: {  	s3 =	sadd.s32 s3, s9;
	s6 =	sadd.s32 @!p0 $0x88, s6;
	s7 =	simm.s32 @p2 $0x1082  }
0x22: {  	[simem:s7], [sflag:s8] =	dma.local @!p0 [hbm:s6], $0xF7A  }
0x23: {  	s9 =	sor.u32 $0xD0000000, s2;
	s6 =	simm.s32 $0x108;
	_ =	swait.ge @!p0 [sflag:s8], $0x0  }
0x24: {  	s3 =	sadd.s32 $0x88, s3;
	s6 =	simm.s32 @!p1 $0x1082;
	[sflag:s4] =	ssyncset.s32 $0xFFFFF086  }
0x25: {  	[simem:s6], [sflag:s4] =	dma.local [hbm:s3], $0xF7A  }
0x26: {  	[smem:$0x3F9F] =	sst s1;
	(tag) =	ssettag s2;
	_ =	strace s9  }
0x27: {  	s1 =	sld [smem:$0x3FAF]  }
0x28: {  	s2 =	sld [smem:$0x3FB0]  }
0x29: {  	s4 =	sld [smem:$0x3FB2]  }
0x2a: {  	p0 =	seq.s32 s5, $0x0;
	s5 =	sld [smem:$0x3FB3]  }
0x2b: {  	s6 =	sld [smem:$0x3FB4]  }
0x2c: {  	s7 =	sld [smem:$0x3FB5]  }
0x2d: {  	s3 =	simm.s32 $0x108;
	s8 =	sld [smem:$0x3FB6]  }
0x2e: {  	s3 =	simm.s32 @!p0 $0x1082;
	s9 =	sld [smem:$0x3FB7]  }
0x2f: {  	lr =	sadd.s32 s0, s3;
	s0 =	sld [smem:$0x3FAE]  }
0x30: {  	s3 =	sld [smem:$0x3FB1]  }
0x31: {  	[smem:$0x3FBA] =	sst s10  }
0x32: {  	s10 =	sld [smem:$0x3FB8];
	_ =	sdelay $0x3  }
0x33: {  	p0 =	seq.s32 s10, $0x1;
	s10 =	sld [smem:$0x3FBA];
	_ =	sdelay $0x3  }
0x34: {  	[smem:$0x3FBA] =	sst s10  }
0x35: {  	s10 =	sld [smem:$0x3FB9];
	_ =	sdelay $0x3  }
0x36: {  	p1 =	seq.s32 s10, $0x1;
	s10 =	sld [smem:$0x3FBA];
	_ =	sdelay $0x3  }
0x37: {  	[smem:$0x3FBA] =	sst s10  }
0x38: {  	s10 =	sld [smem:$0x3FBB]  }
0x39: {  	_ = 	snop;
	(pc) =	sbr.ind lr, $3  }
0x3a: {  	_ = 	snop  }
0x3b: {  	_ = 	snop  }
0x3c: {  	p2 =	seq.s32 s10, $0x1;
	s10 =	sld [smem:$0x3FBA]  }
0x3d: {  	_ =	shalt  }
0x3e: {  	_ =	shalt  }
0x3f: {  	_ =	shalt  }
0x40: {  	_ =	shalt  }
0x41: {  	_ =	shalt  }
0x42: {  	_ =	shalt  }
0x43: {  	_ =	shalt  }
0x44: {  	_ =	shalt  }
0x45: {  	_ =	shalt  }
0x46: {  	_ =	shalt  }
0x47: {  	_ =	shalt  }
0x48: {  	_ =	shalt  }
0x49: {  	_ =	shalt  }
0x4a: {  	_ =	shalt  }
0x4b: {  	_ =	shalt  }
0x4c: {  	_ =	shalt  }
0x4d: {  	_ =	shalt  }
0x4e: {  	_ =	shalt  }
0x4f: {  	_ =	shalt  }
0x50: {  	_ =	shalt  }
0x51: {  	_ =	shalt  }
0x52: {  	_ =	shalt  }
0x53: {  	_ =	shalt  }
0x54: {  	_ =	shalt  }
0x55: {  	_ =	shalt  }
0x56: {  	_ =	shalt  }
0x57: {  	_ =	shalt  }
0x58: {  	_ =	shalt  }
0x59: {  	_ =	shalt  }
0x5a: {  	_ =	shalt  }
0x5b: {  	_ =	shalt  }
0x5c: {  	_ =	shalt  }
0x5d: {  	_ =	shalt  }
0x5e: {  	_ =	shalt  }
0x5f: {  	_ =	shalt  }
0x60: {  	_ =	shalt  }
0x61: {  	_ =	shalt  }
0x62: {  	_ =	shalt  }
0x63: {  	_ =	shalt  }
0x64: {  	_ =	shalt  }
0x65: {  	_ =	shalt  }
0x66: {  	_ =	shalt  }
0x67: {  	_ =	shalt  }
0x68: {  	_ =	shalt  }
0x69: {  	_ =	shalt  }
0x6a: {  	_ =	shalt  }
0x6b: {  	_ =	shalt  }
0x6c: {  	_ =	shalt  }
0x6d: {  	_ =	shalt  }
0x6e: {  	_ =	shalt  }
0x6f: {  	_ =	shalt  }
0x70: {  	_ =	shalt  }
0x71: {  	_ =	shalt  }
0x72: {  	_ =	shalt  }
0x73: {  	_ =	shalt  }
0x74: {  	_ =	shalt  }
0x75: {  	_ =	shalt  }
0x76: {  	_ =	shalt  }
0x77: {  	_ =	shalt  }
0x78: {  	_ =	shalt  }
0x79: {  	_ =	shalt  }
0x7a: {  	_ =	shalt  }
0x7b: {  	_ =	shalt  }
0x7c: {  	_ =	shalt  }
0x7d: {  	_ =	shalt  }
0x7e: {  	_ =	shalt  }
0x7f: {  	_ =	shalt  }
0x80: {  	_ =	shalt  }
0x81: {  	_ =	shalt  }
0x82: {  	_ =	shalt  }
0x83: {  	_ =	shalt  }
0x84: {  	_ =	shalt  }
0x85: {  	_ =	shalt  }
0x86: {  	_ =	shalt  }
0x87: {  	_ =	shalt  }
.Lfunc_end0:
.L_simem_size_0:
called_computation_lowered:
.L_overlay_start_0:
0x88: {  	s2 =	sld [smem:$0x3FD9]  }
0x89: {  	s3 =	sld [smem:$0x3FFE];
	_ =	sdelay $0x1  }
0x8a: {  	s1 =	srdreg.scid  }
0x8b: {  	s0 =	sand.u32 $0x1, s1  }
0x8c: {  	s17 =	sshll.u32 s0, $0xA;
	s2 =	sadd.s32 s3, s2  }
0x8d: {  	s2 =	sadd.s32 s2, s17  }
0x8e: {  	[smem:$0x3FC6] =	sst s2  }
0x8f: {  	_ = 	snop  }
0x90: {  	s2 =	sld [smem:$0x3FD0];
	(tm) =	ssettm $0x1  }
0x91: {  	s18 =	sld [smem:$0x3FFB];
	_ =	sdelay $0x3  }
0x92: {  	_ =	strace s18  }
0x93: {  	s3 =	sld [smem:$0x3FFC];
	_ =	sdelay $0x3  }
0x94: {  	_ =	strace s3  }
0x95: {  	s3 =	sld [smem:$0x3FFD];
	_ =	sdelay $0x3  }
0x96: {  	_ =	strace s3  }
0x97: {  	_ =	strace $0x8FFFFFFF  }
0x98: {  	s19 =	sld [smem:$0x3FDB];
	_ =	sdelay $0x1  }
0x99: {  	s4 =	simm.s32 $_scs_section_size  }
0x9a: {  	s5 =	simm.s32 $_size__tile_overlayer_lowered;
	s6 =	simm.s32 $_tile_overlayer_lowered  }
0x9b: {  	s22 =	simm.s32 $0x1BFF;
	s21 =	sshll.u32 s6, $0x1;
	s3 =	sadd.s32 s4, s19  }
0x9c: {  	s7 =	simm.s32 $0x0;
	s20 =	sshll.u32 s5, $0x1;
	s5 =	sadd.s32 s21, s3  }
0x9d: {  	[timem:s7], [sflag:s22] =	dma.local [hbm:s5], s20  }
0x9e: {  	_ =	swait.ge [sflag:s22], s20  }
0x9f: {  	s4 =	ssub.s32 $0x0, s20;
	[sflag:s22] =	ssyncset.done $0x0  }
0xa0: {  	[sflag:s22] =	ssyncadd.s32 s4;
	_ =	sdelay $0x1  }
0xa1: {  	s23 =	simm.s32 $0x1B8B  }
0xa2: {  	_ =	swait.ge [sflag:s23], $0x1  }
0xa3: {  	[sflag:s23] =	ssyncset.done $0x0  }
0xa4: {  	s25 =	simm.s32 $0x1B8E;
	s24 =	sld [smem:$0x3FFE];
	[sflag:s23] =	ssyncadd.s32 $0xFFFFFFFF  }
0xa5: {  	s26 =	simm.s32 $execute0_lowered;
	[smem:$0x3FD2] =	sst s25  }
0xa6: {  	s5 =	sshll.u32 s26, $0x1;
	_ =	strace $0x80000046;
	[dreg:$0x1] =	wrdreg $0xFFFFFFFF  }
0xa7: {  	s28 =	simm.s32 $_size_execute0_lowered;
	s3 =	sadd.s32 s3, s5;
	[dreg:$0x0] =	wrdreg $0x0  }
0xa8: {  	s5 =	sshll.u32 s28, $0x1;
	[dreg:$0x2] =	wrdreg s3  }
0xa9: {  	[dreg:$0x3] =	wrdreg s5  }
0xaa: {  	[dreg:$0x4] =	wrdreg $0xC0  }
0xab: {  	_ =	task [dreg:s7], $0x5FFFF  }
0xac: {  	[dreg:$0x1] =	wrdreg $0xFFFFFFFF  }
0xad: {  	[dreg:$0x0] =	wrdreg $0x60  }
0xae: {  	[dreg:$0x2] =	wrdreg s2  }
0xaf: {  	[dreg:$0x3] =	wrdreg s24  }
0xb0: {  	[dreg:$0x4] =	wrdreg $0x9  }
0xb1: {  	_ =	task.clear_ibuf [dreg:s7], $0x5FFFF;
	_ =	strace $0x90000046  }
0xb2: {  	s29 =	simm.s32 $0x9;
	_ =	strace $0x80000048  }
0xb3: {  	_ =	swait.ge [sflag:s29], $0x1  }
0xb4: {  	[sflag:s29] =	ssyncadd.s32 $0xFFFFFFFF  }
0xb5: {  	_ =	strace $0x90000048  }
0xb6: {  	_ =	sfence  }
0xb7: {  	s30 =	sld [smem:$0x0];
	_ =	sdelay $0x2  }
0xb8: {  	s31 =	sshll.u32 s1, $0xD;
	s1 =	sshrl.u32 s1, $0x2  }
0xb9: {  	s3 =	sand.u32 $0x4000, s31;
	s1 =	sadd.s32 s1, s30  }
0xba: {  	s0 =	sor.u32 s3, s0;
	s1 =	sshll.u32 s1, $0x11  }
0xbb: {  	s0 =	sor.u32 s1, s0  }
0xbc: {  	s0 =	sadd.s32 $0x8F2B, s0  }
0xbd: {  	[sflag:s0] =	ssyncadd.remote.s32 $0x1  }
0xbe: {  	_ =	sfence.sel $0xFFFF  }
0xbf: {  	[dreg:$0x0] =	wrdreg $0xFFFFFFFF;
	(pc) =	sbr.abs _section_cstart, $3  }
0xc0: {  	[dreg:$0x1] =	wrdreg $0xFFFFFFFF  }
0xc1: {  	_ =	task.clear_ibuf [dreg:s7], $0x2FFFF;
	_ =	strace $0x9FFFFFFF  }
0xc2: {  	(tm) =	ssettm $0x7FFFFFFF  }
0xc3: {  	_ =	shalt  }
tec
execute0_lowered:
.L_overlay_start_1:
0x0: {  	(tag) =	ssettag $0x1  }
0x1: {  	s0 =	rddreg [dreg:$0x0]  }
0x2: {  	s1 =	rddreg [dreg:$0x1];
	s6 =	stileid.u32;
	s2 =	simm.s32 $0x0  }
0x3: {  	s4 =	srdreg.scid;
	s21 =	simm.s32 $0x5;
	s22 =	simm.s32 $0x80  }
0x4: {  	s28 =	simm.s32 $0x6080;
	s29 =	simm.s32 $0x3;
	s30 =	simm.s32 $0x4  }
0x5: {  	s31 =	simm.s32 $0x0;
	s3 =	sshll.u32 s6, $0x3;
	[smem:$0x7FF] =	sst s2  }
0x6: {  	s4 =	sand.u32 $0x1, s4;
	s6 =	sshll.u32 s6, $0xE;
	s3 =	sand.u32 $0x70, s3  }
0x7: {  	_ =	strace $0x80000047;
	s5 =	ssub.s32 $0x2, s4;
	s4 =	sshll.u32 s4, $0xD  }
0x8: {  	s3 =	sadd.s32 s3, s1;
	s1 =	sadd.s32 $0xE00, s1;
	s7 =	sshrl.u32 s5, $0x1  }
0x9: {  	s4 =	sor.u32 s4, s6;
	s20 =	ssub.s32 s5, s7;
	s3 =	sadd.s32 $0xC00, s3  }
0xa: {  	s23 =	sor.u32 $0x400, s4;
	s24 =	sadd.s32 s0, s4;
	s10 =	sor.u32 $0x800, s4  }
0xb: {  	s6 =	sadd.s32 s1, s4;
	s12 =	sor.u32 $0xC00, s4;
	s25 =	sor.u32 $0x1000, s4  }
0xc: {  	s16 =	sor.u32 $0x1400, s4;
	s18 =	sor.u32 $0x1800, s4;
	[dreg:$0x3] =	wrdreg s3  }
0xd: {  	s26 =	sor.u32 $0x1C00, s4;
	[dreg:$0x4] =	wrdreg s24;
	s5 =	sadd.s32 s0, s23  }
0xe: {  	s7 =	sadd.s32 s0, s10;
	s8 =	sadd.s32 s1, s23;
	s9 =	sadd.s32 s0, s12  }
0xf: {  	s10 =	sadd.s32 s1, s10;
	s11 =	sadd.s32 s0, s25;
	s12 =	sadd.s32 s1, s12  }
0x10: {  	s13 =	sadd.s32 s0, s16;
	s14 =	sadd.s32 s1, s25;
	s15 =	sadd.s32 s0, s18  }
0x11: {  	s16 =	sadd.s32 s1, s16;
	s17 =	sadd.s32 s0, s26;
	s18 =	sadd.s32 s1, s18  }
0x12: {  	s19 =	sadd.s32 s1, s26;
	s20 =	smax.u32 s20, $0x1;
	s23 =	simm.s32 $0x2080  }
0x13: {  	s24 =	simm.s32 $0x1;
	s25 =	simm.s32 $0x4080;
	s26 =	simm.s32 $0x2  }
.LBB2_1:
0x14: {  	s0 =	rddreg [dreg:$0x3]  }
0x15: {  	[tilespmem:s2], [sflag:$0x5] =	stream.linear.gather [hbm4b:s0+s2], $0x80, $0x38;
	[tilespmem:$0x8080] =	vst v63  }
0x16: {  	_ =	swait.ge [sflag:s21], $0x80  }
0x17: {  	[sflag:s21] =	ssyncset.done $0x0  }
0x18: {  	s4 =	rddreg [dreg:$0x4];
	[sflag:s21] =	ssyncadd.s32 $0xFFFFFF80  }
0x19: {  	v0 =	vld [tilespmem:$0x0];
	[tilespmem:s22], [sflag:$0x1] =	stream.linear.gather [hbm4b:s4+s2], $0x2000, $0x38  }
0x1a: {  	_ = 	snop  }
0x1b: {  	[tilespmem:s23], [sflag:$0x2] =	stream.linear.gather [hbm4b:s5+s2], $0x2000, $0x38;
	[tilespmem:$0x8080] =	vst v63  }
0x1c: {  	_ =	swait.ge [sflag:s24], $0x2000  }
0x1d: {  	[sflag:s24] =	ssyncset.done $0x0  }
0x1e: {  	s1 =	simm.s32 $0x0;
	[sflag:s24] =	ssyncadd.s32 $0xFFFFE000  }
0x1f: {  	v1 =	vld [tilespmem:s1+$0xF0]  }
0x20: {  	v7 =	vld [tilespmem:s1+$0xA0]  }
0x21: {  	v8 =	vld [tilespmem:s1+$0xB0]  }
0x22: {  	v9 =	vld [tilespmem:s1+$0xC0]  }
0x23: {  	v10 =	vld [tilespmem:s1+$0xD0]  }
0x24: {  	v11 =	vld [tilespmem:s1+$0xE0];
	_ =	sdelay $0x1  }
0x25: {  	v2 =	vld [tilespmem:s1+$0x80]  }
0x26: {  	v3 =	vld [tilespmem:s1+$0x90];
	v4 =	vshrl.u32 v0, v1;
	v13 =	vshrl.u32 v0, v7  }
0x27: {  	v14 =	vshrl.u32 v0, v8;
	v16 =	vshrl.u32 v0, v9;
	v4 =	vand.u32 $0x1, v4  }
0x28: {  	v17 =	vshrl.u32 v0, v10;
	v18 =	vshrl.u32 v0, v11;
	v4 =	vsub.s32 $0x0, v4  }
0x29: {  	v13 =	vand.u32 $0x1, v13;
	v14 =	vand.u32 $0x1, v14;
	v1 =	vor.u32 v4, v1  }
0x2a: {  	s0 =	simm.s32 $0x80;
	v16 =	vand.u32 $0x1, v16;
	v17 =	vand.u32 $0x1, v17;
	v63 =	vand.u32 $0x1, v18;
	[tilespmem:s1+$0x40F0] =	vst v1  }
0x2b: {  	v13 =	vsub.s32 $0x0, v13;
	v4 =	vshrl.u32 v0, v3;
	v1 =	vshrl.u32 v0, v2;
	v12 =	vld [tilespmem:s0+$0xF0]  }
0x2c: {  	v14 =	vsub.s32 $0x0, v14;
	v5 =	vand.u32 $0x1, v4;
	v1 =	vand.u32 $0x1, v1;
	v4 =	vld [tilespmem:s0+$0x80]  }
0x2d: {  	v62 =	vsub.s32 $0x0, v17;
	v17 =	vsub.s32 $0x0, v63;
	v6 =	vld [tilespmem:s0+$0x90];
	v1 =	vsub.s32 $0x0, v1  }
0x2e: {  	v7 =	vor.u32 v13, v7;
	v15 =	vsub.s32 $0x0, v5;
	v5 =	vld [tilespmem:s0+$0xA0];
	v2 =	vor.u32 v1, v2  }
0x2f: {  	v13 =	vor.u32 v14, v8;
	v3 =	vor.u32 v15, v3;
	v15 =	vsub.s32 $0x0, v16;
	v1 =	vld [tilespmem:s0+$0xB0];
	[tilespmem:s1+$0x4080] =	vst v2  }
0x30: {  	v8 =	vor.u32 v17, v11;
	v9 =	vor.u32 v15, v9;
	v2 =	vld [tilespmem:s0+$0xC0];
	[tilespmem:s1+$0x4090] =	vst v3;
	v14 =	vshrl.u32 v0, v12  }
0x31: {  	v15 =	vor.u32 v62, v10;
	v3 =	vld [tilespmem:s0+$0xD0];
	[tilespmem:s1+$0x40A0] =	vst v7;
	v10 =	vshrl.u32 v0, v4;
	v11 =	vand.u32 $0x1, v14  }
0x32: {  	v7 =	vld [tilespmem:s0+$0xE0];
	v10 =	vand.u32 $0x1, v10;
	v14 =	vshrl.u32 v0, v6;
	[tilespmem:s1+$0x40B0] =	vst v13;
	v11 =	vsub.s32 $0x0, v11  }
0x33: {  	[tilespmem:s1+$0x40C0] =	vst v9;
	v13 =	vand.u32 $0x1, v14;
	v14 =	vshrl.u32 v0, v5;
	v12 =	vor.u32 v11, v12  }
0x34: {  	v9 =	vsub.s32 $0x0, v10;
	v11 =	vand.u32 $0x1, v14;
	v14 =	vshrl.u32 v0, v1;
	[tilespmem:s0+$0x40F0] =	vst v12  }
0x35: {  	s3 =	simm.s32 $0x100;
	s4 =	simm.s32 $0x600;
	v10 =	vsub.s32 $0x0, v13;
	v12 =	vand.u32 $0x1, v14;
	v13 =	vshrl.u32 v0, v2;
	[tilespmem:s1+$0x40D0] =	vst v15  }
.LBB2_2:
0x36: {  	p0 =	sne.s32 s4, $0x7E00;
	v14 =	vld [tilespmem:s3+$0xF0];
	v11 =	vsub.s32 $0x0, v11;
	v13 =	vand.u32 $0x1, v13;
	v15 =	vshrl.u32 v0, v3;
	[tilespmem:s1+$0x40E0] =	vst v8;
	s1 =	smov.u32 s0;
	s0 =	smov.u32 s3  }
0x37: {  	v8 =	vsub.s32 $0x0, v12;
	v16 =	vld [tilespmem:s0+$0x80];
	v12 =	vand.u32 $0x1, v15;
	v15 =	vshrl.u32 v0, v7  }
0x38: {  	v13 =	vsub.s32 $0x0, v13;
	v17 =	vld [tilespmem:s0+$0x90];
	v12 =	vsub.s32 $0x0, v12;
	v15 =	vand.u32 $0x1, v15  }
0x39: {  	v4 =	vor.u32 v9, v4;
	v6 =	vor.u32 v10, v6;
	v18 =	vld [tilespmem:s0+$0xA0];
	v9 =	vsub.s32 $0x0, v15  }
0x3a: {  	v19 =	vor.u32 v11, v5;
	v5 =	vor.u32 v8, v1;
	v10 =	vor.u32 v13, v2;
	[tilespmem:s1+$0x4080] =	vst v4;
	v1 =	vld [tilespmem:s0+$0xB0]  }
0x3b: {  	v15 =	vor.u32 v12, v3;
	v8 =	vor.u32 v9, v7;
	v2 =	vld [tilespmem:s0+$0xC0];
	v11 =	vshrl.u32 v0, v14;
	[tilespmem:s1+$0x4090] =	vst v6  }
.Ltmp0:
0x3c: {  	v13 =	vshrl.u32 v0, v16;
	v3 =	vld [tilespmem:s0+$0xD0];
	v9 =	vand.u32 $0x1, v11;
	[tilespmem:s1+$0x40A0] =	vst v19;
	v4 =	vmov v16;
	(pc) =	sbr.rel @p0 .LBB2_2-.Ltmp0, $4  }
0x3d: {  	v11 =	vand.u32 $0x1, v13;
	v12 =	vshrl.u32 v0, v17;
	v7 =	vld [tilespmem:s0+$0xE0];
	v9 =	vsub.s32 $0x0, v9;
	[tilespmem:s1+$0x40B0] =	vst v5;
	v6 =	vmovc v17  }
0x3e: {  	v12 =	vand.u32 $0x1, v12;
	v13 =	vshrl.u32 v0, v18;
	v14 =	vor.u32 v9, v14;
	[tilespmem:s1+$0x40C0] =	vst v10;
	v5 =	vmovc v18  }
0x3f: {  	v9 =	vsub.s32 $0x0, v11;
	v11 =	vand.u32 $0x1, v13;
	v13 =	vshrl.u32 v0, v1;
	[tilespmem:s0+$0x40F0] =	vst v14  }
0x40: {  	s3 =	sshra.s32 s4, $0x2;
	s4 =	sadd.s32 $0x200, s4;
	v10 =	vsub.s32 $0x0, v12;
	v12 =	vand.u32 $0x1, v13;
	v13 =	vshrl.u32 v0, v2;
	[tilespmem:s1+$0x40D0] =	vst v15  }
0x41: {  	v14 =	vld [tilespmem:s3+$0xF0];
	[tilespmem:s1+$0x40E0] =	vst v8  }
0x42: {  	v8 =	vld [tilespmem:s3+$0x80]  }
0x43: {  	v4 =	vor.u32 v9, v4;
	v15 =	vld [tilespmem:s3+$0x90]  }
0x44: {  	v11 =	vsub.s32 $0x0, v11;
	v13 =	vand.u32 $0x1, v13;
	v17 =	vshrl.u32 v0, v3;
	v16 =	vld [tilespmem:s3+$0xA0]  }
0x45: {  	v6 =	vor.u32 v10, v6;
	v9 =	vld [tilespmem:s3+$0xB0];
	[tilespmem:s0+$0x4080] =	vst v4;
	v4 =	vsub.s32 $0x0, v12;
	v12 =	vshrl.u32 v0, v7  }
0x46: {  	v17 =	vand.u32 $0x1, v17;
	v13 =	vsub.s32 $0x0, v13;
	v5 =	vor.u32 v11, v5  }
0x47: {  	v10 =	vld [tilespmem:s3+$0xC0];
	v12 =	vand.u32 $0x1, v12;
	[tilespmem:s0+$0x4090] =	vst v6;
	v6 =	vsub.s32 $0x0, v17;
	v1 =	vor.u32 v4, v1  }
0x48: {  	v2 =	vor.u32 v13, v2;
	v12 =	vsub.s32 $0x0, v12;
	v4 =	vshrl.u32 v0, v14  }
0x49: {  	v11 =	vld [tilespmem:s3+$0xD0];
	[tilespmem:s0+$0x40A0] =	vst v5;
	v3 =	vor.u32 v6, v3;
	v5 =	vor.u32 v12, v7;
	v4 =	vand.u32 $0x1, v4  }
0x4a: {  	v6 =	vld [tilespmem:s3+$0xE0];
	[tilespmem:s0+$0x40B0] =	vst v1;
	v7 =	vshrl.u32 v0, v8;
	v12 =	vshrl.u32 v0, v15;
	v4 =	vsub.s32 $0x0, v4  }
0x4b: {  	[tilespmem:s0+$0x40C0] =	vst v2;
	v2 =	vshrl.u32 v0, v16;
	v1 =	vand.u32 $0x1, v7;
	v4 =	vor.u32 v4, v14  }
0x4c: {  	v7 =	vand.u32 $0x1, v12;
	v12 =	vshrl.u32 v0, v9;
	v2 =	vand.u32 $0x1, v2;
	[tilespmem:s3+$0x40F0] =	vst v4  }
0x4d: {  	v1 =	vsub.s32 $0x0, v1;
	v2 =	vsub.s32 $0x0, v2;
	v4 =	vsub.s32 $0x0, v7;
	[tilespmem:s0+$0x40D0] =	vst v3  }
0x4e: {  	v7 =	vand.u32 $0x1, v12;
	v1 =	vor.u32 v1, v8;
	v2 =	vor.u32 v2, v16;
	[tilespmem:s0+$0x40E0] =	vst v5  }
0x4f: {  	v3 =	vshrl.u32 v0, v10;
	v5 =	vshrl.u32 v0, v11;
	v4 =	vor.u32 v4, v15;
	[tilespmem:s3+$0x4080] =	vst v1  }
0x50: {  	v3 =	vand.u32 $0x1, v3;
	v1 =	vsub.s32 $0x0, v7;
	v5 =	vand.u32 $0x1, v5;
	[tilespmem:s3+$0x4090] =	vst v4  }
0x51: {  	v4 =	vshrl.u32 v0, v6;
	[tilespmem:s3+$0x40A0] =	vst v2;
	v3 =	vsub.s32 $0x0, v3;
	v1 =	vor.u32 v1, v9  }
0x52: {  	v2 =	vsub.s32 $0x0, v5;
	v4 =	vand.u32 $0x1, v4;
	v3 =	vor.u32 v3, v10;
	[tilespmem:s3+$0x40B0] =	vst v1  }
0x53: {  	v1 =	vsub.s32 $0x0, v4;
	v2 =	vor.u32 v2, v11;
	[tilespmem:s3+$0x40C0] =	vst v3  }
0x54: {  	v1 =	vor.u32 v1, v6;
	[tilespmem:s3+$0x40D0] =	vst v2  }
0x55: {  	s4 =	simm.s32 $0x0;
	[tilespmem:s3+$0x40E0] =	vst v1  }
0x56: {  	[hbm4b:s6+s4] =	stream.linear.scatter [tilespmem:s25], [sflag:$0x3], $0x2000, $0x38;
	[tilespmem:$0x8080] =	vst v63  }
0x57: {  	_ = 	snop  }
0x58: {  	[tilespmem:s22], [sflag:$0x1] =	stream.linear.gather [hbm4b:s7+s4], $0x2000, $0x38;
	[tilespmem:$0x8080] =	vst v63  }
0x59: {  	_ =	swait.ge [sflag:s26], $0x2000  }
0x5a: {  	[sflag:s26] =	ssyncset.done $0x0  }
0x5b: {  	s1 =	simm.s32 $0x0;
	[sflag:s26] =	ssyncadd.s32 $0xFFFFE000  }
0x5c: {  	v1 =	vld [tilespmem:s1+$0x20F0]  }
0x5d: {  	v7 =	vld [tilespmem:s1+$0x20A0]  }
0x5e: {  	v8 =	vld [tilespmem:s1+$0x20B0]  }
0x5f: {  	v9 =	vld [tilespmem:s1+$0x20C0]  }
0x60: {  	v10 =	vld [tilespmem:s1+$0x20D0]  }
0x61: {  	v11 =	vld [tilespmem:s1+$0x20E0];
	_ =	sdelay $0x1  }
0x62: {  	v2 =	vld [tilespmem:s1+$0x2080]  }
0x63: {  	v3 =	vld [tilespmem:s1+$0x2090];
	v4 =	vshrl.u32 v0, v1;
	v13 =	vshrl.u32 v0, v7  }
0x64: {  	v14 =	vshrl.u32 v0, v8;
	v60 =	vshrl.u32 v0, v9;
	v4 =	vand.u32 $0x1, v4  }
0x65: {  	v61 =	vshrl.u32 v0, v10;
	v18 =	vshrl.u32 v0, v11;
	v4 =	vsub.s32 $0x0, v4  }
0x66: {  	v13 =	vand.u32 $0x1, v13;
	v14 =	vand.u32 $0x1, v14;
	v1 =	vor.u32 v4, v1  }
0x67: {  	s0 =	simm.s32 $0x80;
	v16 =	vand.u32 $0x1, v60;
	v17 =	vand.u32 $0x1, v61;
	v63 =	vand.u32 $0x1, v18;
	[tilespmem:s1+$0x60F0] =	vst v1  }
0x68: {  	v13 =	vsub.s32 $0x0, v13;
	v4 =	vshrl.u32 v0, v3;
	v1 =	vshrl.u32 v0, v2;
	v12 =	vld [tilespmem:s0+$0x20F0]  }
0x69: {  	v14 =	vsub.s32 $0x0, v14;
	v5 =	vand.u32 $0x1, v4;
	v1 =	vand.u32 $0x1, v1;
	v4 =	vld [tilespmem:s0+$0x2080]  }
0x6a: {  	v62 =	vsub.s32 $0x0, v17;
	v17 =	vsub.s32 $0x0, v63;
	v6 =	vld [tilespmem:s0+$0x2090];
	v1 =	vsub.s32 $0x0, v1  }
0x6b: {  	v7 =	vor.u32 v13, v7;
	v15 =	vsub.s32 $0x0, v5;
	v5 =	vld [tilespmem:s0+$0x20A0];
	v2 =	vor.u32 v1, v2  }
0x6c: {  	v13 =	vor.u32 v14, v8;
	v3 =	vor.u32 v15, v3;
	v15 =	vsub.s32 $0x0, v16;
	v1 =	vld [tilespmem:s0+$0x20B0];
	[tilespmem:s1+$0x6080] =	vst v2  }
0x6d: {  	v8 =	vor.u32 v17, v11;
	v9 =	vor.u32 v15, v9;
	v2 =	vld [tilespmem:s0+$0x20C0];
	[tilespmem:s1+$0x6090] =	vst v3;
	v14 =	vshrl.u32 v0, v12  }
0x6e: {  	v15 =	vor.u32 v62, v10;
	v3 =	vld [tilespmem:s0+$0x20D0];
	[tilespmem:s1+$0x60A0] =	vst v7;
	v10 =	vshrl.u32 v0, v4;
	v11 =	vand.u32 $0x1, v14  }
0x6f: {  	v7 =	vld [tilespmem:s0+$0x20E0];
	v10 =	vand.u32 $0x1, v10;
	v14 =	vshrl.u32 v0, v6;
	[tilespmem:s1+$0x60B0] =	vst v13;
	v11 =	vsub.s32 $0x0, v11  }
0x70: {  	[tilespmem:s1+$0x60C0] =	vst v9;
	v13 =	vand.u32 $0x1, v14;
	v14 =	vshrl.u32 v0, v5;
	v12 =	vor.u32 v11, v12  }
0x71: {  	v9 =	vsub.s32 $0x0, v10;
	v11 =	vand.u32 $0x1, v14;
	v14 =	vshrl.u32 v0, v1;
	[tilespmem:s0+$0x60F0] =	vst v12  }
0x72: {  	s3 =	simm.s32 $0x100;
	s4 =	simm.s32 $0x600;
	v10 =	vsub.s32 $0x0, v13;
	v12 =	vand.u32 $0x1, v14;
	v13 =	vshrl.u32 v0, v2;
	[tilespmem:s1+$0x60D0] =	vst v15  }
.LBB2_4:
0x73: {  	p0 =	sne.s32 s4, $0x7E00;
	v14 =	vld [tilespmem:s3+$0x20F0];
	v11 =	vsub.s32 $0x0, v11;
	v13 =	vand.u32 $0x1, v13;
	v15 =	vshrl.u32 v0, v3;
	[tilespmem:s1+$0x60E0] =	vst v8;
	s1 =	smov.u32 s0;
	s0 =	smov.u32 s3  }
0x74: {  	v8 =	vsub.s32 $0x0, v12;
	v16 =	vld [tilespmem:s0+$0x2080];
	v12 =	vand.u32 $0x1, v15;
	v15 =	vshrl.u32 v0, v7  }
0x75: {  	v13 =	vsub.s32 $0x0, v13;
	v17 =	vld [tilespmem:s0+$0x2090];
	v12 =	vsub.s32 $0x0, v12;
	v15 =	vand.u32 $0x1, v15  }
0x76: {  	v4 =	vor.u32 v9, v4;
	v6 =	vor.u32 v10, v6;
	v18 =	vld [tilespmem:s0+$0x20A0];
	v9 =	vsub.s32 $0x0, v15  }
0x77: {  	v19 =	vor.u32 v11, v5;
	v5 =	vor.u32 v8, v1;
	v10 =	vor.u32 v13, v2;
	[tilespmem:s1+$0x6080] =	vst v4;
	v1 =	vld [tilespmem:s0+$0x20B0]  }
0x78: {  	v15 =	vor.u32 v12, v3;
	v8 =	vor.u32 v9, v7;
	v2 =	vld [tilespmem:s0+$0x20C0];
	v11 =	vshrl.u32 v0, v14;
	[tilespmem:s1+$0x6090] =	vst v6  }
.Ltmp1:
0x79: {  	v13 =	vshrl.u32 v0, v16;
	v3 =	vld [tilespmem:s0+$0x20D0];
	v9 =	vand.u32 $0x1, v11;
	[tilespmem:s1+$0x60A0] =	vst v19;
	v4 =	vmov v16;
	(pc) =	sbr.rel @p0 .LBB2_4-.Ltmp1, $4  }
0x7a: {  	v11 =	vand.u32 $0x1, v13;
	v12 =	vshrl.u32 v0, v17;
	v7 =	vld [tilespmem:s0+$0x20E0];
	v9 =	vsub.s32 $0x0, v9;
	[tilespmem:s1+$0x60B0] =	vst v5;
	v6 =	vmovc v17  }
0x7b: {  	v12 =	vand.u32 $0x1, v12;
	v13 =	vshrl.u32 v0, v18;
	v14 =	vor.u32 v9, v14;
	[tilespmem:s1+$0x60C0] =	vst v10;
	v5 =	vmovc v18  }
0x7c: {  	v9 =	vsub.s32 $0x0, v11;
	v11 =	vand.u32 $0x1, v13;
	v13 =	vshrl.u32 v0, v1;
	[tilespmem:s0+$0x60F0] =	vst v14  }
0x7d: {  	s3 =	sshra.s32 s4, $0x2;
	s4 =	sadd.s32 $0x200, s4;
	v10 =	vsub.s32 $0x0, v12;
	v12 =	vand.u32 $0x1, v13;
	v13 =	vshrl.u32 v0, v2;
	[tilespmem:s1+$0x60D0] =	vst v15  }
0x7e: {  	v14 =	vld [tilespmem:s3+$0x20F0];
	[tilespmem:s1+$0x60E0] =	vst v8  }
0x7f: {  	v8 =	vld [tilespmem:s3+$0x2080]  }
0x80: {  	v4 =	vor.u32 v9, v4;
	v15 =	vld [tilespmem:s3+$0x2090]  }
0x81: {  	v11 =	vsub.s32 $0x0, v11;
	v13 =	vand.u32 $0x1, v13;
	v17 =	vshrl.u32 v0, v3;
	v16 =	vld [tilespmem:s3+$0x20A0]  }
0x82: {  	v6 =	vor.u32 v10, v6;
	v9 =	vld [tilespmem:s3+$0x20B0];
	[tilespmem:s0+$0x6080] =	vst v4;
	v4 =	vsub.s32 $0x0, v12;
	v12 =	vshrl.u32 v0, v7  }
0x83: {  	v17 =	vand.u32 $0x1, v17;
	v13 =	vsub.s32 $0x0, v13;
	v5 =	vor.u32 v11, v5  }
0x84: {  	v10 =	vld [tilespmem:s3+$0x20C0];
	v12 =	vand.u32 $0x1, v12;
	[tilespmem:s0+$0x6090] =	vst v6;
	v6 =	vsub.s32 $0x0, v17;
	v1 =	vor.u32 v4, v1  }
0x85: {  	v2 =	vor.u32 v13, v2;
	v12 =	vsub.s32 $0x0, v12;
	v4 =	vshrl.u32 v0, v14  }
0x86: {  	v11 =	vld [tilespmem:s3+$0x20D0];
	[tilespmem:s0+$0x60A0] =	vst v5;
	v3 =	vor.u32 v6, v3;
	v5 =	vor.u32 v12, v7;
	v4 =	vand.u32 $0x1, v4  }
0x87: {  	v6 =	vld [tilespmem:s3+$0x20E0];
	[tilespmem:s0+$0x60B0] =	vst v1;
	v7 =	vshrl.u32 v0, v8;
	v12 =	vshrl.u32 v0, v15;
	v4 =	vsub.s32 $0x0, v4  }
0x88: {  	[tilespmem:s0+$0x60C0] =	vst v2;
	v2 =	vshrl.u32 v0, v16;
	v1 =	vand.u32 $0x1, v7;
	v4 =	vor.u32 v4, v14  }
0x89: {  	v7 =	vand.u32 $0x1, v12;
	v12 =	vshrl.u32 v0, v9;
	v2 =	vand.u32 $0x1, v2;
	[tilespmem:s3+$0x60F0] =	vst v4  }
0x8a: {  	v1 =	vsub.s32 $0x0, v1;
	v2 =	vsub.s32 $0x0, v2;
	v4 =	vsub.s32 $0x0, v7;
	[tilespmem:s0+$0x60D0] =	vst v3  }
0x8b: {  	v7 =	vand.u32 $0x1, v12;
	v1 =	vor.u32 v1, v8;
	v2 =	vor.u32 v2, v16;
	[tilespmem:s0+$0x60E0] =	vst v5  }
0x8c: {  	v3 =	vshrl.u32 v0, v10;
	v5 =	vshrl.u32 v0, v11;
	v4 =	vor.u32 v4, v15;
	[tilespmem:s3+$0x6080] =	vst v1  }
0x8d: {  	v3 =	vand.u32 $0x1, v3;
	v1 =	vsub.s32 $0x0, v7;
	v5 =	vand.u32 $0x1, v5;
	[tilespmem:s3+$0x6090] =	vst v4  }
0x8e: {  	v4 =	vshrl.u32 v0, v6;
	[tilespmem:s3+$0x60A0] =	vst v2;
	v3 =	vsub.s32 $0x0, v3;
	v1 =	vor.u32 v1, v9  }
0x8f: {  	v2 =	vsub.s32 $0x0, v5;
	v4 =	vand.u32 $0x1, v4;
	v3 =	vor.u32 v3, v10;
	[tilespmem:s3+$0x60B0] =	vst v1  }
0x90: {  	v1 =	vsub.s32 $0x0, v4;
	v2 =	vor.u32 v2, v11;
	[tilespmem:s3+$0x60C0] =	vst v3  }
0x91: {  	v1 =	vor.u32 v1, v6;
	[tilespmem:s3+$0x60D0] =	vst v2  }
0x92: {  	s4 =	simm.s32 $0x0;
	[tilespmem:s3+$0x60E0] =	vst v1  }
0x93: {  	[hbm4b:s8+s4] =	stream.linear.scatter [tilespmem:s28], [sflag:$0x4], $0x2000, $0x38;
	[tilespmem:$0x8080] =	vst v63  }
0x94: {  	_ = 	snop  }
0x95: {  	[tilespmem:s23], [sflag:$0x2] =	stream.linear.gather [hbm4b:s9+s4], $0x2000, $0x38;
	[tilespmem:$0x8080] =	vst v63  }
0x96: {  	_ =	swait.ge [sflag:s24], $0x2000  }
0x97: {  	[sflag:s24] =	ssyncset.done $0x0  }
0x98: {  	[sflag:s24] =	ssyncadd.s32 $0xFFFFE000  }
0x99: {  	_ =	swait.ge [sflag:s29], $0x2000  }
0x9a: {  	[sflag:s29] =	ssyncset.done $0x0  }
0x9b: {  	s1 =	simm.s32 $0x0;
	[sflag:s29] =	ssyncadd.s32 $0xFFFFE000  }
0x9c: {  	v1 =	vld [tilespmem:s1+$0xF0]  }
0x9d: {  	v7 =	vld [tilespmem:s1+$0xA0]  }
0x9e: {  	v8 =	vld [tilespmem:s1+$0xB0]  }
0x9f: {  	v9 =	vld [tilespmem:s1+$0xC0]  }
0xa0: {  	v10 =	vld [tilespmem:s1+$0xD0]  }
0xa1: {  	v11 =	vld [tilespmem:s1+$0xE0];
	_ =	sdelay $0x1  }
0xa2: {  	v2 =	vld [tilespmem:s1+$0x80]  }
0xa3: {  	v3 =	vld [tilespmem:s1+$0x90];
	v4 =	vshrl.u32 v0, v1;
	v13 =	vshrl.u32 v0, v7  }
0xa4: {  	v14 =	vshrl.u32 v0, v8;
	v60 =	vshrl.u32 v0, v9;
	v4 =	vand.u32 $0x1, v4  }
0xa5: {  	v61 =	vshrl.u32 v0, v10;
	v18 =	vshrl.u32 v0, v11;
	v4 =	vsub.s32 $0x0, v4  }
0xa6: {  	v13 =	vand.u32 $0x1, v13;
	v14 =	vand.u32 $0x1, v14;
	v1 =	vor.u32 v4, v1  }
0xa7: {  	s0 =	simm.s32 $0x80;
	v16 =	vand.u32 $0x1, v60;
	v17 =	vand.u32 $0x1, v61;
	v63 =	vand.u32 $0x1, v18;
	[tilespmem:s1+$0x40F0] =	vst v1  }
0xa8: {  	v13 =	vsub.s32 $0x0, v13;
	v4 =	vshrl.u32 v0, v3;
	v1 =	vshrl.u32 v0, v2;
	v12 =	vld [tilespmem:s0+$0xF0]  }
0xa9: {  	v14 =	vsub.s32 $0x0, v14;
	v5 =	vand.u32 $0x1, v4;
	v1 =	vand.u32 $0x1, v1;
	v4 =	vld [tilespmem:s0+$0x80]  }
0xaa: {  	v62 =	vsub.s32 $0x0, v17;
	v17 =	vsub.s32 $0x0, v63;
	v6 =	vld [tilespmem:s0+$0x90];
	v1 =	vsub.s32 $0x0, v1  }
0xab: {  	v7 =	vor.u32 v13, v7;
	v15 =	vsub.s32 $0x0, v5;
	v5 =	vld [tilespmem:s0+$0xA0];
	v2 =	vor.u32 v1, v2  }
0xac: {  	v13 =	vor.u32 v14, v8;
	v3 =	vor.u32 v15, v3;
	v15 =	vsub.s32 $0x0, v16;
	v1 =	vld [tilespmem:s0+$0xB0];
	[tilespmem:s1+$0x4080] =	vst v2  }
0xad: {  	v8 =	vor.u32 v17, v11;
	v9 =	vor.u32 v15, v9;
	v2 =	vld [tilespmem:s0+$0xC0];
	[tilespmem:s1+$0x4090] =	vst v3;
	v14 =	vshrl.u32 v0, v12  }
0xae: {  	v15 =	vor.u32 v62, v10;
	v3 =	vld [tilespmem:s0+$0xD0];
	[tilespmem:s1+$0x40A0] =	vst v7;
	v10 =	vshrl.u32 v0, v4;
	v11 =	vand.u32 $0x1, v14  }
0xaf: {  	v7 =	vld [tilespmem:s0+$0xE0];
	v10 =	vand.u32 $0x1, v10;
	v14 =	vshrl.u32 v0, v6;
	[tilespmem:s1+$0x40B0] =	vst v13;
	v11 =	vsub.s32 $0x0, v11  }
0xb0: {  	[tilespmem:s1+$0x40C0] =	vst v9;
	v13 =	vand.u32 $0x1, v14;
	v14 =	vshrl.u32 v0, v5;
	v12 =	vor.u32 v11, v12  }
0xb1: {  	v9 =	vsub.s32 $0x0, v10;
	v11 =	vand.u32 $0x1, v14;
	v14 =	vshrl.u32 v0, v1;
	[tilespmem:s0+$0x40F0] =	vst v12  }
0xb2: {  	s3 =	simm.s32 $0x100;
	s4 =	simm.s32 $0x600;
	v10 =	vsub.s32 $0x0, v13;
	v12 =	vand.u32 $0x1, v14;
	v13 =	vshrl.u32 v0, v2;
	[tilespmem:s1+$0x40D0] =	vst v15  }
.LBB2_6:
0xb3: {  	p0 =	sne.s32 s4, $0x7E00;
	v14 =	vld [tilespmem:s3+$0xF0];
	v11 =	vsub.s32 $0x0, v11;
	v13 =	vand.u32 $0x1, v13;
	v15 =	vshrl.u32 v0, v3;
	[tilespmem:s1+$0x40E0] =	vst v8;
	s1 =	smov.u32 s0;
	s0 =	smov.u32 s3  }
0xb4: {  	v8 =	vsub.s32 $0x0, v12;
	v16 =	vld [tilespmem:s0+$0x80];
	v12 =	vand.u32 $0x1, v15;
	v15 =	vshrl.u32 v0, v7  }
0xb5: {  	v13 =	vsub.s32 $0x0, v13;
	v17 =	vld [tilespmem:s0+$0x90];
	v12 =	vsub.s32 $0x0, v12;
	v15 =	vand.u32 $0x1, v15  }
0xb6: {  	v4 =	vor.u32 v9, v4;
	v6 =	vor.u32 v10, v6;
	v18 =	vld [tilespmem:s0+$0xA0];
	v9 =	vsub.s32 $0x0, v15  }
0xb7: {  	v19 =	vor.u32 v11, v5;
	v5 =	vor.u32 v8, v1;
	v10 =	vor.u32 v13, v2;
	[tilespmem:s1+$0x4080] =	vst v4;
	v1 =	vld [tilespmem:s0+$0xB0]  }
0xb8: {  	v15 =	vor.u32 v12, v3;
	v8 =	vor.u32 v9, v7;
	v2 =	vld [tilespmem:s0+$0xC0];
	v11 =	vshrl.u32 v0, v14;
	[tilespmem:s1+$0x4090] =	vst v6  }
.Ltmp2:
0xb9: {  	v13 =	vshrl.u32 v0, v16;
	v3 =	vld [tilespmem:s0+$0xD0];
	v9 =	vand.u32 $0x1, v11;
	[tilespmem:s1+$0x40A0] =	vst v19;
	v4 =	vmov v16;
	(pc) =	sbr.rel @p0 .LBB2_6-.Ltmp2, $4  }
0xba: {  	v11 =	vand.u32 $0x1, v13;
	v12 =	vshrl.u32 v0, v17;
	v7 =	vld [tilespmem:s0+$0xE0];
	v9 =	vsub.s32 $0x0, v9;
	[tilespmem:s1+$0x40B0] =	vst v5;
	v6 =	vmovc v17  }
0xbb: {  	v12 =	vand.u32 $0x1, v12;
	v13 =	vshrl.u32 v0, v18;
	v14 =	vor.u32 v9, v14;
	[tilespmem:s1+$0x40C0] =	vst v10;
	v5 =	vmovc v18  }
0xbc: {  	v9 =	vsub.s32 $0x0, v11;
	v11 =	vand.u32 $0x1, v13;
	v13 =	vshrl.u32 v0, v1;
	[tilespmem:s0+$0x40F0] =	vst v14  }
0xbd: {  	s3 =	sshra.s32 s4, $0x2;
	s4 =	sadd.s32 $0x200, s4;
	v10 =	vsub.s32 $0x0, v12;
	v12 =	vand.u32 $0x1, v13;
	v13 =	vshrl.u32 v0, v2;
	[tilespmem:s1+$0x40D0] =	vst v15  }
0xbe: {  	v14 =	vld [tilespmem:s3+$0xF0];
	[tilespmem:s1+$0x40E0] =	vst v8  }
0xbf: {  	v8 =	vld [tilespmem:s3+$0x80]  }
0xc0: {  	v4 =	vor.u32 v9, v4;
	v15 =	vld [tilespmem:s3+$0x90]  }
0xc1: {  	v11 =	vsub.s32 $0x0, v11;
	v13 =	vand.u32 $0x1, v13;
	v17 =	vshrl.u32 v0, v3;
	v16 =	vld [tilespmem:s3+$0xA0]  }
0xc2: {  	v6 =	vor.u32 v10, v6;
	v9 =	vld [tilespmem:s3+$0xB0];
	[tilespmem:s0+$0x4080] =	vst v4;
	v4 =	vsub.s32 $0x0, v12;
	v12 =	vshrl.u32 v0, v7  }
0xc3: {  	v17 =	vand.u32 $0x1, v17;
	v13 =	vsub.s32 $0x0, v13;
	v5 =	vor.u32 v11, v5  }
0xc4: {  	v10 =	vld [tilespmem:s3+$0xC0];
	v12 =	vand.u32 $0x1, v12;
	[tilespmem:s0+$0x4090] =	vst v6;
	v6 =	vsub.s32 $0x0, v17;
	v1 =	vor.u32 v4, v1  }
0xc5: {  	v2 =	vor.u32 v13, v2;
	v12 =	vsub.s32 $0x0, v12;
	v4 =	vshrl.u32 v0, v14  }
0xc6: {  	v11 =	vld [tilespmem:s3+$0xD0];
	[tilespmem:s0+$0x40A0] =	vst v5;
	v3 =	vor.u32 v6, v3;
	v5 =	vor.u32 v12, v7;
	v4 =	vand.u32 $0x1, v4  }
0xc7: {  	v6 =	vld [tilespmem:s3+$0xE0];
	[tilespmem:s0+$0x40B0] =	vst v1;
	v7 =	vshrl.u32 v0, v8;
	v12 =	vshrl.u32 v0, v15;
	v4 =	vsub.s32 $0x0, v4  }
0xc8: {  	[tilespmem:s0+$0x40C0] =	vst v2;
	v2 =	vshrl.u32 v0, v16;
	v1 =	vand.u32 $0x1, v7;
	v4 =	vor.u32 v4, v14  }
0xc9: {  	v7 =	vand.u32 $0x1, v12;
	v12 =	vshrl.u32 v0, v9;
	v2 =	vand.u32 $0x1, v2;
	[tilespmem:s3+$0x40F0] =	vst v4  }
0xca: {  	v1 =	vsub.s32 $0x0, v1;
	v2 =	vsub.s32 $0x0, v2;
	v4 =	vsub.s32 $0x0, v7;
	[tilespmem:s0+$0x40D0] =	vst v3  }
0xcb: {  	v7 =	vand.u32 $0x1, v12;
	v1 =	vor.u32 v1, v8;
	v2 =	vor.u32 v2, v16;
	[tilespmem:s0+$0x40E0] =	vst v5  }
0xcc: {  	v3 =	vshrl.u32 v0, v10;
	v5 =	vshrl.u32 v0, v11;
	v4 =	vor.u32 v4, v15;
	[tilespmem:s3+$0x4080] =	vst v1  }
0xcd: {  	v3 =	vand.u32 $0x1, v3;
	v1 =	vsub.s32 $0x0, v7;
	v5 =	vand.u32 $0x1, v5;
	[tilespmem:s3+$0x4090] =	vst v4  }
0xce: {  	v4 =	vshrl.u32 v0, v6;
	[tilespmem:s3+$0x40A0] =	vst v2;
	v3 =	vsub.s32 $0x0, v3;
	v1 =	vor.u32 v1, v9  }
0xcf: {  	v2 =	vsub.s32 $0x0, v5;
	v4 =	vand.u32 $0x1, v4;
	v3 =	vor.u32 v3, v10;
	[tilespmem:s3+$0x40B0] =	vst v1  }
0xd0: {  	v1 =	vsub.s32 $0x0, v4;
	v2 =	vor.u32 v2, v11;
	[tilespmem:s3+$0x40C0] =	vst v3  }
0xd1: {  	v1 =	vor.u32 v1, v6;
	[tilespmem:s3+$0x40D0] =	vst v2  }
0xd2: {  	s4 =	simm.s32 $0x0;
	[tilespmem:s3+$0x40E0] =	vst v1  }
0xd3: {  	[hbm4b:s10+s4] =	stream.linear.scatter [tilespmem:s25], [sflag:$0x3], $0x2000, $0x38;
	[tilespmem:$0x8080] =	vst v63  }
0xd4: {  	_ = 	snop  }
0xd5: {  	[tilespmem:s22], [sflag:$0x1] =	stream.linear.gather [hbm4b:s11+s4], $0x2000, $0x38;
	[tilespmem:$0x8080] =	vst v63  }
0xd6: {  	_ =	swait.ge [sflag:s26], $0x2000  }
0xd7: {  	[sflag:s26] =	ssyncset.done $0x0  }
0xd8: {  	[sflag:s26] =	ssyncadd.s32 $0xFFFFE000  }
0xd9: {  	_ =	swait.ge [sflag:s30], $0x2000  }
0xda: {  	[sflag:s30] =	ssyncset.done $0x0  }
0xdb: {  	s1 =	simm.s32 $0x0;
	[sflag:s30] =	ssyncadd.s32 $0xFFFFE000  }
0xdc: {  	v1 =	vld [tilespmem:s1+$0x20F0]  }
0xdd: {  	v7 =	vld [tilespmem:s1+$0x20A0]  }
0xde: {  	v8 =	vld [tilespmem:s1+$0x20B0]  }
0xdf: {  	v9 =	vld [tilespmem:s1+$0x20C0]  }
0xe0: {  	v10 =	vld [tilespmem:s1+$0x20D0]  }
0xe1: {  	v11 =	vld [tilespmem:s1+$0x20E0];
	_ =	sdelay $0x1  }
0xe2: {  	v2 =	vld [tilespmem:s1+$0x2080]  }
0xe3: {  	v3 =	vld [tilespmem:s1+$0x2090];
	v4 =	vshrl.u32 v0, v1;
	v13 =	vshrl.u32 v0, v7  }
0xe4: {  	v14 =	vshrl.u32 v0, v8;
	v60 =	vshrl.u32 v0, v9;
	v4 =	vand.u32 $0x1, v4  }
0xe5: {  	v61 =	vshrl.u32 v0, v10;
	v18 =	vshrl.u32 v0, v11;
	v4 =	vsub.s32 $0x0, v4  }
0xe6: {  	v13 =	vand.u32 $0x1, v13;
	v14 =	vand.u32 $0x1, v14;
	v1 =	vor.u32 v4, v1  }
0xe7: {  	s0 =	simm.s32 $0x80;
	v16 =	vand.u32 $0x1, v60;
	v17 =	vand.u32 $0x1, v61;
	v63 =	vand.u32 $0x1, v18;
	[tilespmem:s1+$0x60F0] =	vst v1  }
0xe8: {  	v13 =	vsub.s32 $0x0, v13;
	v4 =	vshrl.u32 v0, v3;
	v1 =	vshrl.u32 v0, v2;
	v12 =	vld [tilespmem:s0+$0x20F0]  }
0xe9: {  	v14 =	vsub.s32 $0x0, v14;
	v5 =	vand.u32 $0x1, v4;
	v1 =	vand.u32 $0x1, v1;
	v4 =	vld [tilespmem:s0+$0x2080]  }
0xea: {  	v62 =	vsub.s32 $0x0, v17;
	v17 =	vsub.s32 $0x0, v63;
	v6 =	vld [tilespmem:s0+$0x2090];
	v1 =	vsub.s32 $0x0, v1  }
0xeb: {  	v7 =	vor.u32 v13, v7;
	v15 =	vsub.s32 $0x0, v5;
	v5 =	vld [tilespmem:s0+$0x20A0];
	v2 =	vor.u32 v1, v2  }
0xec: {  	v13 =	vor.u32 v14, v8;
	v3 =	vor.u32 v15, v3;
	v15 =	vsub.s32 $0x0, v16;
	v1 =	vld [tilespmem:s0+$0x20B0];
	[tilespmem:s1+$0x6080] =	vst v2  }
0xed: {  	v8 =	vor.u32 v17, v11;
	v9 =	vor.u32 v15, v9;
	v2 =	vld [tilespmem:s0+$0x20C0];
	[tilespmem:s1+$0x6090] =	vst v3;
	v14 =	vshrl.u32 v0, v12  }
0xee: {  	v15 =	vor.u32 v62, v10;
	v3 =	vld [tilespmem:s0+$0x20D0];
	[tilespmem:s1+$0x60A0] =	vst v7;
	v10 =	vshrl.u32 v0, v4;
	v11 =	vand.u32 $0x1, v14  }
0xef: {  	v7 =	vld [tilespmem:s0+$0x20E0];
	v10 =	vand.u32 $0x1, v10;
	v14 =	vshrl.u32 v0, v6;
	[tilespmem:s1+$0x60B0] =	vst v13;
	v11 =	vsub.s32 $0x0, v11  }
0xf0: {  	[tilespmem:s1+$0x60C0] =	vst v9;
	v13 =	vand.u32 $0x1, v14;
	v14 =	vshrl.u32 v0, v5;
	v12 =	vor.u32 v11, v12  }
0xf1: {  	v9 =	vsub.s32 $0x0, v10;
	v11 =	vand.u32 $0x1, v14;
	v14 =	vshrl.u32 v0, v1;
	[tilespmem:s0+$0x60F0] =	vst v12  }
0xf2: {  	s3 =	simm.s32 $0x100;
	s4 =	simm.s32 $0x600;
	v10 =	vsub.s32 $0x0, v13;
	v12 =	vand.u32 $0x1, v14;
	v13 =	vshrl.u32 v0, v2;
	[tilespmem:s1+$0x60D0] =	vst v15  }
.LBB2_8:
0xf3: {  	p0 =	sne.s32 s4, $0x7E00;
	v14 =	vld [tilespmem:s3+$0x20F0];
	v11 =	vsub.s32 $0x0, v11;
	v13 =	vand.u32 $0x1, v13;
	v15 =	vshrl.u32 v0, v3;
	[tilespmem:s1+$0x60E0] =	vst v8;
	s1 =	smov.u32 s0;
	s0 =	smov.u32 s3  }
0xf4: {  	v8 =	vsub.s32 $0x0, v12;
	v16 =	vld [tilespmem:s0+$0x2080];
	v12 =	vand.u32 $0x1, v15;
	v15 =	vshrl.u32 v0, v7  }
0xf5: {  	v13 =	vsub.s32 $0x0, v13;
	v17 =	vld [tilespmem:s0+$0x2090];
	v12 =	vsub.s32 $0x0, v12;
	v15 =	vand.u32 $0x1, v15  }
0xf6: {  	v4 =	vor.u32 v9, v4;
	v6 =	vor.u32 v10, v6;
	v18 =	vld [tilespmem:s0+$0x20A0];
	v9 =	vsub.s32 $0x0, v15  }
0xf7: {  	v19 =	vor.u32 v11, v5;
	v5 =	vor.u32 v8, v1;
	v10 =	vor.u32 v13, v2;
	[tilespmem:s1+$0x6080] =	vst v4;
	v1 =	vld [tilespmem:s0+$0x20B0]  }
0xf8: {  	v15 =	vor.u32 v12, v3;
	v8 =	vor.u32 v9, v7;
	v2 =	vld [tilespmem:s0+$0x20C0];
	v11 =	vshrl.u32 v0, v14;
	[tilespmem:s1+$0x6090] =	vst v6  }
.Ltmp3:
0xf9: {  	v13 =	vshrl.u32 v0, v16;
	v3 =	vld [tilespmem:s0+$0x20D0];
	v9 =	vand.u32 $0x1, v11;
	[tilespmem:s1+$0x60A0] =	vst v19;
	v4 =	vmov v16;
	(pc) =	sbr.rel @p0 .LBB2_8-.Ltmp3, $4  }
0xfa: {  	v11 =	vand.u32 $0x1, v13;
	v12 =	vshrl.u32 v0, v17;
	v7 =	vld [tilespmem:s0+$0x20E0];
	v9 =	vsub.s32 $0x0, v9;
	[tilespmem:s1+$0x60B0] =	vst v5;
	v6 =	vmovc v17  }
0xfb: {  	v12 =	vand.u32 $0x1, v12;
	v13 =	vshrl.u32 v0, v18;
	v14 =	vor.u32 v9, v14;
	[tilespmem:s1+$0x60C0] =	vst v10;
	v5 =	vmovc v18  }
0xfc: {  	v9 =	vsub.s32 $0x0, v11;
	v11 =	vand.u32 $0x1, v13;
	v13 =	vshrl.u32 v0, v1;
	[tilespmem:s0+$0x60F0] =	vst v14  }
0xfd: {  	s3 =	sshra.s32 s4, $0x2;
	s4 =	sadd.s32 $0x200, s4;
	v10 =	vsub.s32 $0x0, v12;
	v12 =	vand.u32 $0x1, v13;
	v13 =	vshrl.u32 v0, v2;
	[tilespmem:s1+$0x60D0] =	vst v15  }
0xfe: {  	v14 =	vld [tilespmem:s3+$0x20F0];
	[tilespmem:s1+$0x60E0] =	vst v8  }
0xff: {  	v8 =	vld [tilespmem:s3+$0x2080]  }
0x100: {  	v4 =	vor.u32 v9, v4;
	v15 =	vld [tilespmem:s3+$0x2090]  }
0x101: {  	v11 =	vsub.s32 $0x0, v11;
	v13 =	vand.u32 $0x1, v13;
	v17 =	vshrl.u32 v0, v3;
	v16 =	vld [tilespmem:s3+$0x20A0]  }
0x102: {  	v6 =	vor.u32 v10, v6;
	v9 =	vld [tilespmem:s3+$0x20B0];
	[tilespmem:s0+$0x6080] =	vst v4;
	v4 =	vsub.s32 $0x0, v12;
	v12 =	vshrl.u32 v0, v7  }
0x103: {  	v17 =	vand.u32 $0x1, v17;
	v13 =	vsub.s32 $0x0, v13;
	v5 =	vor.u32 v11, v5  }
0x104: {  	v10 =	vld [tilespmem:s3+$0x20C0];
	v12 =	vand.u32 $0x1, v12;
	[tilespmem:s0+$0x6090] =	vst v6;
	v6 =	vsub.s32 $0x0, v17;
	v1 =	vor.u32 v4, v1  }
0x105: {  	v2 =	vor.u32 v13, v2;
	v12 =	vsub.s32 $0x0, v12;
	v4 =	vshrl.u32 v0, v14  }
0x106: {  	v11 =	vld [tilespmem:s3+$0x20D0];
	[tilespmem:s0+$0x60A0] =	vst v5;
	v3 =	vor.u32 v6, v3;
	v5 =	vor.u32 v12, v7;
	v4 =	vand.u32 $0x1, v4  }
0x107: {  	v6 =	vld [tilespmem:s3+$0x20E0];
	[tilespmem:s0+$0x60B0] =	vst v1;
	v7 =	vshrl.u32 v0, v8;
	v12 =	vshrl.u32 v0, v15;
	v4 =	vsub.s32 $0x0, v4  }
0x108: {  	[tilespmem:s0+$0x60C0] =	vst v2;
	v2 =	vshrl.u32 v0, v16;
	v1 =	vand.u32 $0x1, v7;
	v4 =	vor.u32 v4, v14  }
0x109: {  	v7 =	vand.u32 $0x1, v12;
	v12 =	vshrl.u32 v0, v9;
	v2 =	vand.u32 $0x1, v2;
	[tilespmem:s3+$0x60F0] =	vst v4  }
0x10a: {  	v1 =	vsub.s32 $0x0, v1;
	v2 =	vsub.s32 $0x0, v2;
	v4 =	vsub.s32 $0x0, v7;
	[tilespmem:s0+$0x60D0] =	vst v3  }
0x10b: {  	v7 =	vand.u32 $0x1, v12;
	v1 =	vor.u32 v1, v8;
	v2 =	vor.u32 v2, v16;
	[tilespmem:s0+$0x60E0] =	vst v5  }
0x10c: {  	v3 =	vshrl.u32 v0, v10;
	v5 =	vshrl.u32 v0, v11;
	v4 =	vor.u32 v4, v15;
	[tilespmem:s3+$0x6080] =	vst v1  }
0x10d: {  	v3 =	vand.u32 $0x1, v3;
	v1 =	vsub.s32 $0x0, v7;
	v5 =	vand.u32 $0x1, v5;
	[tilespmem:s3+$0x6090] =	vst v4  }
0x10e: {  	v4 =	vshrl.u32 v0, v6;
	[tilespmem:s3+$0x60A0] =	vst v2;
	v3 =	vsub.s32 $0x0, v3;
	v1 =	vor.u32 v1, v9  }
0x10f: {  	v2 =	vsub.s32 $0x0, v5;
	v4 =	vand.u32 $0x1, v4;
	v3 =	vor.u32 v3, v10;
	[tilespmem:s3+$0x60B0] =	vst v1  }
0x110: {  	v1 =	vsub.s32 $0x0, v4;
	v2 =	vor.u32 v2, v11;
	[tilespmem:s3+$0x60C0] =	vst v3  }
0x111: {  	v1 =	vor.u32 v1, v6;
	[tilespmem:s3+$0x60D0] =	vst v2  }
0x112: {  	s4 =	simm.s32 $0x0;
	[tilespmem:s3+$0x60E0] =	vst v1  }
0x113: {  	[hbm4b:s12+s4] =	stream.linear.scatter [tilespmem:s28], [sflag:$0x4], $0x2000, $0x38;
	[tilespmem:$0x8080] =	vst v63  }
0x114: {  	_ = 	snop  }
0x115: {  	[tilespmem:s23], [sflag:$0x2] =	stream.linear.gather [hbm4b:s13+s4], $0x2000, $0x38;
	[tilespmem:$0x8080] =	vst v63  }
0x116: {  	_ =	swait.ge [sflag:s24], $0x2000  }
0x117: {  	[sflag:s24] =	ssyncset.done $0x0  }
0x118: {  	[sflag:s24] =	ssyncadd.s32 $0xFFFFE000  }
0x119: {  	_ =	swait.ge [sflag:s29], $0x2000  }
0x11a: {  	[sflag:s29] =	ssyncset.done $0x0  }
0x11b: {  	s1 =	simm.s32 $0x0;
	[sflag:s29] =	ssyncadd.s32 $0xFFFFE000  }
0x11c: {  	v1 =	vld [tilespmem:s1+$0xF0]  }
0x11d: {  	v7 =	vld [tilespmem:s1+$0xA0]  }
0x11e: {  	v8 =	vld [tilespmem:s1+$0xB0]  }
0x11f: {  	v9 =	vld [tilespmem:s1+$0xC0]  }
0x120: {  	v10 =	vld [tilespmem:s1+$0xD0]  }
0x121: {  	v11 =	vld [tilespmem:s1+$0xE0];
	_ =	sdelay $0x1  }
0x122: {  	v2 =	vld [tilespmem:s1+$0x80]  }
0x123: {  	v3 =	vld [tilespmem:s1+$0x90];
	v4 =	vshrl.u32 v0, v1;
	v13 =	vshrl.u32 v0, v7  }
0x124: {  	v14 =	vshrl.u32 v0, v8;
	v60 =	vshrl.u32 v0, v9;
	v4 =	vand.u32 $0x1, v4  }
0x125: {  	v61 =	vshrl.u32 v0, v10;
	v18 =	vshrl.u32 v0, v11;
	v4 =	vsub.s32 $0x0, v4  }
0x126: {  	v13 =	vand.u32 $0x1, v13;
	v14 =	vand.u32 $0x1, v14;
	v1 =	vor.u32 v4, v1  }
0x127: {  	s0 =	simm.s32 $0x80;
	v16 =	vand.u32 $0x1, v60;
	v17 =	vand.u32 $0x1, v61;
	v63 =	vand.u32 $0x1, v18;
	[tilespmem:s1+$0x40F0] =	vst v1  }
0x128: {  	v13 =	vsub.s32 $0x0, v13;
	v4 =	vshrl.u32 v0, v3;
	v1 =	vshrl.u32 v0, v2;
	v12 =	vld [tilespmem:s0+$0xF0]  }
0x129: {  	v14 =	vsub.s32 $0x0, v14;
	v5 =	vand.u32 $0x1, v4;
	v1 =	vand.u32 $0x1, v1;
	v4 =	vld [tilespmem:s0+$0x80]  }
0x12a: {  	v62 =	vsub.s32 $0x0, v17;
	v17 =	vsub.s32 $0x0, v63;
	v6 =	vld [tilespmem:s0+$0x90];
	v1 =	vsub.s32 $0x0, v1  }
0x12b: {  	v7 =	vor.u32 v13, v7;
	v15 =	vsub.s32 $0x0, v5;
	v5 =	vld [tilespmem:s0+$0xA0];
	v2 =	vor.u32 v1, v2  }
0x12c: {  	v13 =	vor.u32 v14, v8;
	v3 =	vor.u32 v15, v3;
	v15 =	vsub.s32 $0x0, v16;
	v1 =	vld [tilespmem:s0+$0xB0];
	[tilespmem:s1+$0x4080] =	vst v2  }
0x12d: {  	v8 =	vor.u32 v17, v11;
	v9 =	vor.u32 v15, v9;
	v2 =	vld [tilespmem:s0+$0xC0];
	[tilespmem:s1+$0x4090] =	vst v3;
	v14 =	vshrl.u32 v0, v12  }
0x12e: {  	v15 =	vor.u32 v62, v10;
	v3 =	vld [tilespmem:s0+$0xD0];
	[tilespmem:s1+$0x40A0] =	vst v7;
	v10 =	vshrl.u32 v0, v4;
	v11 =	vand.u32 $0x1, v14  }
0x12f: {  	v7 =	vld [tilespmem:s0+$0xE0];
	v10 =	vand.u32 $0x1, v10;
	v14 =	vshrl.u32 v0, v6;
	[tilespmem:s1+$0x40B0] =	vst v13;
	v11 =	vsub.s32 $0x0, v11  }
0x130: {  	[tilespmem:s1+$0x40C0] =	vst v9;
	v13 =	vand.u32 $0x1, v14;
	v14 =	vshrl.u32 v0, v5;
	v12 =	vor.u32 v11, v12  }
0x131: {  	v9 =	vsub.s32 $0x0, v10;
	v11 =	vand.u32 $0x1, v14;
	v14 =	vshrl.u32 v0, v1;
	[tilespmem:s0+$0x40F0] =	vst v12  }
0x132: {  	s3 =	simm.s32 $0x100;
	s4 =	simm.s32 $0x600;
	v10 =	vsub.s32 $0x0, v13;
	v12 =	vand.u32 $0x1, v14;
	v13 =	vshrl.u32 v0, v2;
	[tilespmem:s1+$0x40D0] =	vst v15  }
.LBB2_10:
0x133: {  	p0 =	sne.s32 s4, $0x7E00;
	v14 =	vld [tilespmem:s3+$0xF0];
	v11 =	vsub.s32 $0x0, v11;
	v13 =	vand.u32 $0x1, v13;
	v15 =	vshrl.u32 v0, v3;
	[tilespmem:s1+$0x40E0] =	vst v8;
	s1 =	smov.u32 s0;
	s0 =	smov.u32 s3  }
0x134: {  	v8 =	vsub.s32 $0x0, v12;
	v16 =	vld [tilespmem:s0+$0x80];
	v12 =	vand.u32 $0x1, v15;
	v15 =	vshrl.u32 v0, v7  }
0x135: {  	v13 =	vsub.s32 $0x0, v13;
	v17 =	vld [tilespmem:s0+$0x90];
	v12 =	vsub.s32 $0x0, v12;
	v15 =	vand.u32 $0x1, v15  }
0x136: {  	v4 =	vor.u32 v9, v4;
	v6 =	vor.u32 v10, v6;
	v18 =	vld [tilespmem:s0+$0xA0];
	v9 =	vsub.s32 $0x0, v15  }
0x137: {  	v19 =	vor.u32 v11, v5;
	v5 =	vor.u32 v8, v1;
	v10 =	vor.u32 v13, v2;
	[tilespmem:s1+$0x4080] =	vst v4;
	v1 =	vld [tilespmem:s0+$0xB0]  }
0x138: {  	v15 =	vor.u32 v12, v3;
	v8 =	vor.u32 v9, v7;
	v2 =	vld [tilespmem:s0+$0xC0];
	v11 =	vshrl.u32 v0, v14;
	[tilespmem:s1+$0x4090] =	vst v6  }
.Ltmp4:
0x139: {  	v13 =	vshrl.u32 v0, v16;
	v3 =	vld [tilespmem:s0+$0xD0];
	v9 =	vand.u32 $0x1, v11;
	[tilespmem:s1+$0x40A0] =	vst v19;
	v4 =	vmov v16;
	(pc) =	sbr.rel @p0 .LBB2_10-.Ltmp4, $4  }
0x13a: {  	v11 =	vand.u32 $0x1, v13;
	v12 =	vshrl.u32 v0, v17;
	v7 =	vld [tilespmem:s0+$0xE0];
	v9 =	vsub.s32 $0x0, v9;
	[tilespmem:s1+$0x40B0] =	vst v5;
	v6 =	vmovc v17  }
0x13b: {  	v12 =	vand.u32 $0x1, v12;
	v13 =	vshrl.u32 v0, v18;
	v14 =	vor.u32 v9, v14;
	[tilespmem:s1+$0x40C0] =	vst v10;
	v5 =	vmovc v18  }
0x13c: {  	v9 =	vsub.s32 $0x0, v11;
	v11 =	vand.u32 $0x1, v13;
	v13 =	vshrl.u32 v0, v1;
	[tilespmem:s0+$0x40F0] =	vst v14  }
0x13d: {  	s3 =	sshra.s32 s4, $0x2;
	s4 =	sadd.s32 $0x200, s4;
	v10 =	vsub.s32 $0x0, v12;
	v12 =	vand.u32 $0x1, v13;
	v13 =	vshrl.u32 v0, v2;
	[tilespmem:s1+$0x40D0] =	vst v15  }
0x13e: {  	v14 =	vld [tilespmem:s3+$0xF0];
	[tilespmem:s1+$0x40E0] =	vst v8  }
0x13f: {  	v8 =	vld [tilespmem:s3+$0x80]  }
0x140: {  	v4 =	vor.u32 v9, v4;
	v15 =	vld [tilespmem:s3+$0x90]  }
0x141: {  	v11 =	vsub.s32 $0x0, v11;
	v13 =	vand.u32 $0x1, v13;
	v17 =	vshrl.u32 v0, v3;
	v16 =	vld [tilespmem:s3+$0xA0]  }
0x142: {  	v6 =	vor.u32 v10, v6;
	v9 =	vld [tilespmem:s3+$0xB0];
	[tilespmem:s0+$0x4080] =	vst v4;
	v4 =	vsub.s32 $0x0, v12;
	v12 =	vshrl.u32 v0, v7  }
0x143: {  	v17 =	vand.u32 $0x1, v17;
	v13 =	vsub.s32 $0x0, v13;
	v5 =	vor.u32 v11, v5  }
0x144: {  	v10 =	vld [tilespmem:s3+$0xC0];
	v12 =	vand.u32 $0x1, v12;
	[tilespmem:s0+$0x4090] =	vst v6;
	v6 =	vsub.s32 $0x0, v17;
	v1 =	vor.u32 v4, v1  }
0x145: {  	v2 =	vor.u32 v13, v2;
	v12 =	vsub.s32 $0x0, v12;
	v4 =	vshrl.u32 v0, v14  }
0x146: {  	v11 =	vld [tilespmem:s3+$0xD0];
	[tilespmem:s0+$0x40A0] =	vst v5;
	v3 =	vor.u32 v6, v3;
	v5 =	vor.u32 v12, v7;
	v4 =	vand.u32 $0x1, v4  }
0x147: {  	v6 =	vld [tilespmem:s3+$0xE0];
	[tilespmem:s0+$0x40B0] =	vst v1;
	v7 =	vshrl.u32 v0, v8;
	v12 =	vshrl.u32 v0, v15;
	v4 =	vsub.s32 $0x0, v4  }
0x148: {  	[tilespmem:s0+$0x40C0] =	vst v2;
	v2 =	vshrl.u32 v0, v16;
	v1 =	vand.u32 $0x1, v7;
	v4 =	vor.u32 v4, v14  }
0x149: {  	v7 =	vand.u32 $0x1, v12;
	v12 =	vshrl.u32 v0, v9;
	v2 =	vand.u32 $0x1, v2;
	[tilespmem:s3+$0x40F0] =	vst v4  }
0x14a: {  	v1 =	vsub.s32 $0x0, v1;
	v2 =	vsub.s32 $0x0, v2;
	v4 =	vsub.s32 $0x0, v7;
	[tilespmem:s0+$0x40D0] =	vst v3  }
0x14b: {  	v7 =	vand.u32 $0x1, v12;
	v1 =	vor.u32 v1, v8;
	v2 =	vor.u32 v2, v16;
	[tilespmem:s0+$0x40E0] =	vst v5  }
0x14c: {  	v3 =	vshrl.u32 v0, v10;
	v5 =	vshrl.u32 v0, v11;
	v4 =	vor.u32 v4, v15;
	[tilespmem:s3+$0x4080] =	vst v1  }
0x14d: {  	v3 =	vand.u32 $0x1, v3;
	v1 =	vsub.s32 $0x0, v7;
	v5 =	vand.u32 $0x1, v5;
	[tilespmem:s3+$0x4090] =	vst v4  }
0x14e: {  	v4 =	vshrl.u32 v0, v6;
	[tilespmem:s3+$0x40A0] =	vst v2;
	v3 =	vsub.s32 $0x0, v3;
	v1 =	vor.u32 v1, v9  }
0x14f: {  	v2 =	vsub.s32 $0x0, v5;
	v4 =	vand.u32 $0x1, v4;
	v3 =	vor.u32 v3, v10;
	[tilespmem:s3+$0x40B0] =	vst v1  }
0x150: {  	v1 =	vsub.s32 $0x0, v4;
	v2 =	vor.u32 v2, v11;
	[tilespmem:s3+$0x40C0] =	vst v3  }
0x151: {  	v1 =	vor.u32 v1, v6;
	[tilespmem:s3+$0x40D0] =	vst v2  }
0x152: {  	s4 =	simm.s32 $0x0;
	[tilespmem:s3+$0x40E0] =	vst v1  }
0x153: {  	[hbm4b:s14+s4] =	stream.linear.scatter [tilespmem:s25], [sflag:$0x3], $0x2000, $0x38;
	[tilespmem:$0x8080] =	vst v63  }
0x154: {  	_ = 	snop  }
0x155: {  	[tilespmem:s22], [sflag:$0x1] =	stream.linear.gather [hbm4b:s15+s4], $0x2000, $0x38;
	[tilespmem:$0x8080] =	vst v63  }
0x156: {  	_ =	swait.ge [sflag:s26], $0x2000  }
0x157: {  	[sflag:s26] =	ssyncset.done $0x0  }
0x158: {  	[sflag:s26] =	ssyncadd.s32 $0xFFFFE000  }
0x159: {  	_ =	swait.ge [sflag:s30], $0x2000  }
0x15a: {  	[sflag:s30] =	ssyncset.done $0x0  }
0x15b: {  	s1 =	simm.s32 $0x0;
	[sflag:s30] =	ssyncadd.s32 $0xFFFFE000  }
0x15c: {  	v1 =	vld [tilespmem:s1+$0x20F0]  }
0x15d: {  	v7 =	vld [tilespmem:s1+$0x20A0]  }
0x15e: {  	v8 =	vld [tilespmem:s1+$0x20B0]  }
0x15f: {  	v9 =	vld [tilespmem:s1+$0x20C0]  }
0x160: {  	v10 =	vld [tilespmem:s1+$0x20D0]  }
0x161: {  	v11 =	vld [tilespmem:s1+$0x20E0];
	_ =	sdelay $0x1  }
0x162: {  	v2 =	vld [tilespmem:s1+$0x2080]  }
0x163: {  	v3 =	vld [tilespmem:s1+$0x2090];
	v4 =	vshrl.u32 v0, v1;
	v13 =	vshrl.u32 v0, v7  }
0x164: {  	v14 =	vshrl.u32 v0, v8;
	v60 =	vshrl.u32 v0, v9;
	v4 =	vand.u32 $0x1, v4  }
0x165: {  	v61 =	vshrl.u32 v0, v10;
	v18 =	vshrl.u32 v0, v11;
	v4 =	vsub.s32 $0x0, v4  }
0x166: {  	v13 =	vand.u32 $0x1, v13;
	v14 =	vand.u32 $0x1, v14;
	v1 =	vor.u32 v4, v1  }
0x167: {  	s0 =	simm.s32 $0x80;
	v16 =	vand.u32 $0x1, v60;
	v17 =	vand.u32 $0x1, v61;
	v63 =	vand.u32 $0x1, v18;
	[tilespmem:s1+$0x60F0] =	vst v1  }
0x168: {  	v13 =	vsub.s32 $0x0, v13;
	v4 =	vshrl.u32 v0, v3;
	v1 =	vshrl.u32 v0, v2;
	v12 =	vld [tilespmem:s0+$0x20F0]  }
0x169: {  	v14 =	vsub.s32 $0x0, v14;
	v5 =	vand.u32 $0x1, v4;
	v1 =	vand.u32 $0x1, v1;
	v4 =	vld [tilespmem:s0+$0x2080]  }
0x16a: {  	v62 =	vsub.s32 $0x0, v17;
	v17 =	vsub.s32 $0x0, v63;
	v6 =	vld [tilespmem:s0+$0x2090];
	v1 =	vsub.s32 $0x0, v1  }
0x16b: {  	v7 =	vor.u32 v13, v7;
	v15 =	vsub.s32 $0x0, v5;
	v5 =	vld [tilespmem:s0+$0x20A0];
	v2 =	vor.u32 v1, v2  }
0x16c: {  	v13 =	vor.u32 v14, v8;
	v3 =	vor.u32 v15, v3;
	v15 =	vsub.s32 $0x0, v16;
	v1 =	vld [tilespmem:s0+$0x20B0];
	[tilespmem:s1+$0x6080] =	vst v2  }
0x16d: {  	v8 =	vor.u32 v17, v11;
	v9 =	vor.u32 v15, v9;
	v2 =	vld [tilespmem:s0+$0x20C0];
	[tilespmem:s1+$0x6090] =	vst v3;
	v14 =	vshrl.u32 v0, v12  }
0x16e: {  	v15 =	vor.u32 v62, v10;
	v3 =	vld [tilespmem:s0+$0x20D0];
	[tilespmem:s1+$0x60A0] =	vst v7;
	v10 =	vshrl.u32 v0, v4;
	v11 =	vand.u32 $0x1, v14  }
0x16f: {  	v7 =	vld [tilespmem:s0+$0x20E0];
	v10 =	vand.u32 $0x1, v10;
	v14 =	vshrl.u32 v0, v6;
	[tilespmem:s1+$0x60B0] =	vst v13;
	v11 =	vsub.s32 $0x0, v11  }
0x170: {  	[tilespmem:s1+$0x60C0] =	vst v9;
	v13 =	vand.u32 $0x1, v14;
	v14 =	vshrl.u32 v0, v5;
	v12 =	vor.u32 v11, v12  }
0x171: {  	v9 =	vsub.s32 $0x0, v10;
	v11 =	vand.u32 $0x1, v14;
	v14 =	vshrl.u32 v0, v1;
	[tilespmem:s0+$0x60F0] =	vst v12  }
0x172: {  	s3 =	simm.s32 $0x100;
	s4 =	simm.s32 $0x600;
	v10 =	vsub.s32 $0x0, v13;
	v12 =	vand.u32 $0x1, v14;
	v13 =	vshrl.u32 v0, v2;
	[tilespmem:s1+$0x60D0] =	vst v15  }
.LBB2_12:
0x173: {  	p0 =	sne.s32 s4, $0x7E00;
	v14 =	vld [tilespmem:s3+$0x20F0];
	v11 =	vsub.s32 $0x0, v11;
	v13 =	vand.u32 $0x1, v13;
	v15 =	vshrl.u32 v0, v3;
	[tilespmem:s1+$0x60E0] =	vst v8;
	s1 =	smov.u32 s0;
	s0 =	smov.u32 s3  }
0x174: {  	v8 =	vsub.s32 $0x0, v12;
	v16 =	vld [tilespmem:s0+$0x2080];
	v12 =	vand.u32 $0x1, v15;
	v15 =	vshrl.u32 v0, v7  }
0x175: {  	v13 =	vsub.s32 $0x0, v13;
	v17 =	vld [tilespmem:s0+$0x2090];
	v12 =	vsub.s32 $0x0, v12;
	v15 =	vand.u32 $0x1, v15  }
0x176: {  	v4 =	vor.u32 v9, v4;
	v6 =	vor.u32 v10, v6;
	v18 =	vld [tilespmem:s0+$0x20A0];
	v9 =	vsub.s32 $0x0, v15  }
0x177: {  	v19 =	vor.u32 v11, v5;
	v5 =	vor.u32 v8, v1;
	v10 =	vor.u32 v13, v2;
	[tilespmem:s1+$0x6080] =	vst v4;
	v1 =	vld [tilespmem:s0+$0x20B0]  }
0x178: {  	v15 =	vor.u32 v12, v3;
	v8 =	vor.u32 v9, v7;
	v2 =	vld [tilespmem:s0+$0x20C0];
	v11 =	vshrl.u32 v0, v14;
	[tilespmem:s1+$0x6090] =	vst v6  }
.Ltmp5:
0x179: {  	v13 =	vshrl.u32 v0, v16;
	v3 =	vld [tilespmem:s0+$0x20D0];
	v9 =	vand.u32 $0x1, v11;
	[tilespmem:s1+$0x60A0] =	vst v19;
	v4 =	vmov v16;
	(pc) =	sbr.rel @p0 .LBB2_12-.Ltmp5, $4  }
0x17a: {  	v11 =	vand.u32 $0x1, v13;
	v12 =	vshrl.u32 v0, v17;
	v7 =	vld [tilespmem:s0+$0x20E0];
	v9 =	vsub.s32 $0x0, v9;
	[tilespmem:s1+$0x60B0] =	vst v5;
	v6 =	vmovc v17  }
0x17b: {  	v12 =	vand.u32 $0x1, v12;
	v13 =	vshrl.u32 v0, v18;
	v14 =	vor.u32 v9, v14;
	[tilespmem:s1+$0x60C0] =	vst v10;
	v5 =	vmovc v18  }
0x17c: {  	v9 =	vsub.s32 $0x0, v11;
	v11 =	vand.u32 $0x1, v13;
	v13 =	vshrl.u32 v0, v1;
	[tilespmem:s0+$0x60F0] =	vst v14  }
0x17d: {  	s3 =	sshra.s32 s4, $0x2;
	s4 =	sadd.s32 $0x200, s4;
	v10 =	vsub.s32 $0x0, v12;
	v12 =	vand.u32 $0x1, v13;
	v13 =	vshrl.u32 v0, v2;
	[tilespmem:s1+$0x60D0] =	vst v15  }
0x17e: {  	v14 =	vld [tilespmem:s3+$0x20F0];
	[tilespmem:s1+$0x60E0] =	vst v8  }
0x17f: {  	v8 =	vld [tilespmem:s3+$0x2080]  }
0x180: {  	v4 =	vor.u32 v9, v4;
	v15 =	vld [tilespmem:s3+$0x2090]  }
0x181: {  	v11 =	vsub.s32 $0x0, v11;
	v13 =	vand.u32 $0x1, v13;
	v17 =	vshrl.u32 v0, v3;
	v16 =	vld [tilespmem:s3+$0x20A0]  }
0x182: {  	v6 =	vor.u32 v10, v6;
	v9 =	vld [tilespmem:s3+$0x20B0];
	[tilespmem:s0+$0x6080] =	vst v4;
	v4 =	vsub.s32 $0x0, v12;
	v12 =	vshrl.u32 v0, v7  }
0x183: {  	v17 =	vand.u32 $0x1, v17;
	v13 =	vsub.s32 $0x0, v13;
	v5 =	vor.u32 v11, v5  }
0x184: {  	v10 =	vld [tilespmem:s3+$0x20C0];
	v12 =	vand.u32 $0x1, v12;
	[tilespmem:s0+$0x6090] =	vst v6;
	v6 =	vsub.s32 $0x0, v17;
	v1 =	vor.u32 v4, v1  }
0x185: {  	v2 =	vor.u32 v13, v2;
	v12 =	vsub.s32 $0x0, v12;
	v4 =	vshrl.u32 v0, v14  }
0x186: {  	v11 =	vld [tilespmem:s3+$0x20D0];
	[tilespmem:s0+$0x60A0] =	vst v5;
	v3 =	vor.u32 v6, v3;
	v5 =	vor.u32 v12, v7;
	v4 =	vand.u32 $0x1, v4  }
0x187: {  	v6 =	vld [tilespmem:s3+$0x20E0];
	[tilespmem:s0+$0x60B0] =	vst v1;
	v7 =	vshrl.u32 v0, v8;
	v12 =	vshrl.u32 v0, v15;
	v4 =	vsub.s32 $0x0, v4  }
0x188: {  	[tilespmem:s0+$0x60C0] =	vst v2;
	v2 =	vshrl.u32 v0, v16;
	v1 =	vand.u32 $0x1, v7;
	v4 =	vor.u32 v4, v14  }
0x189: {  	v7 =	vand.u32 $0x1, v12;
	v12 =	vshrl.u32 v0, v9;
	v2 =	vand.u32 $0x1, v2;
	[tilespmem:s3+$0x60F0] =	vst v4  }
0x18a: {  	v1 =	vsub.s32 $0x0, v1;
	v2 =	vsub.s32 $0x0, v2;
	v4 =	vsub.s32 $0x0, v7;
	[tilespmem:s0+$0x60D0] =	vst v3  }
0x18b: {  	v7 =	vand.u32 $0x1, v12;
	v1 =	vor.u32 v1, v8;
	v2 =	vor.u32 v2, v16;
	[tilespmem:s0+$0x60E0] =	vst v5  }
0x18c: {  	v3 =	vshrl.u32 v0, v10;
	v5 =	vshrl.u32 v0, v11;
	v4 =	vor.u32 v4, v15;
	[tilespmem:s3+$0x6080] =	vst v1  }
0x18d: {  	v3 =	vand.u32 $0x1, v3;
	v1 =	vsub.s32 $0x0, v7;
	v5 =	vand.u32 $0x1, v5;
	[tilespmem:s3+$0x6090] =	vst v4  }
0x18e: {  	v4 =	vshrl.u32 v0, v6;
	[tilespmem:s3+$0x60A0] =	vst v2;
	v3 =	vsub.s32 $0x0, v3;
	v1 =	vor.u32 v1, v9  }
0x18f: {  	v2 =	vsub.s32 $0x0, v5;
	v4 =	vand.u32 $0x1, v4;
	v3 =	vor.u32 v3, v10;
	[tilespmem:s3+$0x60B0] =	vst v1  }
0x190: {  	v1 =	vsub.s32 $0x0, v4;
	v2 =	vor.u32 v2, v11;
	[tilespmem:s3+$0x60C0] =	vst v3  }
0x191: {  	v1 =	vor.u32 v1, v6;
	[tilespmem:s3+$0x60D0] =	vst v2  }
0x192: {  	s4 =	simm.s32 $0x0;
	[tilespmem:s3+$0x60E0] =	vst v1  }
0x193: {  	[hbm4b:s16+s4] =	stream.linear.scatter [tilespmem:s28], [sflag:$0x4], $0x2000, $0x38;
	[tilespmem:$0x8080] =	vst v63  }
0x194: {  	_ = 	snop  }
0x195: {  	[tilespmem:s23], [sflag:$0x2] =	stream.linear.gather [hbm4b:s17+s4], $0x2000, $0x38;
	[tilespmem:$0x8080] =	vst v63  }
0x196: {  	_ =	swait.ge [sflag:s24], $0x2000  }
0x197: {  	[sflag:s24] =	ssyncset.done $0x0  }
0x198: {  	[sflag:s24] =	ssyncadd.s32 $0xFFFFE000  }
0x199: {  	_ =	swait.ge [sflag:s29], $0x2000  }
0x19a: {  	[sflag:s29] =	ssyncset.done $0x0  }
0x19b: {  	s1 =	simm.s32 $0x0;
	[sflag:s29] =	ssyncadd.s32 $0xFFFFE000  }
0x19c: {  	v1 =	vld [tilespmem:s1+$0xF0]  }
0x19d: {  	v7 =	vld [tilespmem:s1+$0xA0]  }
0x19e: {  	v8 =	vld [tilespmem:s1+$0xB0]  }
0x19f: {  	v9 =	vld [tilespmem:s1+$0xC0]  }
0x1a0: {  	v10 =	vld [tilespmem:s1+$0xD0]  }
0x1a1: {  	v11 =	vld [tilespmem:s1+$0xE0];
	_ =	sdelay $0x1  }
0x1a2: {  	v2 =	vld [tilespmem:s1+$0x80]  }
0x1a3: {  	v3 =	vld [tilespmem:s1+$0x90];
	v4 =	vshrl.u32 v0, v1;
	v13 =	vshrl.u32 v0, v7  }
0x1a4: {  	v14 =	vshrl.u32 v0, v8;
	v60 =	vshrl.u32 v0, v9;
	v4 =	vand.u32 $0x1, v4  }
0x1a5: {  	v61 =	vshrl.u32 v0, v10;
	v18 =	vshrl.u32 v0, v11;
	v4 =	vsub.s32 $0x0, v4  }
0x1a6: {  	v13 =	vand.u32 $0x1, v13;
	v14 =	vand.u32 $0x1, v14;
	v1 =	vor.u32 v4, v1  }
0x1a7: {  	s0 =	simm.s32 $0x80;
	v16 =	vand.u32 $0x1, v60;
	v17 =	vand.u32 $0x1, v61;
	v63 =	vand.u32 $0x1, v18;
	[tilespmem:s1+$0x40F0] =	vst v1  }
0x1a8: {  	v13 =	vsub.s32 $0x0, v13;
	v4 =	vshrl.u32 v0, v3;
	v1 =	vshrl.u32 v0, v2;
	v12 =	vld [tilespmem:s0+$0xF0]  }
0x1a9: {  	v14 =	vsub.s32 $0x0, v14;
	v5 =	vand.u32 $0x1, v4;
	v1 =	vand.u32 $0x1, v1;
	v4 =	vld [tilespmem:s0+$0x80]  }
0x1aa: {  	v62 =	vsub.s32 $0x0, v17;
	v17 =	vsub.s32 $0x0, v63;
	v6 =	vld [tilespmem:s0+$0x90];
	v1 =	vsub.s32 $0x0, v1  }
0x1ab: {  	v7 =	vor.u32 v13, v7;
	v15 =	vsub.s32 $0x0, v5;
	v5 =	vld [tilespmem:s0+$0xA0];
	v2 =	vor.u32 v1, v2  }
0x1ac: {  	v13 =	vor.u32 v14, v8;
	v3 =	vor.u32 v15, v3;
	v15 =	vsub.s32 $0x0, v16;
	v1 =	vld [tilespmem:s0+$0xB0];
	[tilespmem:s1+$0x4080] =	vst v2  }
0x1ad: {  	v8 =	vor.u32 v17, v11;
	v9 =	vor.u32 v15, v9;
	v2 =	vld [tilespmem:s0+$0xC0];
	[tilespmem:s1+$0x4090] =	vst v3;
	v14 =	vshrl.u32 v0, v12  }
0x1ae: {  	v15 =	vor.u32 v62, v10;
	v3 =	vld [tilespmem:s0+$0xD0];
	[tilespmem:s1+$0x40A0] =	vst v7;
	v10 =	vshrl.u32 v0, v4;
	v11 =	vand.u32 $0x1, v14  }
0x1af: {  	v7 =	vld [tilespmem:s0+$0xE0];
	v10 =	vand.u32 $0x1, v10;
	v14 =	vshrl.u32 v0, v6;
	[tilespmem:s1+$0x40B0] =	vst v13;
	v11 =	vsub.s32 $0x0, v11  }
0x1b0: {  	[tilespmem:s1+$0x40C0] =	vst v9;
	v13 =	vand.u32 $0x1, v14;
	v14 =	vshrl.u32 v0, v5;
	v12 =	vor.u32 v11, v12  }
0x1b1: {  	v9 =	vsub.s32 $0x0, v10;
	v11 =	vand.u32 $0x1, v14;
	v14 =	vshrl.u32 v0, v1;
	[tilespmem:s0+$0x40F0] =	vst v12  }
0x1b2: {  	s3 =	simm.s32 $0x100;
	s4 =	simm.s32 $0x600;
	v10 =	vsub.s32 $0x0, v13;
	v12 =	vand.u32 $0x1, v14;
	v13 =	vshrl.u32 v0, v2;
	[tilespmem:s1+$0x40D0] =	vst v15  }
.LBB2_14:
0x1b3: {  	p0 =	sne.s32 s4, $0x7E00;
	v14 =	vld [tilespmem:s3+$0xF0];
	v11 =	vsub.s32 $0x0, v11;
	v13 =	vand.u32 $0x1, v13;
	v15 =	vshrl.u32 v0, v3;
	[tilespmem:s1+$0x40E0] =	vst v8;
	s1 =	smov.u32 s0;
	s0 =	smov.u32 s3  }
0x1b4: {  	v8 =	vsub.s32 $0x0, v12;
	v16 =	vld [tilespmem:s0+$0x80];
	v12 =	vand.u32 $0x1, v15;
	v15 =	vshrl.u32 v0, v7  }
0x1b5: {  	v13 =	vsub.s32 $0x0, v13;
	v17 =	vld [tilespmem:s0+$0x90];
	v12 =	vsub.s32 $0x0, v12;
	v15 =	vand.u32 $0x1, v15  }
0x1b6: {  	v4 =	vor.u32 v9, v4;
	v6 =	vor.u32 v10, v6;
	v18 =	vld [tilespmem:s0+$0xA0];
	v9 =	vsub.s32 $0x0, v15  }
0x1b7: {  	v19 =	vor.u32 v11, v5;
	v5 =	vor.u32 v8, v1;
	v10 =	vor.u32 v13, v2;
	[tilespmem:s1+$0x4080] =	vst v4;
	v1 =	vld [tilespmem:s0+$0xB0]  }
0x1b8: {  	v15 =	vor.u32 v12, v3;
	v8 =	vor.u32 v9, v7;
	v2 =	vld [tilespmem:s0+$0xC0];
	v11 =	vshrl.u32 v0, v14;
	[tilespmem:s1+$0x4090] =	vst v6  }
.Ltmp6:
0x1b9: {  	v13 =	vshrl.u32 v0, v16;
	v3 =	vld [tilespmem:s0+$0xD0];
	v9 =	vand.u32 $0x1, v11;
	[tilespmem:s1+$0x40A0] =	vst v19;
	v4 =	vmov v16;
	(pc) =	sbr.rel @p0 .LBB2_14-.Ltmp6, $4  }
0x1ba: {  	v11 =	vand.u32 $0x1, v13;
	v12 =	vshrl.u32 v0, v17;
	v7 =	vld [tilespmem:s0+$0xE0];
	v9 =	vsub.s32 $0x0, v9;
	[tilespmem:s1+$0x40B0] =	vst v5;
	v6 =	vmovc v17  }
0x1bb: {  	v12 =	vand.u32 $0x1, v12;
	v13 =	vshrl.u32 v0, v18;
	v14 =	vor.u32 v9, v14;
	[tilespmem:s1+$0x40C0] =	vst v10;
	v5 =	vmovc v18  }
0x1bc: {  	v9 =	vsub.s32 $0x0, v11;
	v11 =	vand.u32 $0x1, v13;
	v13 =	vshrl.u32 v0, v1;
	[tilespmem:s0+$0x40F0] =	vst v14  }
0x1bd: {  	s3 =	sshra.s32 s4, $0x2;
	s4 =	sadd.s32 $0x200, s4;
	v10 =	vsub.s32 $0x0, v12;
	v12 =	vand.u32 $0x1, v13;
	v13 =	vshrl.u32 v0, v2;
	[tilespmem:s1+$0x40D0] =	vst v15  }
0x1be: {  	v14 =	vld [tilespmem:s3+$0xF0];
	[tilespmem:s1+$0x40E0] =	vst v8  }
0x1bf: {  	v8 =	vld [tilespmem:s3+$0x80]  }
0x1c0: {  	v4 =	vor.u32 v9, v4;
	v15 =	vld [tilespmem:s3+$0x90]  }
0x1c1: {  	v11 =	vsub.s32 $0x0, v11;
	v13 =	vand.u32 $0x1, v13;
	v17 =	vshrl.u32 v0, v3;
	v16 =	vld [tilespmem:s3+$0xA0]  }
0x1c2: {  	v6 =	vor.u32 v10, v6;
	v9 =	vld [tilespmem:s3+$0xB0];
	[tilespmem:s0+$0x4080] =	vst v4;
	v4 =	vsub.s32 $0x0, v12;
	v12 =	vshrl.u32 v0, v7  }
0x1c3: {  	v17 =	vand.u32 $0x1, v17;
	v13 =	vsub.s32 $0x0, v13;
	v5 =	vor.u32 v11, v5  }
0x1c4: {  	v10 =	vld [tilespmem:s3+$0xC0];
	v12 =	vand.u32 $0x1, v12;
	[tilespmem:s0+$0x4090] =	vst v6;
	v6 =	vsub.s32 $0x0, v17;
	v1 =	vor.u32 v4, v1  }
0x1c5: {  	v2 =	vor.u32 v13, v2;
	v12 =	vsub.s32 $0x0, v12;
	v4 =	vshrl.u32 v0, v14  }
0x1c6: {  	v11 =	vld [tilespmem:s3+$0xD0];
	[tilespmem:s0+$0x40A0] =	vst v5;
	v3 =	vor.u32 v6, v3;
	v5 =	vor.u32 v12, v7;
	v4 =	vand.u32 $0x1, v4  }
0x1c7: {  	v6 =	vld [tilespmem:s3+$0xE0];
	[tilespmem:s0+$0x40B0] =	vst v1;
	v7 =	vshrl.u32 v0, v8;
	v12 =	vshrl.u32 v0, v15;
	v4 =	vsub.s32 $0x0, v4  }
0x1c8: {  	[tilespmem:s0+$0x40C0] =	vst v2;
	v2 =	vshrl.u32 v0, v16;
	v1 =	vand.u32 $0x1, v7;
	v4 =	vor.u32 v4, v14  }
0x1c9: {  	v7 =	vand.u32 $0x1, v12;
	v12 =	vshrl.u32 v0, v9;
	v2 =	vand.u32 $0x1, v2;
	[tilespmem:s3+$0x40F0] =	vst v4  }
0x1ca: {  	v1 =	vsub.s32 $0x0, v1;
	v2 =	vsub.s32 $0x0, v2;
	v4 =	vsub.s32 $0x0, v7;
	[tilespmem:s0+$0x40D0] =	vst v3  }
0x1cb: {  	v7 =	vand.u32 $0x1, v12;
	v1 =	vor.u32 v1, v8;
	v2 =	vor.u32 v2, v16;
	[tilespmem:s0+$0x40E0] =	vst v5  }
0x1cc: {  	v3 =	vshrl.u32 v0, v10;
	v5 =	vshrl.u32 v0, v11;
	v4 =	vor.u32 v4, v15;
	[tilespmem:s3+$0x4080] =	vst v1  }
0x1cd: {  	v3 =	vand.u32 $0x1, v3;
	v1 =	vsub.s32 $0x0, v7;
	v5 =	vand.u32 $0x1, v5;
	[tilespmem:s3+$0x4090] =	vst v4  }
0x1ce: {  	v4 =	vshrl.u32 v0, v6;
	[tilespmem:s3+$0x40A0] =	vst v2;
	v3 =	vsub.s32 $0x0, v3;
	v1 =	vor.u32 v1, v9  }
0x1cf: {  	v2 =	vsub.s32 $0x0, v5;
	v4 =	vand.u32 $0x1, v4;
	v3 =	vor.u32 v3, v10;
	[tilespmem:s3+$0x40B0] =	vst v1  }
0x1d0: {  	v1 =	vsub.s32 $0x0, v4;
	v2 =	vor.u32 v2, v11;
	[tilespmem:s3+$0x40C0] =	vst v3  }
0x1d1: {  	v1 =	vor.u32 v1, v6;
	[tilespmem:s3+$0x40D0] =	vst v2  }
0x1d2: {  	s4 =	simm.s32 $0x0;
	[tilespmem:s3+$0x40E0] =	vst v1  }
0x1d3: {  	[hbm4b:s18+s4] =	stream.linear.scatter [tilespmem:s25], [sflag:$0x3], $0x2000, $0x38;
	[tilespmem:$0x8080] =	vst v63  }
0x1d4: {  	_ =	swait.ge [sflag:s26], $0x2000  }
0x1d5: {  	[sflag:s26] =	ssyncset.done $0x0  }
0x1d6: {  	[sflag:s26] =	ssyncadd.s32 $0xFFFFE000  }
0x1d7: {  	_ =	swait.ge [sflag:s30], $0x2000  }
0x1d8: {  	[sflag:s30] =	ssyncset.done $0x0  }
0x1d9: {  	s1 =	simm.s32 $0x0;
	[sflag:s30] =	ssyncadd.s32 $0xFFFFE000  }
0x1da: {  	v1 =	vld [tilespmem:s1+$0x20F0]  }
0x1db: {  	v7 =	vld [tilespmem:s1+$0x20A0]  }
0x1dc: {  	v8 =	vld [tilespmem:s1+$0x20B0]  }
0x1dd: {  	v9 =	vld [tilespmem:s1+$0x20C0]  }
0x1de: {  	v10 =	vld [tilespmem:s1+$0x20D0]  }
0x1df: {  	v11 =	vld [tilespmem:s1+$0x20E0];
	_ =	sdelay $0x1  }
0x1e0: {  	v2 =	vld [tilespmem:s1+$0x2080]  }
0x1e1: {  	v3 =	vld [tilespmem:s1+$0x2090];
	v4 =	vshrl.u32 v0, v1;
	v13 =	vshrl.u32 v0, v7  }
0x1e2: {  	v14 =	vshrl.u32 v0, v8;
	v60 =	vshrl.u32 v0, v9;
	v4 =	vand.u32 $0x1, v4  }
0x1e3: {  	v61 =	vshrl.u32 v0, v10;
	v18 =	vshrl.u32 v0, v11;
	v4 =	vsub.s32 $0x0, v4  }
0x1e4: {  	v13 =	vand.u32 $0x1, v13;
	v14 =	vand.u32 $0x1, v14;
	v1 =	vor.u32 v4, v1  }
0x1e5: {  	s0 =	simm.s32 $0x80;
	v16 =	vand.u32 $0x1, v60;
	v17 =	vand.u32 $0x1, v61;
	v63 =	vand.u32 $0x1, v18;
	[tilespmem:s1+$0x60F0] =	vst v1  }
0x1e6: {  	v13 =	vsub.s32 $0x0, v13;
	v4 =	vshrl.u32 v0, v3;
	v1 =	vshrl.u32 v0, v2;
	v12 =	vld [tilespmem:s0+$0x20F0]  }
0x1e7: {  	v14 =	vsub.s32 $0x0, v14;
	v5 =	vand.u32 $0x1, v4;
	v1 =	vand.u32 $0x1, v1;
	v4 =	vld [tilespmem:s0+$0x2080]  }
0x1e8: {  	v62 =	vsub.s32 $0x0, v17;
	v17 =	vsub.s32 $0x0, v63;
	v6 =	vld [tilespmem:s0+$0x2090];
	v1 =	vsub.s32 $0x0, v1  }
0x1e9: {  	v7 =	vor.u32 v13, v7;
	v15 =	vsub.s32 $0x0, v5;
	v5 =	vld [tilespmem:s0+$0x20A0];
	v2 =	vor.u32 v1, v2  }
0x1ea: {  	v13 =	vor.u32 v14, v8;
	v3 =	vor.u32 v15, v3;
	v15 =	vsub.s32 $0x0, v16;
	v1 =	vld [tilespmem:s0+$0x20B0];
	[tilespmem:s1+$0x6080] =	vst v2  }
0x1eb: {  	v8 =	vor.u32 v17, v11;
	v9 =	vor.u32 v15, v9;
	v2 =	vld [tilespmem:s0+$0x20C0];
	[tilespmem:s1+$0x6090] =	vst v3;
	v14 =	vshrl.u32 v0, v12  }
0x1ec: {  	v15 =	vor.u32 v62, v10;
	v3 =	vld [tilespmem:s0+$0x20D0];
	[tilespmem:s1+$0x60A0] =	vst v7;
	v10 =	vshrl.u32 v0, v4;
	v11 =	vand.u32 $0x1, v14  }
0x1ed: {  	v7 =	vld [tilespmem:s0+$0x20E0];
	v10 =	vand.u32 $0x1, v10;
	v14 =	vshrl.u32 v0, v6;
	[tilespmem:s1+$0x60B0] =	vst v13;
	v11 =	vsub.s32 $0x0, v11  }
0x1ee: {  	[tilespmem:s1+$0x60C0] =	vst v9;
	v13 =	vand.u32 $0x1, v14;
	v14 =	vshrl.u32 v0, v5;
	v12 =	vor.u32 v11, v12  }
0x1ef: {  	v9 =	vsub.s32 $0x0, v10;
	v11 =	vand.u32 $0x1, v14;
	v14 =	vshrl.u32 v0, v1;
	[tilespmem:s0+$0x60F0] =	vst v12  }
0x1f0: {  	s3 =	simm.s32 $0x100;
	s4 =	simm.s32 $0x600;
	v10 =	vsub.s32 $0x0, v13;
	v12 =	vand.u32 $0x1, v14;
	v13 =	vshrl.u32 v0, v2;
	[tilespmem:s1+$0x60D0] =	vst v15  }
.LBB2_16:
0x1f1: {  	p0 =	sne.s32 s4, $0x7E00;
	v14 =	vld [tilespmem:s3+$0x20F0];
	v11 =	vsub.s32 $0x0, v11;
	v13 =	vand.u32 $0x1, v13;
	v15 =	vshrl.u32 v0, v3;
	[tilespmem:s1+$0x60E0] =	vst v8;
	s1 =	smov.u32 s0;
	s0 =	smov.u32 s3  }
0x1f2: {  	v8 =	vsub.s32 $0x0, v12;
	v16 =	vld [tilespmem:s0+$0x2080];
	v12 =	vand.u32 $0x1, v15;
	v15 =	vshrl.u32 v0, v7  }
0x1f3: {  	v13 =	vsub.s32 $0x0, v13;
	v17 =	vld [tilespmem:s0+$0x2090];
	v12 =	vsub.s32 $0x0, v12;
	v15 =	vand.u32 $0x1, v15  }
0x1f4: {  	v4 =	vor.u32 v9, v4;
	v6 =	vor.u32 v10, v6;
	v18 =	vld [tilespmem:s0+$0x20A0];
	v9 =	vsub.s32 $0x0, v15  }
0x1f5: {  	v19 =	vor.u32 v11, v5;
	v5 =	vor.u32 v8, v1;
	v10 =	vor.u32 v13, v2;
	[tilespmem:s1+$0x6080] =	vst v4;
	v1 =	vld [tilespmem:s0+$0x20B0]  }
0x1f6: {  	v15 =	vor.u32 v12, v3;
	v8 =	vor.u32 v9, v7;
	v2 =	vld [tilespmem:s0+$0x20C0];
	v11 =	vshrl.u32 v0, v14;
	[tilespmem:s1+$0x6090] =	vst v6  }
.Ltmp7:
0x1f7: {  	v13 =	vshrl.u32 v0, v16;
	v3 =	vld [tilespmem:s0+$0x20D0];
	v9 =	vand.u32 $0x1, v11;
	[tilespmem:s1+$0x60A0] =	vst v19;
	v4 =	vmov v16;
	(pc) =	sbr.rel @p0 .LBB2_16-.Ltmp7, $4  }
0x1f8: {  	v11 =	vand.u32 $0x1, v13;
	v12 =	vshrl.u32 v0, v17;
	v7 =	vld [tilespmem:s0+$0x20E0];
	v9 =	vsub.s32 $0x0, v9;
	[tilespmem:s1+$0x60B0] =	vst v5;
	v6 =	vmovc v17  }
0x1f9: {  	v12 =	vand.u32 $0x1, v12;
	v13 =	vshrl.u32 v0, v18;
	v14 =	vor.u32 v9, v14;
	[tilespmem:s1+$0x60C0] =	vst v10;
	v5 =	vmovc v18  }
0x1fa: {  	v9 =	vsub.s32 $0x0, v11;
	v11 =	vand.u32 $0x1, v13;
	v13 =	vshrl.u32 v0, v1;
	[tilespmem:s0+$0x60F0] =	vst v14  }
0x1fb: {  	s3 =	sshra.s32 s4, $0x2;
	s4 =	sadd.s32 $0x200, s4;
	v10 =	vsub.s32 $0x0, v12;
	v12 =	vand.u32 $0x1, v13;
	v13 =	vshrl.u32 v0, v2;
	[tilespmem:s1+$0x60D0] =	vst v15  }
0x1fc: {  	v14 =	vld [tilespmem:s3+$0x20F0];
	[tilespmem:s1+$0x60E0] =	vst v8  }
0x1fd: {  	v4 =	vor.u32 v9, v4;
	v8 =	vld [tilespmem:s3+$0x2080]  }
0x1fe: {  	v11 =	vsub.s32 $0x0, v11;
	v13 =	vand.u32 $0x1, v13;
	v17 =	vshrl.u32 v0, v3;
	v15 =	vld [tilespmem:s3+$0x2090]  }
0x1ff: {  	v41 =	vsub.s32 $0x0, v12;
	v6 =	vor.u32 v10, v6;
	v16 =	vld [tilespmem:s3+$0x20A0];
	v42 =	vshrl.u32 v0, v7  }
0x200: {  	v40 =	vld [tilespmem:s3+$0x20B0];
	v17 =	vand.u32 $0x1, v17;
	v13 =	vsub.s32 $0x0, v13;
	v5 =	vor.u32 v11, v5  }
0x201: {  	[tilespmem:s0+$0x6080] =	vst v4;
	v1 =	vor.u32 v41, v1;
	v12 =	vand.u32 $0x1, v42;
	v44 =	vsub.s32 $0x0, v17  }
0x202: {  	v43 =	vld [tilespmem:s3+$0x20C0];
	[tilespmem:s0+$0x6090] =	vst v6;
	v2 =	vor.u32 v13, v2;
	v12 =	vsub.s32 $0x0, v12;
	v46 =	vshrl.u32 v0, v14  }
0x203: {  	v45 =	vld [tilespmem:s3+$0x20D0];
	[tilespmem:s0+$0x60A0] =	vst v5;
	v47 =	vor.u32 v44, v3;
	v48 =	vor.u32 v12, v7;
	v4 =	vand.u32 $0x1, v46  }
0x204: {  	v49 =	vld [tilespmem:s3+$0x20E0];
	[tilespmem:s0+$0x60B0] =	vst v1;
	v50 =	vshrl.u32 v0, v8;
	v51 =	vshrl.u32 v0, v15;
	v4 =	vsub.s32 $0x0, v4  }
0x205: {  	[tilespmem:s0+$0x60C0] =	vst v2;
	v54 =	vshrl.u32 v0, v16;
	v55 =	vshrl.u32 v0, v40;
	v4 =	vor.u32 v4, v14  }
0x206: {  	v52 =	vand.u32 $0x1, v50;
	v53 =	vand.u32 $0x1, v51;
	v2 =	vand.u32 $0x1, v54;
	[tilespmem:s3+$0x60F0] =	vst v4  }
0x207: {  	v57 =	vand.u32 $0x1, v55;
	v58 =	vshrl.u32 v0, v43;
	v1 =	vsub.s32 $0x0, v52;
	[tilespmem:s0+$0x60D0] =	vst v47  }
0x208: {  	v56 =	vsub.s32 $0x0, v53;
	v2 =	vsub.s32 $0x0, v2;
	v1 =	vor.u32 v1, v8;
	[tilespmem:s0+$0x60E0] =	vst v48  }
0x209: {  	v3 =	vand.u32 $0x1, v58;
	v59 =	vshrl.u32 v0, v45;
	v4 =	vor.u32 v56, v15;
	[tilespmem:s3+$0x6080] =	vst v1  }
0x20a: {  	v60 =	vsub.s32 $0x0, v57;
	v2 =	vor.u32 v2, v16;
	v3 =	vsub.s32 $0x0, v3;
	[tilespmem:s3+$0x6090] =	vst v4  }
0x20b: {  	v5 =	vand.u32 $0x1, v59;
	v61 =	vshrl.u32 v0, v49;
	v3 =	vor.u32 v3, v43;
	[tilespmem:s3+$0x60A0] =	vst v2  }
0x20c: {  	v62 =	vsub.s32 $0x0, v5;
	v0 =	vand.u32 $0x1, v61;
	v1 =	vor.u32 v60, v40;
	[tilespmem:s3+$0x60C0] =	vst v3  }
0x20d: {  	v0 =	vsub.s32 $0x0, v0;
	v63 =	vor.u32 v62, v45;
	[tilespmem:s3+$0x60B0] =	vst v1  }
0x20e: {  	v0 =	vor.u32 v0, v49;
	[tilespmem:s3+$0x60D0] =	vst v63  }
0x20f: {  	s31 =	sadd.s32 $0x1, s31;
	[tilespmem:s3+$0x60E0] =	vst v0  }
0x210: {  	[hbm4b:s19+s2] =	stream.linear.scatter [tilespmem:s28], [sflag:$0x4], $0x2000, $0x38;
	[tilespmem:$0x8080] =	vst v63  }
0x211: {  	p0 =	sne.s32 s31, s20;
	_ =	swait.ge [sflag:s29], $0x2000  }
.Ltmp8:
0x212: {  	[sflag:s29] =	ssyncset.done $0x0;
	(pc) =	sbr.rel @p0 .LBB2_1-.Ltmp8, $4  }
0x213: {  	[sflag:s29] =	ssyncadd.s32 $0xFFFFE000  }
0x214: {  	_ =	swait.ge [sflag:s30], $0x2000  }
0x215: {  	[sflag:s30] =	ssyncset.done $0x0  }
0x216: {  	[sflag:s30] =	ssyncadd.s32 $0xFFFFE000  }
0x217: {  	_ =	sfence.sel $0x180000  }
0x218: {  	[bflag:$0x0] =	sbarrier.arrive $0xFFFF  }
0x219: {  	_ =	strace $0x90000047  }
0x21a: {  	s0 =	stileid.u32;
	[bflag:$0x2] =	sbarrier.arrive $0xFFFF  }
0x21b: {  	p0 =	sne.s32 s0, $0x0;
	s0 =	rddreg [dreg:$0x2]  }
0x21c: {  	s0 =	sadd.s32 @!p0 $0x100000, s0  }
0x21d: {  	[sflag:s0] =	ssyncadd.tile.s32 @!p0 $0x1;
	_ =	shalt  }
.Lfunc_end2:
_tile_overlayer_lowered:
.L_overlay_start_2:
0x21e: {  	(tag) =	ssettag $0x2  }
0x21f: {  	s0 =	rddreg [dreg:$0x0];
	s2 =	stileid.u32  }
0x220: {  	s1 =	rddreg [dreg:$0x1];
	p0 =	sne.s32 s2, $0x0  }
0x221: {  	s3 =	rddreg [dreg:$0x2];
	[bflag:$0x3] =	sbarrier.arrive $0xFFFF;
	s2 =	simm.s32 @!p0 $0x1C05  }
0x222: {  	[timem:s3], [sflag:s2] =	dma.local @!p0 [hbm:s0], s1  }
0x223: {  	s0 =	simm.s32 @!p0 $0x5  }
0x224: {  	_ =	swait.ge @!p0 [sflag:s0], s1  }
0x225: {  	s1 =	ssub.s32 @!p0 $0x0, s1;
	[sflag:s0] =	ssyncset.done @!p0 $0x0  }
0x226: {  	[sflag:s0] =	ssyncadd.s32 @!p0 s1  }
0x227: {  	[bflag:$0x3] =	sbarrier.arrive $0xFFFF  }
0x228: {  	_ =	shalt  }

</sc_bundles>
